<compile_context>
chip_gen: v7x
topology: tpu7x:2x2x1
jax: 0.10.2.dev20260603
libtpu: 0.0.44.dev20260713+nightly
codegen_flags: <defaults>
</compile_context>

<pallas_src>
import functools

import jax
import jax.numpy as jnp
from jax import lax
from jax.experimental import pallas as pl
from jax.experimental.pallas import tpu as pltpu
from jax.experimental.pallas import tpu_sc as plsc

_N = 10000
_E = 320000
_D = 128
_H = 64
_C = 16
_NI = 10
_A = 1000
_MLP = 64

_NC = 2
_NS = 16
_NW = _NC * _NS
_CHUNK = 128
_NCHUNK = _E // _CHUNK
_STRIPE = 624
_STRIPE_LAST = _N - (_NS - 1) * _STRIPE
_NMASKW = 8


def _embed_body(x_ref, w_ref, b_ref, msg_ref, emb_ref):
    m = jnp.dot(x_ref[...], w_ref[...], preferred_element_type=jnp.float32)
    m = m + b_ref[...]
    msg_ref[...] = m
    emb_ref[...] = jnp.maximum(m, 0.0)


def _embed(x, w, b):
    return pl.pallas_call(
        _embed_body,
        out_shape=(
            jax.ShapeDtypeStruct((_N, _H), jnp.float32),
            jax.ShapeDtypeStruct((_N, _H), jnp.float32),
        ),
    )(x, w, b)


def _edge_body(emb_hbm, edge_hbm, act_hbm, acc_out, deg_out, mask_out,
               src_all, dst_all, rows_v, deg_v, mask_v, acc_sh,
               sem, sem2, sem3):
    c = lax.axis_index("c")
    s = lax.axis_index("s")
    wid = s * _NC + c

    z16 = jnp.zeros((16,), jnp.float32)
    ones16 = jnp.ones((16,), jnp.float32)

    _NJ = 2496 // _NW
    ebase = wid * _NJ * _CHUNK

    idx_src_cp = pltpu.async_copy(
        edge_hbm.at[0, pl.ds(ebase, _NJ * _CHUNK)], src_all, sem2)

    @pl.loop(0, _NJ)
    def _ld(j):
        pltpu.async_copy(edge_hbm.at[1, pl.ds(ebase + j * _CHUNK, _CHUNK)],
                         dst_all.at[j], sem3)

    @pl.loop(0, _CHUNK)
    def _zr(i):
        @pl.loop(0, _H // 16)
        def _zc(j):
            rows_v[0, i, pl.ds(j * 16, 16)] = z16

    base = s * _STRIPE

    @pl.when(s != _NS - 1)
    def _za():
        for k in range(_STRIPE // _CHUNK):
            pltpu.sync_copy(rows_v.at[0],
                            acc_sh.at[pl.ds(base + k * _CHUNK, _CHUNK)])
        rem = _STRIPE % _CHUNK
        pltpu.sync_copy(
            rows_v.at[0, pl.ds(0, rem)],
            acc_sh.at[pl.ds(base + (_STRIPE // _CHUNK) * _CHUNK, rem)])

    @pl.when(s == _NS - 1)
    def _zb():
        lb = (_NS - 1) * _STRIPE
        for k in range(_STRIPE_LAST // _CHUNK):
            pltpu.sync_copy(rows_v.at[0],
                            acc_sh.at[pl.ds(lb + k * _CHUNK, _CHUNK)])

    @pl.loop(0, _N // 16)
    def _zd(i):
        deg_v[pl.ds(i * 16, 16)] = z16

    idx_src_cp.wait()

    @pl.loop(0, _NJ)
    def _ldw(j):
        pltpu.make_async_copy(edge_hbm.at[1, pl.ds(ebase, _CHUNK)],
                              dst_all.at[j], sem3).wait()

    plsc.subcore_barrier()

    _K = 3
    _NG = _NJ // _K
    sem_s = (sem2, sem3)

    def _emb_src(b):
        return emb_hbm

    def _fire_group(p, g):
        for b in range(_K):
            slot = p * _K + b
            pltpu.async_copy(
                _emb_src(b).at[
                    src_all.at[pl.ds((g * _K + b) * _CHUNK, _CHUNK)]],
                rows_v.at[slot], sem)

    def _drain_gathers(p):
        for b in range(_K):
            slot = p * _K + b
            pltpu.make_async_copy(
                _emb_src(b).at[src_all.at[pl.ds(0, _CHUNK)]],
                rows_v.at[slot], sem).wait()

    def _fire_scatters(p, g):
        for b in range(_K):
            slot = p * _K + b
            pltpu.async_copy(rows_v.at[slot],
                             acc_sh.at[dst_all.at[g * _K + b]],
                             sem_s[p], add=True)

    def _deg_group(g):
        for b in range(_K):
            j = g * _K + b
            for q in range(_CHUNK // 16):
                d16 = dst_all[j, pl.ds(q * 16, 16)]
                plsc.addupdate_scatter(deg_v, [d16], ones16)

    def _drain_scatters(p):
        for b in range(_K):
            slot = p * _K + b
            pltpu.make_async_copy(rows_v.at[slot],
                                  acc_sh.at[dst_all.at[0]],
                                  sem_s[p]).wait()

    _fire_group(0, 0)

    @pl.loop(0, _NG // 2)
    def _edge(gp):
        _drain_gathers(0)
        _fire_scatters(0, 2 * gp)
        _deg_group(2 * gp)

        @pl.when(gp > 0)
        def _ds1():
            _drain_scatters(1)

        _fire_group(1, 2 * gp + 1)
        _drain_gathers(1)
        _fire_scatters(1, 2 * gp + 1)
        _deg_group(2 * gp + 1)
        _drain_scatters(0)

        @pl.when(gp < _NG // 2 - 1)
        def _fg0():
            _fire_group(0, 2 * gp + 2)

    _drain_scatters(1)

    @pl.when(wid < _NCHUNK - _NJ * _NW)
    def _leftover():
        off = (_NJ * _NW + wid) * _CHUNK
        pltpu.sync_copy(edge_hbm.at[0, pl.ds(off, _CHUNK)],
                        src_all.at[pl.ds(0, _CHUNK)])
        pltpu.sync_copy(edge_hbm.at[1, pl.ds(off, _CHUNK)], dst_all.at[0])
        pltpu.async_copy(emb_hbm.at[src_all.at[pl.ds(0, _CHUNK)]],
                         rows_v.at[0], sem).wait()
        pltpu.sync_copy(rows_v.at[0], acc_sh.at[dst_all.at[0]], add=True)
        for q in range(_CHUNK // 16):
            d16 = dst_all[0, pl.ds(q * 16, 16)]
            plsc.addupdate_scatter(deg_v, [d16], ones16)

    @pl.when(wid < _NMASKW)
    def _mask():
        @pl.loop(0, _N // 16)
        def _zm(i):
            mask_v[pl.ds(i * 16, 16)] = z16

        a_off = jnp.where(wid == _NMASKW - 1, _A - _CHUNK, wid * _CHUNK)
        pltpu.sync_copy(act_hbm.at[pl.ds(a_off, _CHUNK)], dst_all.at[0])
        for q in range(_CHUNK // 16):
            a16 = dst_all[0, pl.ds(q * 16, 16)]
            plsc.addupdate_scatter(mask_v, [a16], ones16)
        pltpu.sync_copy(mask_v, mask_out.at[wid])

    pltpu.sync_copy(deg_v, deg_out.at[wid, 0])

    plsc.subcore_barrier()

    @pl.when(s != _NS - 1)
    def _ca():
        for k in range(_STRIPE // _CHUNK):
            o = base + k * _CHUNK
            pltpu.sync_copy(acc_sh.at[pl.ds(o, _CHUNK)], rows_v.at[0])
            pltpu.sync_copy(rows_v.at[0], acc_out.at[c, pl.ds(o, _CHUNK)])
        rem = _STRIPE % _CHUNK
        o = base + (_STRIPE // _CHUNK) * _CHUNK
        pltpu.sync_copy(acc_sh.at[pl.ds(o, rem)], rows_v.at[0, pl.ds(0, rem)])
        pltpu.sync_copy(rows_v.at[0, pl.ds(0, rem)],
                        acc_out.at[c, pl.ds(o, rem)])

    @pl.when(s == _NS - 1)
    def _cb():
        lb = (_NS - 1) * _STRIPE
        for k in range(_STRIPE_LAST // _CHUNK):
            o = lb + k * _CHUNK
            pltpu.sync_copy(acc_sh.at[pl.ds(o, _CHUNK)], rows_v.at[0])
            pltpu.sync_copy(rows_v.at[0], acc_out.at[c, pl.ds(o, _CHUNK)])


def _edge_kernel_fn():
    mesh = plsc.VectorSubcoreMesh(core_axis_name="c", subcore_axis_name="s",
                                  num_cores=_NC, num_subcores=_NS)

    return pl.kernel(
        _edge_body,
        out_type=(
            jax.ShapeDtypeStruct((_NC, _N, _H), jnp.float32),
            jax.ShapeDtypeStruct((_NW, 1, _N), jnp.float32),
            jax.ShapeDtypeStruct((_NMASKW, _N), jnp.float32),
        ),
        mesh=mesh,
        compiler_params=pltpu.CompilerParams(needs_layout_passes=False,
                                             use_tc_tiling_on_sc=False),
        scratch_types=(
            pltpu.VMEM((2496 // _NW * _CHUNK,), jnp.int32),
            pltpu.VMEM((2496 // _NW, _CHUNK), jnp.int32),
            pltpu.VMEM((6, _CHUNK, _H), jnp.float32),
            pltpu.VMEM((_N,), jnp.float32),
            pltpu.VMEM((_N,), jnp.float32),
            pltpu.VMEM_SHARED((_N, _H), jnp.float32),
            pltpu.SemaphoreType.DMA,
            pltpu.SemaphoreType.DMA,
            pltpu.SemaphoreType.DMA,
        ),
    )


def _final_body(labels_ref, acc_ref, degp_ref, mask_ref, msg_ref,
                convw_ref, convb_ref, le1w_ref, le1b_ref, le2w_ref, le2b_ref,
                l1w_ref, l1b_ref, loutw_ref, loutb_ref, out_ref):
    f32 = jnp.float32
    accs = acc_ref[0] + acc_ref[1]
    deg = lax.dot_general(degp_ref[...], jnp.ones((_NW, 1), f32),
                          (((0,), (0,)), ((), ())),
                          preferred_element_type=f32)
    deg = jnp.maximum(deg, 1.0)
    n2npool = accs / deg
    node_linear = jnp.dot(n2npool, convw_ref[...], preferred_element_type=f32)
    ne2 = jnp.maximum(node_linear + convb_ref[...] + msg_ref[...], 0.0)

    graph = jnp.sum(ne2, axis=0, keepdims=True) * (1.0 / _N)

    col = lax.broadcasted_iota(jnp.int32, (1, _C * _NI), 1)
    oh = jnp.zeros((1, _C * _NI), f32)
    for i in range(_NI):
        oh = oh + (col == (i * _C + labels_ref[i])).astype(f32)
    h1 = jnp.dot(oh, le1w_ref[...], preferred_element_type=f32) + le1b_ref[...]
    h1 = jnp.maximum(h1, 0.0)
    lemb = jnp.dot(h1, le2w_ref[...], preferred_element_type=f32) + le2b_ref[...]
    lemb = jnp.maximum(lemb, 0.0)

    base = (jnp.dot(graph, l1w_ref[0:_H, :], preferred_element_type=f32)
            + jnp.dot(lemb, l1w_ref[_H:2 * _H, :], preferred_element_type=f32)
            + l1b_ref[...])
    z = jnp.dot(ne2, l1w_ref[2 * _H:3 * _H, :], preferred_element_type=f32)
    hid = jnp.maximum(z + base, 0.0)
    scores = (jnp.dot(hid, loutw_ref[...], preferred_element_type=f32)
              + loutb_ref[...])

    maskc = lax.dot_general(mask_ref[...], jnp.ones((_NMASKW, 1), f32),
                            (((0,), (0,)), ((), ())),
                            preferred_element_type=f32)
    pred = jnp.max(jnp.where(maskc > 0.0, scores, -jnp.inf))
    out_ref[...] = pred.reshape(1, 1)


def _final(labels, acc, degp, maskr, msg, convw, convb, le1w, le1b, le2w,
           le2b, l1w, l1b, loutw, loutb):
    specs = [pl.BlockSpec(memory_space=pltpu.SMEM)] + [
        pl.BlockSpec(memory_space=pltpu.VMEM) for _ in range(14)
    ]
    return pl.pallas_call(
        _final_body,
        in_specs=specs,
        out_shape=jax.ShapeDtypeStruct((1, 1), jnp.float32),
    )(labels, acc, degp, maskr, msg, convw, convb, le1w, le1b, le2w, le2b,
      l1w, l1b, loutw, loutb)


def kernel(x, edge_index, labels, actions, w_n2l, bias_n2l, conv_w, conv_b,
           le1_w, le1_b, le2_w, le2_b, l1_w, l1_b, lout_w, lout_b):
    msg, emb = _embed(x, w_n2l, bias_n2l.reshape(1, _H))
    acc, degp, maskr = _edge_kernel_fn()(emb, edge_index, actions)
    degp = degp.reshape(_NW, _N)
    pred = _final(labels, acc, degp, maskr, msg,
                  conv_w, conv_b.reshape(1, _H),
                  le1_w, le1_b.reshape(1, _MLP),
                  le2_w, le2_b.reshape(1, _H),
                  l1_w, l1_b.reshape(1, _MLP),
                  lout_w, lout_b.reshape(1, 1))
    return pred.reshape(())

# --- scband reference (transcript-rebuilt; emitter-appended) ---
"""Pipeline reference for scband-qnet-node-68848325754965 (READ-ONLY COPY).

The authoritative reference and input builder live on the scoring server;
editing this copy changes nothing except your own understanding.
"""

import jax, jax.numpy as jnp
import numpy as np

N = 10000
E = 320000
D = 128
H = 64
C = 16
NI = 10
A = 1000
MLP = 64
MAX_LV = 1

def _glorot(key, shape):
    fan_in, fan_out = shape
    lim = np.sqrt(6.0 / (fan_in + fan_out))
    return jax.random.uniform(key, shape, jnp.float32, -lim, lim)

def setup_inputs(seed: int = 0):
    key = jax.random.key(seed)
    ks = jax.random.split(key, 20)
    x = jax.random.normal(ks[0], (N, D), dtype=jnp.float32)
    edge_index = jax.random.randint(ks[1], (2, E), 0, N)
    labels = jax.random.randint(ks[2], (NI,), 0, C)
    actions = jax.random.randint(ks[3], (A,), 0, N)
    w_n2l = _glorot(ks[4], (D, H))
    lim_b = np.sqrt(6.0 / (2 * H))
    bias_n2l = jax.random.uniform(ks[5], (H,), jnp.float32, -lim_b, lim_b)
    conv_w = _glorot(ks[6], (H, H))
    conv_b = jnp.zeros((H,), jnp.float32)
    le1_w = _glorot(ks[7], (C * NI, MLP))
    le1_b = jnp.zeros((MLP,), jnp.float32)
    le2_w = _glorot(ks[8], (MLP, H))
    le2_b = jnp.zeros((H,), jnp.float32)
    l1_w = _glorot(ks[9], (3 * H, MLP))
    l1_b = jnp.zeros((MLP,), jnp.float32)
    lout_w = _glorot(ks[10], (MLP, 1))
    lout_b = jnp.zeros((1,), jnp.float32)
    return {"x": x, "edge_index": edge_index, "labels": labels, "actions": actions,
            "w_n2l": w_n2l, "bias_n2l": bias_n2l, "conv_w": conv_w, "conv_b": conv_b,
            "le1_w": le1_w, "le1_b": le1_b, "le2_w": le2_w, "le2_b": le2_b,
            "l1_w": l1_w, "l1_b": l1_b, "lout_w": lout_w, "lout_b": lout_b}

def reference(x, edge_index, labels, actions, w_n2l, bias_n2l, conv_w, conv_b,
              le1_w, le1_b, le2_w, le2_b, l1_w, l1_b, lout_w, lout_b):
    src = edge_index[0]
    dst = edge_index[1]
    # mean_field normalized adjacency aggregation (row-normalized spmm)
    deg = jax.ops.segment_sum(jnp.ones((E,), jnp.float32), dst, num_segments=N)
    deg = jnp.clip(deg, 1.0, None)
    # get_graph_embedding
    input_message = x @ w_n2l + bias_n2l
    node_embed = jax.nn.relu(input_message)
    for _ in range(MAX_LV):
        msg = node_embed[src]
        n2npool = jax.ops.segment_sum(msg, dst, num_segments=N) / deg[:, None]
        node_linear = n2npool @ conv_w + conv_b
        node_embed = jax.nn.relu(node_linear + input_message)
    graph_embed = jnp.mean(node_embed, axis=0, keepdims=True)
    # get_label_embedding
    onehot = jax.nn.one_hot(labels, C, dtype=jnp.float32).reshape(1, -1)
    h1 = jax.nn.relu(onehot @ le1_w + le1_b)
    label_embed = jax.nn.relu(h1 @ le2_w + le2_b)
    # time_t != 2 path: action embedding = node_embed gather
    action_embed = node_embed[actions]
    embed_s = jnp.concatenate([graph_embed, label_embed], axis=1)
    embed_s = jnp.repeat(embed_s, action_embed.shape[0], axis=0)
    embed_s_a = jnp.concatenate([embed_s, action_embed], axis=1)
    hid = jax.nn.relu(embed_s_a @ l1_w + l1_b)
    raw_pred = hid @ lout_w + lout_b
    pred = jnp.max(raw_pred)
    return pred

if __name__ == "__main__":
    import jax
    _d = setup_inputs()
    print(jax.jit(kernel)(*tuple(_d.values())))

</pallas_src>

<mosaic_0001>
#map = affine_map<(d0, d1) -> (0, 0)>
#map1 = affine_map<(d0, d1) -> (0)>
#map2 = affine_map<(d0, d1) -> (0, 0, 0)>
module attributes {stable_mosaic.version = 14 : i64} {
  func.func @_edge_body(%arg0: i32, %arg1: i32, %arg2: memref<10000x64xf32, #tpu.memory_space<hbm>>, %arg3: memref<2x320000xi32, #tpu.memory_space<hbm>>, %arg4: memref<1000xi32, #tpu.memory_space<hbm>>, %arg5: memref<2x10000x64xf32, #tpu.memory_space<hbm>>, %arg6: memref<32x1x10000xf32, #tpu.memory_space<hbm>>, %arg7: memref<8x10000xf32, #tpu.memory_space<hbm>>, %arg8: memref<9984xi32, #tpu.memory_space<vmem>>, %arg9: memref<78x128xi32, #tpu.memory_space<vmem>>, %arg10: memref<6x128x64xf32, #tpu.memory_space<vmem>>, %arg11: memref<10000xf32, #tpu.memory_space<vmem>>, %arg12: memref<10000xf32, #tpu.memory_space<vmem>>, %arg13: memref<10000x64xf32, #tpu.memory_space<vmem_shared>>, %arg14: memref<!tpu.dma_semaphore, #tpu.memory_space<semaphore_mem>>, %arg15: memref<!tpu.dma_semaphore, #tpu.memory_space<semaphore_mem>>, %arg16: memref<!tpu.dma_semaphore, #tpu.memory_space<semaphore_mem>>) attributes {dimension_semantics = [#tpu.dimension_semantics<core_parallel>, #tpu.dimension_semantics<subcore_parallel>], iteration_bounds = array<i64: 2, 16>, scalar_prefetch = 0 : i64, scratch_operands = 9 : i64, tpu.core_type = #tpu.core_type<sc_vector_subcore>, window_params = [{transform_indices = #map}, {transform_indices = #map}, {transform_indices = #map1}, {transform_indices = #map2}, {transform_indices = #map2}, {transform_indices = #map}]} {
    %mul3A = arith.constant 2 : i32
    %mul3A_0 = arith.muli %arg1, %mul3A : i32
    %add3A = arith.addi %mul3A_0, %arg0 : i32
    %broadcast_in_dim3A = arith.constant 0.000000e+00 : f32
    %broadcast_in_dim3A_1 = vector.broadcast %broadcast_in_dim3A : f32 to vector<16xf32>
    %broadcast_in_dim3A_2 = arith.constant 1.000000e+00 : f32
    %broadcast_in_dim3A_3 = vector.broadcast %broadcast_in_dim3A_2 : f32 to vector<16xf32>
    %mul3A_4 = arith.constant 78 : i32
    %mul3A_5 = arith.muli %add3A, %mul3A_4 : i32
    %mul3A_6 = arith.constant 128 : i32
    %mul3A_7 = arith.muli %mul3A_5, %mul3A_6 : i32
    %dma_start3A = arith.constant 0 : i32
    %dma_start3A_8 = tpu.memref_slice %arg3[%dma_start3A, %mul3A_7] : memref<2x320000xi32, #tpu.memory_space<hbm>> -> memref<1x9984xi32, #tpu.memory_space<hbm>>
    %dma_start3A_9 = tpu.memref_squeeze %dma_start3A_8 : memref<1x9984xi32, #tpu.memory_space<hbm>> -> memref<9984xi32, #tpu.memory_space<hbm>>
    %dma_start3A_10 = tpu.memref_slice %arg3[%dma_start3A, %mul3A_7] : memref<2x320000xi32, #tpu.memory_space<hbm>> -> memref<1x9984xi32, #tpu.memory_space<hbm>>
    %dma_start3A_11 = tpu.memref_squeeze %dma_start3A_10 : memref<1x9984xi32, #tpu.memory_space<hbm>> -> memref<9984xi32, #tpu.memory_space<hbm>>
    tpu.enqueue_dma source(%dma_start3A_11 : memref<9984xi32, #tpu.memory_space<hbm>>) target(%arg8 : memref<9984xi32, #tpu.memory_space<vmem>>) target_semaphore(%arg15 : memref<!tpu.dma_semaphore, #tpu.memory_space<semaphore_mem>>)
    %scan3A = arith.constant 0 : i32
    %scan3A_12 = arith.constant 78 : i32
    %scan3A_13 = arith.addi %scan3A, %scan3A_12 : i32
    %scan3A_14 = arith.constant 1 : i32
    scf.for %scan3A_134 = %scan3A to %scan3A_13 step %scan3A_14  : i32 {
      %mul3A_135 = arith.constant 1 : i32
      %mul3A_136 = arith.muli %scan3A_134, %mul3A_135 : i32
      %add3A_137 = arith.constant 0 : i32
      %add3A_138 = arith.addi %add3A_137, %mul3A_136 : i32
      %mul3A_139 = arith.constant 128 : i32
      %mul3A_140 = arith.muli %add3A_138, %mul3A_139 : i32
      %add3A_141 = arith.addi %mul3A_7, %mul3A_140 : i32
      %dma_start3A_142 = arith.constant 1 : i32
      %dma_start3A_143 = arith.constant 0 : i32
      %dma_start3A_144 = tpu.memref_slice %arg9[%add3A_138, %dma_start3A_143] : memref<78x128xi32, #tpu.memory_space<vmem>> -> memref<1x128xi32, #tpu.memory_space<vmem>>
      %dma_start3A_145 = tpu.memref_squeeze %dma_start3A_144 : memref<1x128xi32, #tpu.memory_space<vmem>> -> memref<128xi32, #tpu.memory_space<vmem>>
      %dma_start3A_146 = tpu.memref_slice %arg3[%dma_start3A_142, %add3A_141] : memref<2x320000xi32, #tpu.memory_space<hbm>> -> memref<1x128xi32, #tpu.memory_space<hbm>>
      %dma_start3A_147 = tpu.memref_squeeze %dma_start3A_146 : memref<1x128xi32, #tpu.memory_space<hbm>> -> memref<128xi32, #tpu.memory_space<hbm>>
      %dma_start3A_148 = arith.constant 0 : i32
      %dma_start3A_149 = tpu.memref_slice %arg9[%add3A_138, %dma_start3A_148] : memref<78x128xi32, #tpu.memory_space<vmem>> -> memref<1x128xi32, #tpu.memory_space<vmem>>
      %dma_start3A_150 = tpu.memref_squeeze %dma_start3A_149 : memref<1x128xi32, #tpu.memory_space<vmem>> -> memref<128xi32, #tpu.memory_space<vmem>>
      %dma_start3A_151 = tpu.memref_slice %arg3[%dma_start3A_142, %add3A_141] : memref<2x320000xi32, #tpu.memory_space<hbm>> -> memref<1x128xi32, #tpu.memory_space<hbm>>
      %dma_start3A_152 = tpu.memref_squeeze %dma_start3A_151 : memref<1x128xi32, #tpu.memory_space<hbm>> -> memref<128xi32, #tpu.memory_space<hbm>>
      tpu.enqueue_dma source(%dma_start3A_152 : memref<128xi32, #tpu.memory_space<hbm>>) target(%dma_start3A_150 : memref<128xi32, #tpu.memory_space<vmem>>) target_semaphore(%arg16 : memref<!tpu.dma_semaphore, #tpu.memory_space<semaphore_mem>>)
    }
    %scan3A_15 = arith.constant 78 : i32
    %scan3A_16 = arith.constant 0 : i32
    %scan3A_17 = arith.constant 128 : i32
    %scan3A_18 = arith.addi %scan3A_16, %scan3A_17 : i32
    %scan3A_19 = arith.constant 1 : i32
    scf.for %scan3A_134 = %scan3A_16 to %scan3A_18 step %scan3A_19  : i32 {
      %mul3A_135 = arith.constant 1 : i32
      %mul3A_136 = arith.muli %scan3A_134, %mul3A_135 : i32
      %add3A_137 = arith.constant 0 : i32
      %add3A_138 = arith.addi %add3A_137, %mul3A_136 : i32
      %scan3A_139 = arith.constant 0 : i32
      %scan3A_140 = arith.constant 4 : i32
      %scan3A_141 = arith.addi %scan3A_139, %scan3A_140 : i32
      %scan3A_142 = arith.constant 1 : i32
      scf.for %scan3A_144 = %scan3A_139 to %scan3A_141 step %scan3A_142  : i32 {
        %mul3A_145 = arith.constant 1 : i32
        %mul3A_146 = arith.muli %scan3A_144, %mul3A_145 : i32
        %add3A_147 = arith.constant 0 : i32
        %add3A_148 = arith.addi %add3A_147, %mul3A_146 : i32
        %mul3A_149 = arith.constant 16 : i32
        %mul3A_150 = arith.muli %add3A_148, %mul3A_149 : i32
        %swap3A = arith.constant 0 : i32
        %swap3A_151 = arith.index_cast %swap3A : i32 to index
        %swap3A_152 = arith.index_cast %add3A_138 : i32 to index
        %swap3A_153 = arith.index_cast %mul3A_150 : i32 to index
        %swap3A_154 = tpu.vector_load %arg10[%swap3A_151, %swap3A_152, %swap3A_153] {strides = array<i32>} : memref<6x128x64xf32, #tpu.memory_space<vmem>>, vector<16xf32>,
        tpu.vector_store %arg10[%swap3A_151, %swap3A_152, %swap3A_153], %broadcast_in_dim3A_1 {strides = array<i32>} : memref<6x128x64xf32, #tpu.memory_space<vmem>>, vector<16xf32>,
      }
      %scan3A_143 = arith.constant 4 : i32
    }
    %scan3A_20 = arith.constant 128 : i32
    %mul3A_21 = arith.constant 624 : i32
    %mul3A_22 = arith.muli %arg1, %mul3A_21 : i32
    %ne3A = arith.constant 15 : i32
    %ne3A_23 = arith.cmpi ne, %arg1, %ne3A : i32
    %convert_element_type3A = arith.extui %ne3A_23 : i1 to i32
    %cond3A = arith.constant 0 : i32
    %cond3A_24 = arith.cmpi ne, %convert_element_type3A, %cond3A : i32
    scf.if %cond3A_24 {
      %add3A_134 = arith.constant 0 : i32
      %add3A_135 = arith.addi %mul3A_22, %add3A_134 : i32
      %run_scoped3A_136 = arith.constant 0 : i32
      "tpu.region"() ({
        %run_scoped3A_149 = tpu.sem_alloc : memref<!tpu.dma_semaphore, #tpu.memory_space<semaphore_mem>>
        %dma_start3A_150 = arith.constant 0 : i32
        %dma_start3A_151 = arith.constant 0 : i32
        %dma_start3A_152 = tpu.memref_slice %arg10[%run_scoped3A_136, %dma_start3A_150, %dma_start3A_151] : memref<6x128x64xf32, #tpu.memory_space<vmem>> -> memref<1x128x64xf32, #tpu.memory_space<vmem>>
        %dma_start3A_153 = tpu.memref_squeeze %dma_start3A_152 : memref<1x128x64xf32, #tpu.memory_space<vmem>> -> memref<128x64xf32, #tpu.memory_space<vmem>>
        %dma_start3A_154 = arith.constant 0 : i32
        %dma_start3A_155 = tpu.memref_slice %arg13[%add3A_135, %dma_start3A_154] : memref<10000x64xf32, #tpu.memory_space<vmem_shared>> -> memref<128x64xf32, #tpu.memory_space<vmem_shared>>
        %dma_start3A_156 = arith.constant 0 : i32
        %dma_start3A_157 = tpu.memref_slice %arg13[%add3A_135, %dma_start3A_156] : memref<10000x64xf32, #tpu.memory_space<vmem_shared>> -> memref<128x64xf32, #tpu.memory_space<vmem_shared>>
        %dma_start3A_158 = arith.constant 0 : i32
        %dma_start3A_159 = arith.constant 0 : i32
        %dma_start3A_160 = tpu.memref_slice %arg10[%run_scoped3A_136, %dma_start3A_158, %dma_start3A_159] : memref<6x128x64xf32, #tpu.memory_space<vmem>> -> memref<1x128x64xf32, #tpu.memory_space<vmem>>
        %dma_start3A_161 = tpu.memref_squeeze %dma_start3A_160 : memref<1x128x64xf32, #tpu.memory_space<vmem>> -> memref<128x64xf32, #tpu.memory_space<vmem>>
        tpu.enqueue_dma source(%dma_start3A_161 : memref<128x64xf32, #tpu.memory_space<vmem>>) target(%dma_start3A_157 : memref<128x64xf32, #tpu.memory_space<vmem_shared>>) target_semaphore(%run_scoped3A_149 : memref<!tpu.dma_semaphore, #tpu.memory_space<semaphore_mem>>)
        %dma_wait3A_162 = arith.constant 0 : i32
        %dma_wait3A_163 = arith.constant 0 : i32
        %dma_wait3A_164 = tpu.memref_slice %arg10[%run_scoped3A_136, %dma_wait3A_162, %dma_wait3A_163] : memref<6x128x64xf32, #tpu.memory_space<vmem>> -> memref<1x128x64xf32, #tpu.memory_space<vmem>>
        %dma_wait3A_165 = tpu.memref_squeeze %dma_wait3A_164 : memref<1x128x64xf32, #tpu.memory_space<vmem>> -> memref<128x64xf32, #tpu.memory_space<vmem>>
        %dma_wait3A_166 = arith.constant 0 : i32
        %dma_wait3A_167 = tpu.memref_slice %arg13[%add3A_135, %dma_wait3A_166] : memref<10000x64xf32, #tpu.memory_space<vmem_shared>> -> memref<128x64xf32, #tpu.memory_space<vmem_shared>>
        %dma_wait3A_168 = arith.constant 0 : i32
        %dma_wait3A_169 = tpu.memref_slice %arg13[%add3A_135, %dma_wait3A_168] : memref<10000x64xf32, #tpu.memory_space<vmem_shared>> -> memref<128x64xf32, #tpu.memory_space<vmem_shared>>
        %dma_wait3A_170 = arith.constant 0 : i32
        %dma_wait3A_171 = arith.constant 0 : i32
        %dma_wait3A_172 = tpu.memref_slice %arg10[%run_scoped3A_136, %dma_wait3A_170, %dma_wait3A_171] : memref<6x128x64xf32, #tpu.memory_space<vmem>> -> memref<1x128x64xf32, #tpu.memory_space<vmem>>
        %dma_wait3A_173 = tpu.memref_squeeze %dma_wait3A_172 : memref<1x128x64xf32, #tpu.memory_space<vmem>> -> memref<128x64xf32, #tpu.memory_space<vmem>>
        tpu.wait_dma2 semaphore(%run_scoped3A_149 : memref<!tpu.dma_semaphore, #tpu.memory_space<semaphore_mem>>) src(%dma_wait3A_173 : memref<128x64xf32, #tpu.memory_space<vmem>>) dst(%dma_wait3A_169 : memref<128x64xf32, #tpu.memory_space<vmem_shared>>)
        tpu.yield
      }) : () -> ()
      %add3A_137 = arith.constant 128 : i32
      %add3A_138 = arith.addi %mul3A_22, %add3A_137 : i32
      %run_scoped3A_139 = arith.constant 0 : i32
      "tpu.region"() ({
        %run_scoped3A_149 = tpu.sem_alloc : memref<!tpu.dma_semaphore, #tpu.memory_space<semaphore_mem>>
        %dma_start3A_150 = arith.constant 0 : i32
        %dma_start3A_151 = arith.constant 0 : i32
        %dma_start3A_152 = tpu.memref_slice %arg10[%run_scoped3A_139, %dma_start3A_150, %dma_start3A_151] : memref<6x128x64xf32, #tpu.memory_space<vmem>> -> memref<1x128x64xf32, #tpu.memory_space<vmem>>
        %dma_start3A_153 = tpu.memref_squeeze %dma_start3A_152 : memref<1x128x64xf32, #tpu.memory_space<vmem>> -> memref<128x64xf32, #tpu.memory_space<vmem>>
        %dma_start3A_154 = arith.constant 0 : i32
        %dma_start3A_155 = tpu.memref_slice %arg13[%add3A_138, %dma_start3A_154] : memref<10000x64xf32, #tpu.memory_space<vmem_shared>> -> memref<128x64xf32, #tpu.memory_space<vmem_shared>>
        %dma_start3A_156 = arith.constant 0 : i32
        %dma_start3A_157 = tpu.memref_slice %arg13[%add3A_138, %dma_start3A_156] : memref<10000x64xf32, #tpu.memory_space<vmem_shared>> -> memref<128x64xf32, #tpu.memory_space<vmem_shared>>
        %dma_start3A_158 = arith.constant 0 : i32
        %dma_start3A_159 = arith.constant 0 : i32
        %dma_start3A_160 = tpu.memref_slice %arg10[%run_scoped3A_139, %dma_start3A_158, %dma_start3A_159] : memref<6x128x64xf32, #tpu.memory_space<vmem>> -> memref<1x128x64xf32, #tpu.memory_space<vmem>>
        %dma_start3A_161 = tpu.memref_squeeze %dma_start3A_160 : memref<1x128x64xf32, #tpu.memory_space<vmem>> -> memref<128x64xf32, #tpu.memory_space<vmem>>
        tpu.enqueue_dma source(%dma_start3A_161 : memref<128x64xf32, #tpu.memory_space<vmem>>) target(%dma_start3A_157 : memref<128x64xf32, #tpu.memory_space<vmem_shared>>) target_semaphore(%run_scoped3A_149 : memref<!tpu.dma_semaphore, #tpu.memory_space<semaphore_mem>>)
        %dma_wait3A_162 = arith.constant 0 : i32
        %dma_wait3A_163 = arith.constant 0 : i32
        %dma_wait3A_164 = tpu.memref_slice %arg10[%run_scoped3A_139, %dma_wait3A_162, %dma_wait3A_163] : memref<6x128x64xf32, #tpu.memory_space<vmem>> -> memref<1x128x64xf32, #tpu.memory_space<vmem>>
        %dma_wait3A_165 = tpu.memref_squeeze %dma_wait3A_164 : memref<1x128x64xf32, #tpu.memory_space<vmem>> -> memref<128x64xf32, #tpu.memory_space<vmem>>
        %dma_wait3A_166 = arith.constant 0 : i32
        %dma_wait3A_167 = tpu.memref_slice %arg13[%add3A_138, %dma_wait3A_166] : memref<10000x64xf32, #tpu.memory_space<vmem_shared>> -> memref<128x64xf32, #tpu.memory_space<vmem_shared>>
        %dma_wait3A_168 = arith.constant 0 : i32
        %dma_wait3A_169 = tpu.memref_slice %arg13[%add3A_138, %dma_wait3A_168] : memref<10000x64xf32, #tpu.memory_space<vmem_shared>> -> memref<128x64xf32, #tpu.memory_space<vmem_shared>>
        %dma_wait3A_170 = arith.constant 0 : i32
        %dma_wait3A_171 = arith.constant 0 : i32
        %dma_wait3A_172 = tpu.memref_slice %arg10[%run_scoped3A_139, %dma_wait3A_170, %dma_wait3A_171] : memref<6x128x64xf32, #tpu.memory_space<vmem>> -> memref<1x128x64xf32, #tpu.memory_space<vmem>>
        %dma_wait3A_173 = tpu.memref_squeeze %dma_wait3A_172 : memref<1x128x64xf32, #tpu.memory_space<vmem>> -> memref<128x64xf32, #tpu.memory_space<vmem>>
        tpu.wait_dma2 semaphore(%run_scoped3A_149 : memref<!tpu.dma_semaphore, #tpu.memory_space<semaphore_mem>>) src(%dma_wait3A_173 : memref<128x64xf32, #tpu.memory_space<vmem>>) dst(%dma_wait3A_169 : memref<128x64xf32, #tpu.memory_space<vmem_shared>>)
        tpu.yield
      }) : () -> ()
      %add3A_140 = arith.constant 256 : i32
      %add3A_141 = arith.addi %mul3A_22, %add3A_140 : i32
      %run_scoped3A_142 = arith.constant 0 : i32
      "tpu.region"() ({
        %run_scoped3A_149 = tpu.sem_alloc : memref<!tpu.dma_semaphore, #tpu.memory_space<semaphore_mem>>
        %dma_start3A_150 = arith.constant 0 : i32
        %dma_start3A_151 = arith.constant 0 : i32
        %dma_start3A_152 = tpu.memref_slice %arg10[%run_scoped3A_142, %dma_start3A_150, %dma_start3A_151] : memref<6x128x64xf32, #tpu.memory_space<vmem>> -> memref<1x128x64xf32, #tpu.memory_space<vmem>>
        %dma_start3A_153 = tpu.memref_squeeze %dma_start3A_152 : memref<1x128x64xf32, #tpu.memory_space<vmem>> -> memref<128x64xf32, #tpu.memory_space<vmem>>
        %dma_start3A_154 = arith.constant 0 : i32
        %dma_start3A_155 = tpu.memref_slice %arg13[%add3A_141, %dma_start3A_154] : memref<10000x64xf32, #tpu.memory_space<vmem_shared>> -> memref<128x64xf32, #tpu.memory_space<vmem_shared>>
        %dma_start3A_156 = arith.constant 0 : i32
        %dma_start3A_157 = tpu.memref_slice %arg13[%add3A_141, %dma_start3A_156] : memref<10000x64xf32, #tpu.memory_space<vmem_shared>> -> memref<128x64xf32, #tpu.memory_space<vmem_shared>>
        %dma_start3A_158 = arith.constant 0 : i32
        %dma_start3A_159 = arith.constant 0 : i32
        %dma_start3A_160 = tpu.memref_slice %arg10[%run_scoped3A_142, %dma_start3A_158, %dma_start3A_159] : memref<6x128x64xf32, #tpu.memory_space<vmem>> -> memref<1x128x64xf32, #tpu.memory_space<vmem>>
        %dma_start3A_161 = tpu.memref_squeeze %dma_start3A_160 : memref<1x128x64xf32, #tpu.memory_space<vmem>> -> memref<128x64xf32, #tpu.memory_space<vmem>>
        tpu.enqueue_dma source(%dma_start3A_161 : memref<128x64xf32, #tpu.memory_space<vmem>>) target(%dma_start3A_157 : memref<128x64xf32, #tpu.memory_space<vmem_shared>>) target_semaphore(%run_scoped3A_149 : memref<!tpu.dma_semaphore, #tpu.memory_space<semaphore_mem>>)
        %dma_wait3A_162 = arith.constant 0 : i32
        %dma_wait3A_163 = arith.constant 0 : i32
        %dma_wait3A_164 = tpu.memref_slice %arg10[%run_scoped3A_142, %dma_wait3A_162, %dma_wait3A_163] : memref<6x128x64xf32, #tpu.memory_space<vmem>> -> memref<1x128x64xf32, #tpu.memory_space<vmem>>
        %dma_wait3A_165 = tpu.memref_squeeze %dma_wait3A_164 : memref<1x128x64xf32, #tpu.memory_space<vmem>> -> memref<128x64xf32, #tpu.memory_space<vmem>>
        %dma_wait3A_166 = arith.constant 0 : i32
        %dma_wait3A_167 = tpu.memref_slice %arg13[%add3A_141, %dma_wait3A_166] : memref<10000x64xf32, #tpu.memory_space<vmem_shared>> -> memref<128x64xf32, #tpu.memory_space<vmem_shared>>
        %dma_wait3A_168 = arith.constant 0 : i32
        %dma_wait3A_169 = tpu.memref_slice %arg13[%add3A_141, %dma_wait3A_168] : memref<10000x64xf32, #tpu.memory_space<vmem_shared>> -> memref<128x64xf32, #tpu.memory_space<vmem_shared>>
        %dma_wait3A_170 = arith.constant 0 : i32
        %dma_wait3A_171 = arith.constant 0 : i32
        %dma_wait3A_172 = tpu.memref_slice %arg10[%run_scoped3A_142, %dma_wait3A_170, %dma_wait3A_171] : memref<6x128x64xf32, #tpu.memory_space<vmem>> -> memref<1x128x64xf32, #tpu.memory_space<vmem>>
        %dma_wait3A_173 = tpu.memref_squeeze %dma_wait3A_172 : memref<1x128x64xf32, #tpu.memory_space<vmem>> -> memref<128x64xf32, #tpu.memory_space<vmem>>
        tpu.wait_dma2 semaphore(%run_scoped3A_149 : memref<!tpu.dma_semaphore, #tpu.memory_space<semaphore_mem>>) src(%dma_wait3A_173 : memref<128x64xf32, #tpu.memory_space<vmem>>) dst(%dma_wait3A_169 : memref<128x64xf32, #tpu.memory_space<vmem_shared>>)
        tpu.yield
      }) : () -> ()
      %add3A_143 = arith.constant 384 : i32
      %add3A_144 = arith.addi %mul3A_22, %add3A_143 : i32
      %run_scoped3A_145 = arith.constant 0 : i32
      "tpu.region"() ({
        %run_scoped3A_149 = tpu.sem_alloc : memref<!tpu.dma_semaphore, #tpu.memory_space<semaphore_mem>>
        %dma_start3A_150 = arith.constant 0 : i32
        %dma_start3A_151 = arith.constant 0 : i32
        %dma_start3A_152 = tpu.memref_slice %arg10[%run_scoped3A_145, %dma_start3A_150, %dma_start3A_151] : memref<6x128x64xf32, #tpu.memory_space<vmem>> -> memref<1x128x64xf32, #tpu.memory_space<vmem>>
        %dma_start3A_153 = tpu.memref_squeeze %dma_start3A_152 : memref<1x128x64xf32, #tpu.memory_space<vmem>> -> memref<128x64xf32, #tpu.memory_space<vmem>>
        %dma_start3A_154 = arith.constant 0 : i32
        %dma_start3A_155 = tpu.memref_slice %arg13[%add3A_144, %dma_start3A_154] : memref<10000x64xf32, #tpu.memory_space<vmem_shared>> -> memref<128x64xf32, #tpu.memory_space<vmem_shared>>
        %dma_start3A_156 = arith.constant 0 : i32
        %dma_start3A_157 = tpu.memref_slice %arg13[%add3A_144, %dma_start3A_156] : memref<10000x64xf32, #tpu.memory_space<vmem_shared>> -> memref<128x64xf32, #tpu.memory_space<vmem_shared>>
        %dma_start3A_158 = arith.constant 0 : i32
        %dma_start3A_159 = arith.constant 0 : i32
        %dma_start3A_160 = tpu.memref_slice %arg10[%run_scoped3A_145, %dma_start3A_158, %dma_start3A_159] : memref<6x128x64xf32, #tpu.memory_space<vmem>> -> memref<1x128x64xf32, #tpu.memory_space<vmem>>
        %dma_start3A_161 = tpu.memref_squeeze %dma_start3A_160 : memref<1x128x64xf32, #tpu.memory_space<vmem>> -> memref<128x64xf32, #tpu.memory_space<vmem>>
        tpu.enqueue_dma source(%dma_start3A_161 : memref<128x64xf32, #tpu.memory_space<vmem>>) target(%dma_start3A_157 : memref<128x64xf32, #tpu.memory_space<vmem_shared>>) target_semaphore(%run_scoped3A_149 : memref<!tpu.dma_semaphore, #tpu.memory_space<semaphore_mem>>)
        %dma_wait3A_162 = arith.constant 0 : i32
        %dma_wait3A_163 = arith.constant 0 : i32
        %dma_wait3A_164 = tpu.memref_slice %arg10[%run_scoped3A_145, %dma_wait3A_162, %dma_wait3A_163] : memref<6x128x64xf32, #tpu.memory_space<vmem>> -> memref<1x128x64xf32, #tpu.memory_space<vmem>>
        %dma_wait3A_165 = tpu.memref_squeeze %dma_wait3A_164 : memref<1x128x64xf32, #tpu.memory_space<vmem>> -> memref<128x64xf32, #tpu.memory_space<vmem>>
        %dma_wait3A_166 = arith.constant 0 : i32
        %dma_wait3A_167 = tpu.memref_slice %arg13[%add3A_144, %dma_wait3A_166] : memref<10000x64xf32, #tpu.memory_space<vmem_shared>> -> memref<128x64xf32, #tpu.memory_space<vmem_shared>>
        %dma_wait3A_168 = arith.constant 0 : i32
        %dma_wait3A_169 = tpu.memref_slice %arg13[%add3A_144, %dma_wait3A_168] : memref<10000x64xf32, #tpu.memory_space<vmem_shared>> -> memref<128x64xf32, #tpu.memory_space<vmem_shared>>
        %dma_wait3A_170 = arith.constant 0 : i32
        %dma_wait3A_171 = arith.constant 0 : i32
        %dma_wait3A_172 = tpu.memref_slice %arg10[%run_scoped3A_145, %dma_wait3A_170, %dma_wait3A_171] : memref<6x128x64xf32, #tpu.memory_space<vmem>> -> memref<1x128x64xf32, #tpu.memory_space<vmem>>
        %dma_wait3A_173 = tpu.memref_squeeze %dma_wait3A_172 : memref<1x128x64xf32, #tpu.memory_space<vmem>> -> memref<128x64xf32, #tpu.memory_space<vmem>>
        tpu.wait_dma2 semaphore(%run_scoped3A_149 : memref<!tpu.dma_semaphore, #tpu.memory_space<semaphore_mem>>) src(%dma_wait3A_173 : memref<128x64xf32, #tpu.memory_space<vmem>>) dst(%dma_wait3A_169 : memref<128x64xf32, #tpu.memory_space<vmem_shared>>)
        tpu.yield
      }) : () -> ()
      %add3A_146 = arith.constant 512 : i32
      %add3A_147 = arith.addi %mul3A_22, %add3A_146 : i32
      %run_scoped3A_148 = arith.constant 0 : i32
      "tpu.region"() ({
        %run_scoped3A_149 = tpu.sem_alloc : memref<!tpu.dma_semaphore, #tpu.memory_space<semaphore_mem>>
        %dma_start3A_150 = arith.constant 0 : i32
        %dma_start3A_151 = arith.constant 0 : i32
        %dma_start3A_152 = tpu.memref_slice %arg10[%run_scoped3A_148, %dma_start3A_150, %dma_start3A_151] : memref<6x128x64xf32, #tpu.memory_space<vmem>> -> memref<1x112x64xf32, #tpu.memory_space<vmem>>
        %dma_start3A_153 = tpu.memref_squeeze %dma_start3A_152 : memref<1x112x64xf32, #tpu.memory_space<vmem>> -> memref<112x64xf32, #tpu.memory_space<vmem>>
        %dma_start3A_154 = arith.constant 0 : i32
        %dma_start3A_155 = tpu.memref_slice %arg13[%add3A_147, %dma_start3A_154] : memref<10000x64xf32, #tpu.memory_space<vmem_shared>> -> memref<112x64xf32, #tpu.memory_space<vmem_shared>>
        %dma_start3A_156 = arith.constant 0 : i32
        %dma_start3A_157 = tpu.memref_slice %arg13[%add3A_147, %dma_start3A_156] : memref<10000x64xf32, #tpu.memory_space<vmem_shared>> -> memref<112x64xf32, #tpu.memory_space<vmem_shared>>
        %dma_start3A_158 = arith.constant 0 : i32
        %dma_start3A_159 = arith.constant 0 : i32
        %dma_start3A_160 = tpu.memref_slice %arg10[%run_scoped3A_148, %dma_start3A_158, %dma_start3A_159] : memref<6x128x64xf32, #tpu.memory_space<vmem>> -> memref<1x112x64xf32, #tpu.memory_space<vmem>>
        %dma_start3A_161 = tpu.memref_squeeze %dma_start3A_160 : memref<1x112x64xf32, #tpu.memory_space<vmem>> -> memref<112x64xf32, #tpu.memory_space<vmem>>
        tpu.enqueue_dma source(%dma_start3A_161 : memref<112x64xf32, #tpu.memory_space<vmem>>) target(%dma_start3A_157 : memref<112x64xf32, #tpu.memory_space<vmem_shared>>) target_semaphore(%run_scoped3A_149 : memref<!tpu.dma_semaphore, #tpu.memory_space<semaphore_mem>>)
        %dma_wait3A_162 = arith.constant 0 : i32
        %dma_wait3A_163 = arith.constant 0 : i32
        %dma_wait3A_164 = tpu.memref_slice %arg10[%run_scoped3A_148, %dma_wait3A_162, %dma_wait3A_163] : memref<6x128x64xf32, #tpu.memory_space<vmem>> -> memref<1x112x64xf32, #tpu.memory_space<vmem>>
        %dma_wait3A_165 = tpu.memref_squeeze %dma_wait3A_164 : memref<1x112x64xf32, #tpu.memory_space<vmem>> -> memref<112x64xf32, #tpu.memory_space<vmem>>
        %dma_wait3A_166 = arith.constant 0 : i32
        %dma_wait3A_167 = tpu.memref_slice %arg13[%add3A_147, %dma_wait3A_166] : memref<10000x64xf32, #tpu.memory_space<vmem_shared>> -> memref<112x64xf32, #tpu.memory_space<vmem_shared>>
        %dma_wait3A_168 = arith.constant 0 : i32
        %dma_wait3A_169 = tpu.memref_slice %arg13[%add3A_147, %dma_wait3A_168] : memref<10000x64xf32, #tpu.memory_space<vmem_shared>> -> memref<112x64xf32, #tpu.memory_space<vmem_shared>>
        %dma_wait3A_170 = arith.constant 0 : i32
        %dma_wait3A_171 = arith.constant 0 : i32
        %dma_wait3A_172 = tpu.memref_slice %arg10[%run_scoped3A_148, %dma_wait3A_170, %dma_wait3A_171] : memref<6x128x64xf32, #tpu.memory_space<vmem>> -> memref<1x112x64xf32, #tpu.memory_space<vmem>>
        %dma_wait3A_173 = tpu.memref_squeeze %dma_wait3A_172 : memref<1x112x64xf32, #tpu.memory_space<vmem>> -> memref<112x64xf32, #tpu.memory_space<vmem>>
        tpu.wait_dma2 semaphore(%run_scoped3A_149 : memref<!tpu.dma_semaphore, #tpu.memory_space<semaphore_mem>>) src(%dma_wait3A_173 : memref<112x64xf32, #tpu.memory_space<vmem>>) dst(%dma_wait3A_169 : memref<112x64xf32, #tpu.memory_space<vmem_shared>>)
        tpu.yield
      }) : () -> ()
    } else {
    }
    %eq3A = arith.constant 15 : i32
    %eq3A_25 = arith.cmpi eq, %arg1, %eq3A : i32
    %convert_element_type3A_26 = arith.extui %eq3A_25 : i1 to i32
    %cond3A_27 = arith.constant 0 : i32
    %cond3A_28 = arith.cmpi ne, %convert_element_type3A_26, %cond3A_27 : i32
    scf.if %cond3A_28 {
      %run_scoped3A_134 = arith.constant 0 : i32
      "tpu.region"() ({
        %run_scoped3A_139 = tpu.sem_alloc : memref<!tpu.dma_semaphore, #tpu.memory_space<semaphore_mem>>
        %dma_start3A_140 = arith.constant 0 : i32
        %dma_start3A_141 = arith.constant 0 : i32
        %dma_start3A_142 = tpu.memref_slice %arg10[%run_scoped3A_134, %dma_start3A_140, %dma_start3A_141] : memref<6x128x64xf32, #tpu.memory_space<vmem>> -> memref<1x128x64xf32, #tpu.memory_space<vmem>>
        %dma_start3A_143 = tpu.memref_squeeze %dma_start3A_142 : memref<1x128x64xf32, #tpu.memory_space<vmem>> -> memref<128x64xf32, #tpu.memory_space<vmem>>
        %dma_start3A_144 = arith.constant 9360 : i32
        %dma_start3A_145 = arith.constant 0 : i32
        %dma_start3A_146 = tpu.memref_slice %arg13[%dma_start3A_144, %dma_start3A_145] : memref<10000x64xf32, #tpu.memory_space<vmem_shared>> -> memref<128x64xf32, #tpu.memory_space<vmem_shared>>
        %dma_start3A_147 = arith.constant 9360 : i32
        %dma_start3A_148 = arith.constant 0 : i32
        %dma_start3A_149 = tpu.memref_slice %arg13[%dma_start3A_147, %dma_start3A_148] : memref<10000x64xf32, #tpu.memory_space<vmem_shared>> -> memref<128x64xf32, #tpu.memory_space<vmem_shared>>
        %dma_start3A_150 = arith.constant 0 : i32
        %dma_start3A_151 = arith.constant 0 : i32
        %dma_start3A_152 = tpu.memref_slice %arg10[%run_scoped3A_134, %dma_start3A_150, %dma_start3A_151] : memref<6x128x64xf32, #tpu.memory_space<vmem>> -> memref<1x128x64xf32, #tpu.memory_space<vmem>>
        %dma_start3A_153 = tpu.memref_squeeze %dma_start3A_152 : memref<1x128x64xf32, #tpu.memory_space<vmem>> -> memref<128x64xf32, #tpu.memory_space<vmem>>
        tpu.enqueue_dma source(%dma_start3A_153 : memref<128x64xf32, #tpu.memory_space<vmem>>) target(%dma_start3A_149 : memref<128x64xf32, #tpu.memory_space<vmem_shared>>) target_semaphore(%run_scoped3A_139 : memref<!tpu.dma_semaphore, #tpu.memory_space<semaphore_mem>>)
        %dma_wait3A_154 = arith.constant 0 : i32
        %dma_wait3A_155 = arith.constant 0 : i32
        %dma_wait3A_156 = tpu.memref_slice %arg10[%run_scoped3A_134, %dma_wait3A_154, %dma_wait3A_155] : memref<6x128x64xf32, #tpu.memory_space<vmem>> -> memref<1x128x64xf32, #tpu.memory_space<vmem>>
        %dma_wait3A_157 = tpu.memref_squeeze %dma_wait3A_156 : memref<1x128x64xf32, #tpu.memory_space<vmem>> -> memref<128x64xf32, #tpu.memory_space<vmem>>
        %dma_wait3A_158 = arith.constant 9360 : i32
        %dma_wait3A_159 = arith.constant 0 : i32
        %dma_wait3A_160 = tpu.memref_slice %arg13[%dma_wait3A_158, %dma_wait3A_159] : memref<10000x64xf32, #tpu.memory_space<vmem_shared>> -> memref<128x64xf32, #tpu.memory_space<vmem_shared>>
        %dma_wait3A_161 = arith.constant 9360 : i32
        %dma_wait3A_162 = arith.constant 0 : i32
        %dma_wait3A_163 = tpu.memref_slice %arg13[%dma_wait3A_161, %dma_wait3A_162] : memref<10000x64xf32, #tpu.memory_space<vmem_shared>> -> memref<128x64xf32, #tpu.memory_space<vmem_shared>>
        %dma_wait3A_164 = arith.constant 0 : i32
        %dma_wait3A_165 = arith.constant 0 : i32
        %dma_wait3A_166 = tpu.memref_slice %arg10[%run_scoped3A_134, %dma_wait3A_164, %dma_wait3A_165] : memref<6x128x64xf32, #tpu.memory_space<vmem>> -> memref<1x128x64xf32, #tpu.memory_space<vmem>>
        %dma_wait3A_167 = tpu.memref_squeeze %dma_wait3A_166 : memref<1x128x64xf32, #tpu.memory_space<vmem>> -> memref<128x64xf32, #tpu.memory_space<vmem>>
        tpu.wait_dma2 semaphore(%run_scoped3A_139 : memref<!tpu.dma_semaphore, #tpu.memory_space<semaphore_mem>>) src(%dma_wait3A_167 : memref<128x64xf32, #tpu.memory_space<vmem>>) dst(%dma_wait3A_163 : memref<128x64xf32, #tpu.memory_space<vmem_shared>>)
        tpu.yield
      }) : () -> ()
      %run_scoped3A_135 = arith.constant 0 : i32
      "tpu.region"() ({
        %run_scoped3A_139 = tpu.sem_alloc : memref<!tpu.dma_semaphore, #tpu.memory_space<semaphore_mem>>
        %dma_start3A_140 = arith.constant 0 : i32
        %dma_start3A_141 = arith.constant 0 : i32
        %dma_start3A_142 = tpu.memref_slice %arg10[%run_scoped3A_135, %dma_start3A_140, %dma_start3A_141] : memref<6x128x64xf32, #tpu.memory_space<vmem>> -> memref<1x128x64xf32, #tpu.memory_space<vmem>>
        %dma_start3A_143 = tpu.memref_squeeze %dma_start3A_142 : memref<1x128x64xf32, #tpu.memory_space<vmem>> -> memref<128x64xf32, #tpu.memory_space<vmem>>
        %dma_start3A_144 = arith.constant 9488 : i32
        %dma_start3A_145 = arith.constant 0 : i32
        %dma_start3A_146 = tpu.memref_slice %arg13[%dma_start3A_144, %dma_start3A_145] : memref<10000x64xf32, #tpu.memory_space<vmem_shared>> -> memref<128x64xf32, #tpu.memory_space<vmem_shared>>
        %dma_start3A_147 = arith.constant 9488 : i32
        %dma_start3A_148 = arith.constant 0 : i32
        %dma_start3A_149 = tpu.memref_slice %arg13[%dma_start3A_147, %dma_start3A_148] : memref<10000x64xf32, #tpu.memory_space<vmem_shared>> -> memref<128x64xf32, #tpu.memory_space<vmem_shared>>
        %dma_start3A_150 = arith.constant 0 : i32
        %dma_start3A_151 = arith.constant 0 : i32
        %dma_start3A_152 = tpu.memref_slice %arg10[%run_scoped3A_135, %dma_start3A_150, %dma_start3A_151] : memref<6x128x64xf32, #tpu.memory_space<vmem>> -> memref<1x128x64xf32, #tpu.memory_space<vmem>>
        %dma_start3A_153 = tpu.memref_squeeze %dma_start3A_152 : memref<1x128x64xf32, #tpu.memory_space<vmem>> -> memref<128x64xf32, #tpu.memory_space<vmem>>
        tpu.enqueue_dma source(%dma_start3A_153 : memref<128x64xf32, #tpu.memory_space<vmem>>) target(%dma_start3A_149 : memref<128x64xf32, #tpu.memory_space<vmem_shared>>) target_semaphore(%run_scoped3A_139 : memref<!tpu.dma_semaphore, #tpu.memory_space<semaphore_mem>>)
        %dma_wait3A_154 = arith.constant 0 : i32
        %dma_wait3A_155 = arith.constant 0 : i32
        %dma_wait3A_156 = tpu.memref_slice %arg10[%run_scoped3A_135, %dma_wait3A_154, %dma_wait3A_155] : memref<6x128x64xf32, #tpu.memory_space<vmem>> -> memref<1x128x64xf32, #tpu.memory_space<vmem>>
        %dma_wait3A_157 = tpu.memref_squeeze %dma_wait3A_156 : memref<1x128x64xf32, #tpu.memory_space<vmem>> -> memref<128x64xf32, #tpu.memory_space<vmem>>
        %dma_wait3A_158 = arith.constant 9488 : i32
        %dma_wait3A_159 = arith.constant 0 : i32
        %dma_wait3A_160 = tpu.memref_slice %arg13[%dma_wait3A_158, %dma_wait3A_159] : memref<10000x64xf32, #tpu.memory_space<vmem_shared>> -> memref<128x64xf32, #tpu.memory_space<vmem_shared>>
        %dma_wait3A_161 = arith.constant 9488 : i32
        %dma_wait3A_162 = arith.constant 0 : i32
        %dma_wait3A_163 = tpu.memref_slice %arg13[%dma_wait3A_161, %dma_wait3A_162] : memref<10000x64xf32, #tpu.memory_space<vmem_shared>> -> memref<128x64xf32, #tpu.memory_space<vmem_shared>>
        %dma_wait3A_164 = arith.constant 0 : i32
        %dma_wait3A_165 = arith.constant 0 : i32
        %dma_wait3A_166 = tpu.memref_slice %arg10[%run_scoped3A_135, %dma_wait3A_164, %dma_wait3A_165] : memref<6x128x64xf32, #tpu.memory_space<vmem>> -> memref<1x128x64xf32, #tpu.memory_space<vmem>>
        %dma_wait3A_167 = tpu.memref_squeeze %dma_wait3A_166 : memref<1x128x64xf32, #tpu.memory_space<vmem>> -> memref<128x64xf32, #tpu.memory_space<vmem>>
        tpu.wait_dma2 semaphore(%run_scoped3A_139 : memref<!tpu.dma_semaphore, #tpu.memory_space<semaphore_mem>>) src(%dma_wait3A_167 : memref<128x64xf32, #tpu.memory_space<vmem>>) dst(%dma_wait3A_163 : memref<128x64xf32, #tpu.memory_space<vmem_shared>>)
        tpu.yield
      }) : () -> ()
      %run_scoped3A_136 = arith.constant 0 : i32
      "tpu.region"() ({
        %run_scoped3A_139 = tpu.sem_alloc : memref<!tpu.dma_semaphore, #tpu.memory_space<semaphore_mem>>
        %dma_start3A_140 = arith.constant 0 : i32
        %dma_start3A_141 = arith.constant 0 : i32
        %dma_start3A_142 = tpu.memref_slice %arg10[%run_scoped3A_136, %dma_start3A_140, %dma_start3A_141] : memref<6x128x64xf32, #tpu.memory_space<vmem>> -> memref<1x128x64xf32, #tpu.memory_space<vmem>>
        %dma_start3A_143 = tpu.memref_squeeze %dma_start3A_142 : memref<1x128x64xf32, #tpu.memory_space<vmem>> -> memref<128x64xf32, #tpu.memory_space<vmem>>
        %dma_start3A_144 = arith.constant 9616 : i32
        %dma_start3A_145 = arith.constant 0 : i32
        %dma_start3A_146 = tpu.memref_slice %arg13[%dma_start3A_144, %dma_start3A_145] : memref<10000x64xf32, #tpu.memory_space<vmem_shared>> -> memref<128x64xf32, #tpu.memory_space<vmem_shared>>
        %dma_start3A_147 = arith.constant 9616 : i32
        %dma_start3A_148 = arith.constant 0 : i32
        %dma_start3A_149 = tpu.memref_slice %arg13[%dma_start3A_147, %dma_start3A_148] : memref<10000x64xf32, #tpu.memory_space<vmem_shared>> -> memref<128x64xf32, #tpu.memory_space<vmem_shared>>
        %dma_start3A_150 = arith.constant 0 : i32
        %dma_start3A_151 = arith.constant 0 : i32
        %dma_start3A_152 = tpu.memref_slice %arg10[%run_scoped3A_136, %dma_start3A_150, %dma_start3A_151] : memref<6x128x64xf32, #tpu.memory_space<vmem>> -> memref<1x128x64xf32, #tpu.memory_space<vmem>>
        %dma_start3A_153 = tpu.memref_squeeze %dma_start3A_152 : memref<1x128x64xf32, #tpu.memory_space<vmem>> -> memref<128x64xf32, #tpu.memory_space<vmem>>
        tpu.enqueue_dma source(%dma_start3A_153 : memref<128x64xf32, #tpu.memory_space<vmem>>) target(%dma_start3A_149 : memref<128x64xf32, #tpu.memory_space<vmem_shared>>) target_semaphore(%run_scoped3A_139 : memref<!tpu.dma_semaphore, #tpu.memory_space<semaphore_mem>>)
        %dma_wait3A_154 = arith.constant 0 : i32
        %dma_wait3A_155 = arith.constant 0 : i32
        %dma_wait3A_156 = tpu.memref_slice %arg10[%run_scoped3A_136, %dma_wait3A_154, %dma_wait3A_155] : memref<6x128x64xf32, #tpu.memory_space<vmem>> -> memref<1x128x64xf32, #tpu.memory_space<vmem>>
        %dma_wait3A_157 = tpu.memref_squeeze %dma_wait3A_156 : memref<1x128x64xf32, #tpu.memory_space<vmem>> -> memref<128x64xf32, #tpu.memory_space<vmem>>
        %dma_wait3A_158 = arith.constant 9616 : i32
        %dma_wait3A_159 = arith.constant 0 : i32
        %dma_wait3A_160 = tpu.memref_slice %arg13[%dma_wait3A_158, %dma_wait3A_159] : memref<10000x64xf32, #tpu.memory_space<vmem_shared>> -> memref<128x64xf32, #tpu.memory_space<vmem_shared>>
        %dma_wait3A_161 = arith.constant 9616 : i32
        %dma_wait3A_162 = arith.constant 0 : i32
        %dma_wait3A_163 = tpu.memref_slice %arg13[%dma_wait3A_161, %dma_wait3A_162] : memref<10000x64xf32, #tpu.memory_space<vmem_shared>> -> memref<128x64xf32, #tpu.memory_space<vmem_shared>>
        %dma_wait3A_164 = arith.constant 0 : i32
        %dma_wait3A_165 = arith.constant 0 : i32
        %dma_wait3A_166 = tpu.memref_slice %arg10[%run_scoped3A_136, %dma_wait3A_164, %dma_wait3A_165] : memref<6x128x64xf32, #tpu.memory_space<vmem>> -> memref<1x128x64xf32, #tpu.memory_space<vmem>>
        %dma_wait3A_167 = tpu.memref_squeeze %dma_wait3A_166 : memref<1x128x64xf32, #tpu.memory_space<vmem>> -> memref<128x64xf32, #tpu.memory_space<vmem>>
        tpu.wait_dma2 semaphore(%run_scoped3A_139 : memref<!tpu.dma_semaphore, #tpu.memory_space<semaphore_mem>>) src(%dma_wait3A_167 : memref<128x64xf32, #tpu.memory_space<vmem>>) dst(%dma_wait3A_163 : memref<128x64xf32, #tpu.memory_space<vmem_shared>>)
        tpu.yield
      }) : () -> ()
      %run_scoped3A_137 = arith.constant 0 : i32
      "tpu.region"() ({
        %run_scoped3A_139 = tpu.sem_alloc : memref<!tpu.dma_semaphore, #tpu.memory_space<semaphore_mem>>
        %dma_start3A_140 = arith.constant 0 : i32
        %dma_start3A_141 = arith.constant 0 : i32
        %dma_start3A_142 = tpu.memref_slice %arg10[%run_scoped3A_137, %dma_start3A_140, %dma_start3A_141] : memref<6x128x64xf32, #tpu.memory_space<vmem>> -> memref<1x128x64xf32, #tpu.memory_space<vmem>>
        %dma_start3A_143 = tpu.memref_squeeze %dma_start3A_142 : memref<1x128x64xf32, #tpu.memory_space<vmem>> -> memref<128x64xf32, #tpu.memory_space<vmem>>
        %dma_start3A_144 = arith.constant 9744 : i32
        %dma_start3A_145 = arith.constant 0 : i32
        %dma_start3A_146 = tpu.memref_slice %arg13[%dma_start3A_144, %dma_start3A_145] : memref<10000x64xf32, #tpu.memory_space<vmem_shared>> -> memref<128x64xf32, #tpu.memory_space<vmem_shared>>
        %dma_start3A_147 = arith.constant 9744 : i32
        %dma_start3A_148 = arith.constant 0 : i32
        %dma_start3A_149 = tpu.memref_slice %arg13[%dma_start3A_147, %dma_start3A_148] : memref<10000x64xf32, #tpu.memory_space<vmem_shared>> -> memref<128x64xf32, #tpu.memory_space<vmem_shared>>
        %dma_start3A_150 = arith.constant 0 : i32
        %dma_start3A_151 = arith.constant 0 : i32
        %dma_start3A_152 = tpu.memref_slice %arg10[%run_scoped3A_137, %dma_start3A_150, %dma_start3A_151] : memref<6x128x64xf32, #tpu.memory_space<vmem>> -> memref<1x128x64xf32, #tpu.memory_space<vmem>>
        %dma_start3A_153 = tpu.memref_squeeze %dma_start3A_152 : memref<1x128x64xf32, #tpu.memory_space<vmem>> -> memref<128x64xf32, #tpu.memory_space<vmem>>
        tpu.enqueue_dma source(%dma_start3A_153 : memref<128x64xf32, #tpu.memory_space<vmem>>) target(%dma_start3A_149 : memref<128x64xf32, #tpu.memory_space<vmem_shared>>) target_semaphore(%run_scoped3A_139 : memref<!tpu.dma_semaphore, #tpu.memory_space<semaphore_mem>>)
        %dma_wait3A_154 = arith.constant 0 : i32
        %dma_wait3A_155 = arith.constant 0 : i32
        %dma_wait3A_156 = tpu.memref_slice %arg10[%run_scoped3A_137, %dma_wait3A_154, %dma_wait3A_155] : memref<6x128x64xf32, #tpu.memory_space<vmem>> -> memref<1x128x64xf32, #tpu.memory_space<vmem>>
        %dma_wait3A_157 = tpu.memref_squeeze %dma_wait3A_156 : memref<1x128x64xf32, #tpu.memory_space<vmem>> -> memref<128x64xf32, #tpu.memory_space<vmem>>
        %dma_wait3A_158 = arith.constant 9744 : i32
        %dma_wait3A_159 = arith.constant 0 : i32
        %dma_wait3A_160 = tpu.memref_slice %arg13[%dma_wait3A_158, %dma_wait3A_159] : memref<10000x64xf32, #tpu.memory_space<vmem_shared>> -> memref<128x64xf32, #tpu.memory_space<vmem_shared>>
        %dma_wait3A_161 = arith.constant 9744 : i32
        %dma_wait3A_162 = arith.constant 0 : i32
        %dma_wait3A_163 = tpu.memref_slice %arg13[%dma_wait3A_161, %dma_wait3A_162] : memref<10000x64xf32, #tpu.memory_space<vmem_shared>> -> memref<128x64xf32, #tpu.memory_space<vmem_shared>>
        %dma_wait3A_164 = arith.constant 0 : i32
        %dma_wait3A_165 = arith.constant 0 : i32
        %dma_wait3A_166 = tpu.memref_slice %arg10[%run_scoped3A_137, %dma_wait3A_164, %dma_wait3A_165] : memref<6x128x64xf32, #tpu.memory_space<vmem>> -> memref<1x128x64xf32, #tpu.memory_space<vmem>>
        %dma_wait3A_167 = tpu.memref_squeeze %dma_wait3A_166 : memref<1x128x64xf32, #tpu.memory_space<vmem>> -> memref<128x64xf32, #tpu.memory_space<vmem>>
        tpu.wait_dma2 semaphore(%run_scoped3A_139 : memref<!tpu.dma_semaphore, #tpu.memory_space<semaphore_mem>>) src(%dma_wait3A_167 : memref<128x64xf32, #tpu.memory_space<vmem>>) dst(%dma_wait3A_163 : memref<128x64xf32, #tpu.memory_space<vmem_shared>>)
        tpu.yield
      }) : () -> ()
      %run_scoped3A_138 = arith.constant 0 : i32
      "tpu.region"() ({
        %run_scoped3A_139 = tpu.sem_alloc : memref<!tpu.dma_semaphore, #tpu.memory_space<semaphore_mem>>
        %dma_start3A_140 = arith.constant 0 : i32
        %dma_start3A_141 = arith.constant 0 : i32
        %dma_start3A_142 = tpu.memref_slice %arg10[%run_scoped3A_138, %dma_start3A_140, %dma_start3A_141] : memref<6x128x64xf32, #tpu.memory_space<vmem>> -> memref<1x128x64xf32, #tpu.memory_space<vmem>>
        %dma_start3A_143 = tpu.memref_squeeze %dma_start3A_142 : memref<1x128x64xf32, #tpu.memory_space<vmem>> -> memref<128x64xf32, #tpu.memory_space<vmem>>
        %dma_start3A_144 = arith.constant 9872 : i32
        %dma_start3A_145 = arith.constant 0 : i32
        %dma_start3A_146 = tpu.memref_slice %arg13[%dma_start3A_144, %dma_start3A_145] : memref<10000x64xf32, #tpu.memory_space<vmem_shared>> -> memref<128x64xf32, #tpu.memory_space<vmem_shared>>
        %dma_start3A_147 = arith.constant 9872 : i32
        %dma_start3A_148 = arith.constant 0 : i32
        %dma_start3A_149 = tpu.memref_slice %arg13[%dma_start3A_147, %dma_start3A_148] : memref<10000x64xf32, #tpu.memory_space<vmem_shared>> -> memref<128x64xf32, #tpu.memory_space<vmem_shared>>
        %dma_start3A_150 = arith.constant 0 : i32
        %dma_start3A_151 = arith.constant 0 : i32
        %dma_start3A_152 = tpu.memref_slice %arg10[%run_scoped3A_138, %dma_start3A_150, %dma_start3A_151] : memref<6x128x64xf32, #tpu.memory_space<vmem>> -> memref<1x128x64xf32, #tpu.memory_space<vmem>>
        %dma_start3A_153 = tpu.memref_squeeze %dma_start3A_152 : memref<1x128x64xf32, #tpu.memory_space<vmem>> -> memref<128x64xf32, #tpu.memory_space<vmem>>
        tpu.enqueue_dma source(%dma_start3A_153 : memref<128x64xf32, #tpu.memory_space<vmem>>) target(%dma_start3A_149 : memref<128x64xf32, #tpu.memory_space<vmem_shared>>) target_semaphore(%run_scoped3A_139 : memref<!tpu.dma_semaphore, #tpu.memory_space<semaphore_mem>>)
        %dma_wait3A_154 = arith.constant 0 : i32
        %dma_wait3A_155 = arith.constant 0 : i32
        %dma_wait3A_156 = tpu.memref_slice %arg10[%run_scoped3A_138, %dma_wait3A_154, %dma_wait3A_155] : memref<6x128x64xf32, #tpu.memory_space<vmem>> -> memref<1x128x64xf32, #tpu.memory_space<vmem>>
        %dma_wait3A_157 = tpu.memref_squeeze %dma_wait3A_156 : memref<1x128x64xf32, #tpu.memory_space<vmem>> -> memref<128x64xf32, #tpu.memory_space<vmem>>
        %dma_wait3A_158 = arith.constant 9872 : i32
        %dma_wait3A_159 = arith.constant 0 : i32
        %dma_wait3A_160 = tpu.memref_slice %arg13[%dma_wait3A_158, %dma_wait3A_159] : memref<10000x64xf32, #tpu.memory_space<vmem_shared>> -> memref<128x64xf32, #tpu.memory_space<vmem_shared>>
        %dma_wait3A_161 = arith.constant 9872 : i32
        %dma_wait3A_162 = arith.constant 0 : i32
        %dma_wait3A_163 = tpu.memref_slice %arg13[%dma_wait3A_161, %dma_wait3A_162] : memref<10000x64xf32, #tpu.memory_space<vmem_shared>> -> memref<128x64xf32, #tpu.memory_space<vmem_shared>>
        %dma_wait3A_164 = arith.constant 0 : i32
        %dma_wait3A_165 = arith.constant 0 : i32
        %dma_wait3A_166 = tpu.memref_slice %arg10[%run_scoped3A_138, %dma_wait3A_164, %dma_wait3A_165] : memref<6x128x64xf32, #tpu.memory_space<vmem>> -> memref<1x128x64xf32, #tpu.memory_space<vmem>>
        %dma_wait3A_167 = tpu.memref_squeeze %dma_wait3A_166 : memref<1x128x64xf32, #tpu.memory_space<vmem>> -> memref<128x64xf32, #tpu.memory_space<vmem>>
        tpu.wait_dma2 semaphore(%run_scoped3A_139 : memref<!tpu.dma_semaphore, #tpu.memory_space<semaphore_mem>>) src(%dma_wait3A_167 : memref<128x64xf32, #tpu.memory_space<vmem>>) dst(%dma_wait3A_163 : memref<128x64xf32, #tpu.memory_space<vmem_shared>>)
        tpu.yield
      }) : () -> ()
    } else {
    }
    %scan3A_29 = arith.constant 0 : i32
    %scan3A_30 = arith.constant 625 : i32
    %scan3A_31 = arith.addi %scan3A_29, %scan3A_30 : i32
    %scan3A_32 = arith.constant 1 : i32
    scf.for %scan3A_134 = %scan3A_29 to %scan3A_31 step %scan3A_32  : i32 {
      %mul3A_135 = arith.constant 1 : i32
      %mul3A_136 = arith.muli %scan3A_134, %mul3A_135 : i32
      %add3A_137 = arith.constant 0 : i32
      %add3A_138 = arith.addi %add3A_137, %mul3A_136 : i32
      %mul3A_139 = arith.constant 16 : i32
      %mul3A_140 = arith.muli %add3A_138, %mul3A_139 : i32
      %swap3A = arith.index_cast %mul3A_140 : i32 to index
      %swap3A_141 = tpu.vector_load %arg11[%swap3A] {strides = array<i32>} : memref<10000xf32, #tpu.memory_space<vmem>>, vector<16xf32>,
      tpu.vector_store %arg11[%swap3A], %broadcast_in_dim3A_1 {strides = array<i32>} : memref<10000xf32, #tpu.memory_space<vmem>>, vector<16xf32>,
    }
    %scan3A_33 = arith.constant 625 : i32
    %dma_wait3A = arith.constant 0 : i32
    %dma_wait3A_34 = tpu.memref_slice %arg3[%dma_wait3A, %mul3A_7] : memref<2x320000xi32, #tpu.memory_space<hbm>> -> memref<1x9984xi32, #tpu.memory_space<hbm>>
    %dma_wait3A_35 = tpu.memref_squeeze %dma_wait3A_34 : memref<1x9984xi32, #tpu.memory_space<hbm>> -> memref<9984xi32, #tpu.memory_space<hbm>>
    %dma_wait3A_36 = tpu.memref_slice %arg3[%dma_wait3A, %mul3A_7] : memref<2x320000xi32, #tpu.memory_space<hbm>> -> memref<1x9984xi32, #tpu.memory_space<hbm>>
    %dma_wait3A_37 = tpu.memref_squeeze %dma_wait3A_36 : memref<1x9984xi32, #tpu.memory_space<hbm>> -> memref<9984xi32, #tpu.memory_space<hbm>>
    tpu.wait_dma2 semaphore(%arg15 : memref<!tpu.dma_semaphore, #tpu.memory_space<semaphore_mem>>) src(%dma_wait3A_37 : memref<9984xi32, #tpu.memory_space<hbm>>) dst(%arg8 : memref<9984xi32, #tpu.memory_space<vmem>>)
    %scan3A_38 = arith.constant 0 : i32
    %scan3A_39 = arith.constant 78 : i32
    %scan3A_40 = arith.addi %scan3A_38, %scan3A_39 : i32
    %scan3A_41 = arith.constant 1 : i32
    scf.for %scan3A_134 = %scan3A_38 to %scan3A_40 step %scan3A_41  : i32 {
      %mul3A_135 = arith.constant 1 : i32
      %mul3A_136 = arith.muli %scan3A_134, %mul3A_135 : i32
      %add3A_137 = arith.constant 0 : i32
      %add3A_138 = arith.addi %add3A_137, %mul3A_136 : i32
      %dma_wait3A_139 = arith.constant 1 : i32
      %dma_wait3A_140 = arith.constant 0 : i32
      %dma_wait3A_141 = tpu.memref_slice %arg9[%add3A_138, %dma_wait3A_140] : memref<78x128xi32, #tpu.memory_space<vmem>> -> memref<1x128xi32, #tpu.memory_space<vmem>>
      %dma_wait3A_142 = tpu.memref_squeeze %dma_wait3A_141 : memref<1x128xi32, #tpu.memory_space<vmem>> -> memref<128xi32, #tpu.memory_space<vmem>>
      %dma_wait3A_143 = tpu.memref_slice %arg3[%dma_wait3A_139, %mul3A_7] : memref<2x320000xi32, #tpu.memory_space<hbm>> -> memref<1x128xi32, #tpu.memory_space<hbm>>
      %dma_wait3A_144 = tpu.memref_squeeze %dma_wait3A_143 : memref<1x128xi32, #tpu.memory_space<hbm>> -> memref<128xi32, #tpu.memory_space<hbm>>
      %dma_wait3A_145 = arith.constant 0 : i32
      %dma_wait3A_146 = tpu.memref_slice %arg9[%add3A_138, %dma_wait3A_145] : memref<78x128xi32, #tpu.memory_space<vmem>> -> memref<1x128xi32, #tpu.memory_space<vmem>>
      %dma_wait3A_147 = tpu.memref_squeeze %dma_wait3A_146 : memref<1x128xi32, #tpu.memory_space<vmem>> -> memref<128xi32, #tpu.memory_space<vmem>>
      %dma_wait3A_148 = tpu.memref_slice %arg3[%dma_wait3A_139, %mul3A_7] : memref<2x320000xi32, #tpu.memory_space<hbm>> -> memref<1x128xi32, #tpu.memory_space<hbm>>
      %dma_wait3A_149 = tpu.memref_squeeze %dma_wait3A_148 : memref<1x128xi32, #tpu.memory_space<hbm>> -> memref<128xi32, #tpu.memory_space<hbm>>
      tpu.wait_dma2 semaphore(%arg16 : memref<!tpu.dma_semaphore, #tpu.memory_space<semaphore_mem>>) src(%dma_wait3A_149 : memref<128xi32, #tpu.memory_space<hbm>>) dst(%dma_wait3A_147 : memref<128xi32, #tpu.memory_space<vmem>>)
    }
    %scan3A_42 = arith.constant 78 : i32
    %barrier3A = arith.constant 0 : index
    tpu.barrier barrier_id(%barrier3A)
    %dma_start3A_43 = arith.constant 0 : i32
    %dma_start3A_44 = arith.constant 0 : i32
    %dma_start3A_45 = arith.constant 0 : i32
    %dma_start3A_46 = tpu.memref_slice %arg10[%dma_start3A_43, %dma_start3A_44, %dma_start3A_45] : memref<6x128x64xf32, #tpu.memory_space<vmem>> -> memref<1x128x64xf32, #tpu.memory_space<vmem>>
    %dma_start3A_47 = tpu.memref_squeeze %dma_start3A_46 : memref<1x128x64xf32, #tpu.memory_space<vmem>> -> memref<128x64xf32, #tpu.memory_space<vmem>>
    %dma_start3A_48 = arith.constant 0 : i32
    %dma_start3A_49 = tpu.memref_slice %arg8[%dma_start3A_48] : memref<9984xi32, #tpu.memory_space<vmem>> -> memref<128xi32, #tpu.memory_space<vmem>>
    %dma_start3A_50 = arith.constant 0 : i32
    %dma_start3A_51 = arith.constant 0 : i32
    %dma_start3A_52 = tpu.memref_slice %arg2[%dma_start3A_50, %dma_start3A_51] : memref<10000x64xf32, #tpu.memory_space<hbm>> -> memref<10000x64xf32, #tpu.memory_space<hbm>>
    tpu.enqueue_indirect_dma source(%dma_start3A_52 : memref<10000x64xf32, #tpu.memory_space<hbm>>) target(%dma_start3A_47 : memref<128x64xf32, #tpu.memory_space<vmem>>) offsets(%dma_start3A_49 : memref<128xi32, #tpu.memory_space<vmem>>) semaphore(%arg14 : memref<!tpu.dma_semaphore, #tpu.memory_space<semaphore_mem>>)
    %dma_start3A_53 = arith.constant 1 : i32
    %dma_start3A_54 = arith.constant 0 : i32
    %dma_start3A_55 = arith.constant 0 : i32
    %dma_start3A_56 = tpu.memref_slice %arg10[%dma_start3A_53, %dma_start3A_54, %dma_start3A_55] : memref<6x128x64xf32, #tpu.memory_space<vmem>> -> memref<1x128x64xf32, #tpu.memory_space<vmem>>
    %dma_start3A_57 = tpu.memref_squeeze %dma_start3A_56 : memref<1x128x64xf32, #tpu.memory_space<vmem>> -> memref<128x64xf32, #tpu.memory_space<vmem>>
    %dma_start3A_58 = arith.constant 128 : i32
    %dma_start3A_59 = tpu.memref_slice %arg8[%dma_start3A_58] : memref<9984xi32, #tpu.memory_space<vmem>> -> memref<128xi32, #tpu.memory_space<vmem>>
    %dma_start3A_60 = arith.constant 0 : i32
    %dma_start3A_61 = arith.constant 0 : i32
    %dma_start3A_62 = tpu.memref_slice %arg2[%dma_start3A_60, %dma_start3A_61] : memref<10000x64xf32, #tpu.memory_space<hbm>> -> memref<10000x64xf32, #tpu.memory_space<hbm>>
    tpu.enqueue_indirect_dma source(%dma_start3A_62 : memref<10000x64xf32, #tpu.memory_space<hbm>>) target(%dma_start3A_57 : memref<128x64xf32, #tpu.memory_space<vmem>>) offsets(%dma_start3A_59 : memref<128xi32, #tpu.memory_space<vmem>>) semaphore(%arg14 : memref<!tpu.dma_semaphore, #tpu.memory_space<semaphore_mem>>)
    %dma_start3A_63 = arith.constant 2 : i32
    %dma_start3A_64 = arith.constant 0 : i32
    %dma_start3A_65 = arith.constant 0 : i32
    %dma_start3A_66 = tpu.memref_slice %arg10[%dma_start3A_63, %dma_start3A_64, %dma_start3A_65] : memref<6x128x64xf32, #tpu.memory_space<vmem>> -> memref<1x128x64xf32, #tpu.memory_space<vmem>>
    %dma_start3A_67 = tpu.memref_squeeze %dma_start3A_66 : memref<1x128x64xf32, #tpu.memory_space<vmem>> -> memref<128x64xf32, #tpu.memory_space<vmem>>
    %dma_start3A_68 = arith.constant 256 : i32
    %dma_start3A_69 = tpu.memref_slice %arg8[%dma_start3A_68] : memref<9984xi32, #tpu.memory_space<vmem>> -> memref<128xi32, #tpu.memory_space<vmem>>
    %dma_start3A_70 = arith.constant 0 : i32
    %dma_start3A_71 = arith.constant 0 : i32
    %dma_start3A_72 = tpu.memref_slice %arg2[%dma_start3A_70, %dma_start3A_71] : memref<10000x64xf32, #tpu.memory_space<hbm>> -> memref<10000x64xf32, #tpu.memory_space<hbm>>
    tpu.enqueue_indirect_dma source(%dma_start3A_72 : memref<10000x64xf32, #tpu.memory_space<hbm>>) target(%dma_start3A_67 : memref<128x64xf32, #tpu.memory_space<vmem>>) offsets(%dma_start3A_69 : memref<128xi32, #tpu.memory_space<vmem>>) semaphore(%arg14 : memref<!tpu.dma_semaphore, #tpu.memory_space<semaphore_mem>>)
    %scan3A_73 = arith.constant 0 : i32
    %scan3A_74 = arith.constant 13 : i32
    %scan3A_75 = arith.addi %scan3A_73, %scan3A_74 : i32
    %scan3A_76 = arith.constant 1 : i32
    scf.for %scan3A_134 = %scan3A_73 to %scan3A_75 step %scan3A_76  : i32 {
      %mul3A_135 = arith.constant 1 : i32
      %mul3A_136 = arith.muli %scan3A_134, %mul3A_135 : i32
      %add3A_137 = arith.constant 0 : i32
      %add3A_138 = arith.addi %add3A_137, %mul3A_136 : i32
      %dma_wait3A_139 = arith.constant 0 : i32
      %dma_wait3A_140 = arith.constant 0 : i32
      %dma_wait3A_141 = arith.constant 0 : i32
      %dma_wait3A_142 = tpu.memref_slice %arg10[%dma_wait3A_139, %dma_wait3A_140, %dma_wait3A_141] : memref<6x128x64xf32, #tpu.memory_space<vmem>> -> memref<1x128x64xf32, #tpu.memory_space<vmem>>
      %dma_wait3A_143 = tpu.memref_squeeze %dma_wait3A_142 : memref<1x128x64xf32, #tpu.memory_space<vmem>> -> memref<128x64xf32, #tpu.memory_space<vmem>>
      %dma_wait3A_144 = arith.constant 0 : i32
      %dma_wait3A_145 = tpu.memref_slice %arg8[%dma_wait3A_144] : memref<9984xi32, #tpu.memory_space<vmem>> -> memref<128xi32, #tpu.memory_space<vmem>>
      %dma_wait3A_146 = arith.constant 0 : i32
      %dma_wait3A_147 = arith.constant 0 : i32
      %dma_wait3A_148 = tpu.memref_slice %arg2[%dma_wait3A_146, %dma_wait3A_147] : memref<10000x64xf32, #tpu.memory_space<hbm>> -> memref<10000x64xf32, #tpu.memory_space<hbm>>
      tpu.wait_indirect_dma semaphore(%arg14 : memref<!tpu.dma_semaphore, #tpu.memory_space<semaphore_mem>>) src(%dma_wait3A_148 : memref<10000x64xf32, #tpu.memory_space<hbm>>) dst(%dma_wait3A_143 : memref<128x64xf32, #tpu.memory_space<vmem>>)
      %dma_wait3A_149 = arith.constant 1 : i32
      %dma_wait3A_150 = arith.constant 0 : i32
      %dma_wait3A_151 = arith.constant 0 : i32
      %dma_wait3A_152 = tpu.memref_slice %arg10[%dma_wait3A_149, %dma_wait3A_150, %dma_wait3A_151] : memref<6x128x64xf32, #tpu.memory_space<vmem>> -> memref<1x128x64xf32, #tpu.memory_space<vmem>>
      %dma_wait3A_153 = tpu.memref_squeeze %dma_wait3A_152 : memref<1x128x64xf32, #tpu.memory_space<vmem>> -> memref<128x64xf32, #tpu.memory_space<vmem>>
      %dma_wait3A_154 = arith.constant 0 : i32
      %dma_wait3A_155 = tpu.memref_slice %arg8[%dma_wait3A_154] : memref<9984xi32, #tpu.memory_space<vmem>> -> memref<128xi32, #tpu.memory_space<vmem>>
      %dma_wait3A_156 = arith.constant 0 : i32
      %dma_wait3A_157 = arith.constant 0 : i32
      %dma_wait3A_158 = tpu.memref_slice %arg2[%dma_wait3A_156, %dma_wait3A_157] : memref<10000x64xf32, #tpu.memory_space<hbm>> -> memref<10000x64xf32, #tpu.memory_space<hbm>>
      tpu.wait_indirect_dma semaphore(%arg14 : memref<!tpu.dma_semaphore, #tpu.memory_space<semaphore_mem>>) src(%dma_wait3A_158 : memref<10000x64xf32, #tpu.memory_space<hbm>>) dst(%dma_wait3A_153 : memref<128x64xf32, #tpu.memory_space<vmem>>)
      %dma_wait3A_159 = arith.constant 2 : i32
      %dma_wait3A_160 = arith.constant 0 : i32
      %dma_wait3A_161 = arith.constant 0 : i32
      %dma_wait3A_162 = tpu.memref_slice %arg10[%dma_wait3A_159, %dma_wait3A_160, %dma_wait3A_161] : memref<6x128x64xf32, #tpu.memory_space<vmem>> -> memref<1x128x64xf32, #tpu.memory_space<vmem>>
      %dma_wait3A_163 = tpu.memref_squeeze %dma_wait3A_162 : memref<1x128x64xf32, #tpu.memory_space<vmem>> -> memref<128x64xf32, #tpu.memory_space<vmem>>
      %dma_wait3A_164 = arith.constant 0 : i32
      %dma_wait3A_165 = tpu.memref_slice %arg8[%dma_wait3A_164] : memref<9984xi32, #tpu.memory_space<vmem>> -> memref<128xi32, #tpu.memory_space<vmem>>
      %dma_wait3A_166 = arith.constant 0 : i32
      %dma_wait3A_167 = arith.constant 0 : i32
      %dma_wait3A_168 = tpu.memref_slice %arg2[%dma_wait3A_166, %dma_wait3A_167] : memref<10000x64xf32, #tpu.memory_space<hbm>> -> memref<10000x64xf32, #tpu.memory_space<hbm>>
      tpu.wait_indirect_dma semaphore(%arg14 : memref<!tpu.dma_semaphore, #tpu.memory_space<semaphore_mem>>) src(%dma_wait3A_168 : memref<10000x64xf32, #tpu.memory_space<hbm>>) dst(%dma_wait3A_163 : memref<128x64xf32, #tpu.memory_space<vmem>>)
      %mul3A_169 = arith.constant 2 : i32
      %mul3A_170 = arith.muli %mul3A_169, %add3A_138 : i32
      %mul3A_171 = arith.constant 3 : i32
      %mul3A_172 = arith.muli %mul3A_170, %mul3A_171 : i32
      %add3A_173 = arith.constant 0 : i32
      %add3A_174 = arith.addi %mul3A_172, %add3A_173 : i32
      %dma_start3A_175 = arith.constant 0 : i32
      %dma_start3A_176 = arith.constant 0 : i32
      %dma_start3A_177 = arith.constant 0 : i32
      %dma_start3A_178 = tpu.memref_slice %arg10[%dma_start3A_175, %dma_start3A_176, %dma_start3A_177] : memref<6x128x64xf32, #tpu.memory_space<vmem>> -> memref<1x128x64xf32, #tpu.memory_space<vmem>>
      %dma_start3A_179 = tpu.memref_squeeze %dma_start3A_178 : memref<1x128x64xf32, #tpu.memory_space<vmem>> -> memref<128x64xf32, #tpu.memory_space<vmem>>
      %dma_start3A_180 = arith.constant 0 : i32
      %dma_start3A_181 = tpu.memref_slice %arg9[%add3A_174, %dma_start3A_180] : memref<78x128xi32, #tpu.memory_space<vmem>> -> memref<1x128xi32, #tpu.memory_space<vmem>>
      %dma_start3A_182 = tpu.memref_squeeze %dma_start3A_181 : memref<1x128xi32, #tpu.memory_space<vmem>> -> memref<128xi32, #tpu.memory_space<vmem>>
      %dma_start3A_183 = arith.constant 0 : i32
      %dma_start3A_184 = arith.constant 0 : i32
      %dma_start3A_185 = tpu.memref_slice %arg13[%dma_start3A_183, %dma_start3A_184] : memref<10000x64xf32, #tpu.memory_space<vmem_shared>> -> memref<10000x64xf32, #tpu.memory_space<vmem_shared>>
      tpu.enqueue_indirect_dma source(%dma_start3A_179 : memref<128x64xf32, #tpu.memory_space<vmem>>) target(%dma_start3A_185 : memref<10000x64xf32, #tpu.memory_space<vmem_shared>>) offsets(%dma_start3A_182 : memref<128xi32, #tpu.memory_space<vmem>>) semaphore(%arg15 : memref<!tpu.dma_semaphore, #tpu.memory_space<semaphore_mem>>) {add = true}
      %mul3A_186 = arith.constant 3 : i32
      %mul3A_187 = arith.muli %mul3A_170, %mul3A_186 : i32
      %add3A_188 = arith.constant 1 : i32
      %add3A_189 = arith.addi %mul3A_187, %add3A_188 : i32
      %dma_start3A_190 = arith.constant 1 : i32
      %dma_start3A_191 = arith.constant 0 : i32
      %dma_start3A_192 = arith.constant 0 : i32
      %dma_start3A_193 = tpu.memref_slice %arg10[%dma_start3A_190, %dma_start3A_191, %dma_start3A_192] : memref<6x128x64xf32, #tpu.memory_space<vmem>> -> memref<1x128x64xf32, #tpu.memory_space<vmem>>
      %dma_start3A_194 = tpu.memref_squeeze %dma_start3A_193 : memref<1x128x64xf32, #tpu.memory_space<vmem>> -> memref<128x64xf32, #tpu.memory_space<vmem>>
      %dma_start3A_195 = arith.constant 0 : i32
      %dma_start3A_196 = tpu.memref_slice %arg9[%add3A_189, %dma_start3A_195] : memref<78x128xi32, #tpu.memory_space<vmem>> -> memref<1x128xi32, #tpu.memory_space<vmem>>
      %dma_start3A_197 = tpu.memref_squeeze %dma_start3A_196 : memref<1x128xi32, #tpu.memory_space<vmem>> -> memref<128xi32, #tpu.memory_space<vmem>>
      %dma_start3A_198 = arith.constant 0 : i32
      %dma_start3A_199 = arith.constant 0 : i32
      %dma_start3A_200 = tpu.memref_slice %arg13[%dma_start3A_198, %dma_start3A_199] : memref<10000x64xf32, #tpu.memory_space<vmem_shared>> -> memref<10000x64xf32, #tpu.memory_space<vmem_shared>>
      tpu.enqueue_indirect_dma source(%dma_start3A_194 : memref<128x64xf32, #tpu.memory_space<vmem>>) target(%dma_start3A_200 : memref<10000x64xf32, #tpu.memory_space<vmem_shared>>) offsets(%dma_start3A_197 : memref<128xi32, #tpu.memory_space<vmem>>) semaphore(%arg15 : memref<!tpu.dma_semaphore, #tpu.memory_space<semaphore_mem>>) {add = true}
      %mul3A_201 = arith.constant 3 : i32
      %mul3A_202 = arith.muli %mul3A_170, %mul3A_201 : i32
      %add3A_203 = arith.constant 2 : i32
      %add3A_204 = arith.addi %mul3A_202, %add3A_203 : i32
      %dma_start3A_205 = arith.constant 2 : i32
      %dma_start3A_206 = arith.constant 0 : i32
      %dma_start3A_207 = arith.constant 0 : i32
      %dma_start3A_208 = tpu.memref_slice %arg10[%dma_start3A_205, %dma_start3A_206, %dma_start3A_207] : memref<6x128x64xf32, #tpu.memory_space<vmem>> -> memref<1x128x64xf32, #tpu.memory_space<vmem>>
      %dma_start3A_209 = tpu.memref_squeeze %dma_start3A_208 : memref<1x128x64xf32, #tpu.memory_space<vmem>> -> memref<128x64xf32, #tpu.memory_space<vmem>>
      %dma_start3A_210 = arith.constant 0 : i32
      %dma_start3A_211 = tpu.memref_slice %arg9[%add3A_204, %dma_start3A_210] : memref<78x128xi32, #tpu.memory_space<vmem>> -> memref<1x128xi32, #tpu.memory_space<vmem>>
      %dma_start3A_212 = tpu.memref_squeeze %dma_start3A_211 : memref<1x128xi32, #tpu.memory_space<vmem>> -> memref<128xi32, #tpu.memory_space<vmem>>
      %dma_start3A_213 = arith.constant 0 : i32
      %dma_start3A_214 = arith.constant 0 : i32
      %dma_start3A_215 = tpu.memref_slice %arg13[%dma_start3A_213, %dma_start3A_214] : memref<10000x64xf32, #tpu.memory_space<vmem_shared>> -> memref<10000x64xf32, #tpu.memory_space<vmem_shared>>
      tpu.enqueue_indirect_dma source(%dma_start3A_209 : memref<128x64xf32, #tpu.memory_space<vmem>>) target(%dma_start3A_215 : memref<10000x64xf32, #tpu.memory_space<vmem_shared>>) offsets(%dma_start3A_212 : memref<128xi32, #tpu.memory_space<vmem>>) semaphore(%arg15 : memref<!tpu.dma_semaphore, #tpu.memory_space<semaphore_mem>>) {add = true}
      %mul3A_216 = arith.constant 2 : i32
      %mul3A_217 = arith.muli %mul3A_216, %add3A_138 : i32
      %mul3A_218 = arith.constant 3 : i32
      %mul3A_219 = arith.muli %mul3A_217, %mul3A_218 : i32
      %add3A_220 = arith.constant 0 : i32
      %add3A_221 = arith.addi %mul3A_219, %add3A_220 : i32
      %get3A = arith.index_cast %add3A_221 : i32 to index
      %get3A_222 = arith.constant 0 : index
      %get3A_223 = tpu.vector_load %arg9[%get3A, %get3A_222] {strides = array<i32>} : memref<78x128xi32, #tpu.memory_space<vmem>>, vector<16xi32>,
      tpu.vector_store_idx %arg11[%get3A_223], %broadcast_in_dim3A_3 {add = true} : memref<10000xf32, #tpu.memory_space<vmem>>[vector<16xi32>], vector<16xf32>,
      %get3A_224 = arith.index_cast %add3A_221 : i32 to index
      %get3A_225 = arith.constant 16 : index
      %get3A_226 = tpu.vector_load %arg9[%get3A_224, %get3A_225] {strides = array<i32>} : memref<78x128xi32, #tpu.memory_space<vmem>>, vector<16xi32>,
      tpu.vector_store_idx %arg11[%get3A_226], %broadcast_in_dim3A_3 {add = true} : memref<10000xf32, #tpu.memory_space<vmem>>[vector<16xi32>], vector<16xf32>,
      %get3A_227 = arith.index_cast %add3A_221 : i32 to index
      %get3A_228 = arith.constant 32 : index
      %get3A_229 = tpu.vector_load %arg9[%get3A_227, %get3A_228] {strides = array<i32>} : memref<78x128xi32, #tpu.memory_space<vmem>>, vector<16xi32>,
      tpu.vector_store_idx %arg11[%get3A_229], %broadcast_in_dim3A_3 {add = true} : memref<10000xf32, #tpu.memory_space<vmem>>[vector<16xi32>], vector<16xf32>,
      %get3A_230 = arith.index_cast %add3A_221 : i32 to index
      %get3A_231 = arith.constant 48 : index
      %get3A_232 = tpu.vector_load %arg9[%get3A_230, %get3A_231] {strides = array<i32>} : memref<78x128xi32, #tpu.memory_space<vmem>>, vector<16xi32>,
      tpu.vector_store_idx %arg11[%get3A_232], %broadcast_in_dim3A_3 {add = true} : memref<10000xf32, #tpu.memory_space<vmem>>[vector<16xi32>], vector<16xf32>,
      %get3A_233 = arith.index_cast %add3A_221 : i32 to index
      %get3A_234 = arith.constant 64 : index
      %get3A_235 = tpu.vector_load %arg9[%get3A_233, %get3A_234] {strides = array<i32>} : memref<78x128xi32, #tpu.memory_space<vmem>>, vector<16xi32>,
      tpu.vector_store_idx %arg11[%get3A_235], %broadcast_in_dim3A_3 {add = true} : memref<10000xf32, #tpu.memory_space<vmem>>[vector<16xi32>], vector<16xf32>,
      %get3A_236 = arith.index_cast %add3A_221 : i32 to index
      %get3A_237 = arith.constant 80 : index
      %get3A_238 = tpu.vector_load %arg9[%get3A_236, %get3A_237] {strides = array<i32>} : memref<78x128xi32, #tpu.memory_space<vmem>>, vector<16xi32>,
      tpu.vector_store_idx %arg11[%get3A_238], %broadcast_in_dim3A_3 {add = true} : memref<10000xf32, #tpu.memory_space<vmem>>[vector<16xi32>], vector<16xf32>,
      %get3A_239 = arith.index_cast %add3A_221 : i32 to index
      %get3A_240 = arith.constant 96 : index
      %get3A_241 = tpu.vector_load %arg9[%get3A_239, %get3A_240] {strides = array<i32>} : memref<78x128xi32, #tpu.memory_space<vmem>>, vector<16xi32>,
      tpu.vector_store_idx %arg11[%get3A_241], %broadcast_in_dim3A_3 {add = true} : memref<10000xf32, #tpu.memory_space<vmem>>[vector<16xi32>], vector<16xf32>,
      %get3A_242 = arith.index_cast %add3A_221 : i32 to index
      %get3A_243 = arith.constant 112 : index
      %get3A_244 = tpu.vector_load %arg9[%get3A_242, %get3A_243] {strides = array<i32>} : memref<78x128xi32, #tpu.memory_space<vmem>>, vector<16xi32>,
      tpu.vector_store_idx %arg11[%get3A_244], %broadcast_in_dim3A_3 {add = true} : memref<10000xf32, #tpu.memory_space<vmem>>[vector<16xi32>], vector<16xf32>,
      %mul3A_245 = arith.constant 3 : i32
      %mul3A_246 = arith.muli %mul3A_217, %mul3A_245 : i32
      %add3A_247 = arith.constant 1 : i32
      %add3A_248 = arith.addi %mul3A_246, %add3A_247 : i32
      %get3A_249 = arith.index_cast %add3A_248 : i32 to index
      %get3A_250 = arith.constant 0 : index
      %get3A_251 = tpu.vector_load %arg9[%get3A_249, %get3A_250] {strides = array<i32>} : memref<78x128xi32, #tpu.memory_space<vmem>>, vector<16xi32>,
      tpu.vector_store_idx %arg11[%get3A_251], %broadcast_in_dim3A_3 {add = true} : memref<10000xf32, #tpu.memory_space<vmem>>[vector<16xi32>], vector<16xf32>,
      %get3A_252 = arith.index_cast %add3A_248 : i32 to index
      %get3A_253 = arith.constant 16 : index
      %get3A_254 = tpu.vector_load %arg9[%get3A_252, %get3A_253] {strides = array<i32>} : memref<78x128xi32, #tpu.memory_space<vmem>>, vector<16xi32>,
      tpu.vector_store_idx %arg11[%get3A_254], %broadcast_in_dim3A_3 {add = true} : memref<10000xf32, #tpu.memory_space<vmem>>[vector<16xi32>], vector<16xf32>,
      %get3A_255 = arith.index_cast %add3A_248 : i32 to index
      %get3A_256 = arith.constant 32 : index
      %get3A_257 = tpu.vector_load %arg9[%get3A_255, %get3A_256] {strides = array<i32>} : memref<78x128xi32, #tpu.memory_space<vmem>>, vector<16xi32>,
      tpu.vector_store_idx %arg11[%get3A_257], %broadcast_in_dim3A_3 {add = true} : memref<10000xf32, #tpu.memory_space<vmem>>[vector<16xi32>], vector<16xf32>,
      %get3A_258 = arith.index_cast %add3A_248 : i32 to index
      %get3A_259 = arith.constant 48 : index
      %get3A_260 = tpu.vector_load %arg9[%get3A_258, %get3A_259] {strides = array<i32>} : memref<78x128xi32, #tpu.memory_space<vmem>>, vector<16xi32>,
      tpu.vector_store_idx %arg11[%get3A_260], %broadcast_in_dim3A_3 {add = true} : memref<10000xf32, #tpu.memory_space<vmem>>[vector<16xi32>], vector<16xf32>,
      %get3A_261 = arith.index_cast %add3A_248 : i32 to index
      %get3A_262 = arith.constant 64 : index
      %get3A_263 = tpu.vector_load %arg9[%get3A_261, %get3A_262] {strides = array<i32>} : memref<78x128xi32, #tpu.memory_space<vmem>>, vector<16xi32>,
      tpu.vector_store_idx %arg11[%get3A_263], %broadcast_in_dim3A_3 {add = true} : memref<10000xf32, #tpu.memory_space<vmem>>[vector<16xi32>], vector<16xf32>,
      %get3A_264 = arith.index_cast %add3A_248 : i32 to index
      %get3A_265 = arith.constant 80 : index
      %get3A_266 = tpu.vector_load %arg9[%get3A_264, %get3A_265] {strides = array<i32>} : memref<78x128xi32, #tpu.memory_space<vmem>>, vector<16xi32>,
      tpu.vector_store_idx %arg11[%get3A_266], %broadcast_in_dim3A_3 {add = true} : memref<10000xf32, #tpu.memory_space<vmem>>[vector<16xi32>], vector<16xf32>,
      %get3A_267 = arith.index_cast %add3A_248 : i32 to index
      %get3A_268 = arith.constant 96 : index
      %get3A_269 = tpu.vector_load %arg9[%get3A_267, %get3A_268] {strides = array<i32>} : memref<78x128xi32, #tpu.memory_space<vmem>>, vector<16xi32>,
      tpu.vector_store_idx %arg11[%get3A_269], %broadcast_in_dim3A_3 {add = true} : memref<10000xf32, #tpu.memory_space<vmem>>[vector<16xi32>], vector<16xf32>,
      %get3A_270 = arith.index_cast %add3A_248 : i32 to index
      %get3A_271 = arith.constant 112 : index
      %get3A_272 = tpu.vector_load %arg9[%get3A_270, %get3A_271] {strides = array<i32>} : memref<78x128xi32, #tpu.memory_space<vmem>>, vector<16xi32>,
      tpu.vector_store_idx %arg11[%get3A_272], %broadcast_in_dim3A_3 {add = true} : memref<10000xf32, #tpu.memory_space<vmem>>[vector<16xi32>], vector<16xf32>,
      %mul3A_273 = arith.constant 3 : i32
      %mul3A_274 = arith.muli %mul3A_217, %mul3A_273 : i32
      %add3A_275 = arith.constant 2 : i32
      %add3A_276 = arith.addi %mul3A_274, %add3A_275 : i32
      %get3A_277 = arith.index_cast %add3A_276 : i32 to index
      %get3A_278 = arith.constant 0 : index
      %get3A_279 = tpu.vector_load %arg9[%get3A_277, %get3A_278] {strides = array<i32>} : memref<78x128xi32, #tpu.memory_space<vmem>>, vector<16xi32>,
      tpu.vector_store_idx %arg11[%get3A_279], %broadcast_in_dim3A_3 {add = true} : memref<10000xf32, #tpu.memory_space<vmem>>[vector<16xi32>], vector<16xf32>,
      %get3A_280 = arith.index_cast %add3A_276 : i32 to index
      %get3A_281 = arith.constant 16 : index
      %get3A_282 = tpu.vector_load %arg9[%get3A_280, %get3A_281] {strides = array<i32>} : memref<78x128xi32, #tpu.memory_space<vmem>>, vector<16xi32>,
      tpu.vector_store_idx %arg11[%get3A_282], %broadcast_in_dim3A_3 {add = true} : memref<10000xf32, #tpu.memory_space<vmem>>[vector<16xi32>], vector<16xf32>,
      %get3A_283 = arith.index_cast %add3A_276 : i32 to index
      %get3A_284 = arith.constant 32 : index
      %get3A_285 = tpu.vector_load %arg9[%get3A_283, %get3A_284] {strides = array<i32>} : memref<78x128xi32, #tpu.memory_space<vmem>>, vector<16xi32>,
      tpu.vector_store_idx %arg11[%get3A_285], %broadcast_in_dim3A_3 {add = true} : memref<10000xf32, #tpu.memory_space<vmem>>[vector<16xi32>], vector<16xf32>,
      %get3A_286 = arith.index_cast %add3A_276 : i32 to index
      %get3A_287 = arith.constant 48 : index
      %get3A_288 = tpu.vector_load %arg9[%get3A_286, %get3A_287] {strides = array<i32>} : memref<78x128xi32, #tpu.memory_space<vmem>>, vector<16xi32>,
      tpu.vector_store_idx %arg11[%get3A_288], %broadcast_in_dim3A_3 {add = true} : memref<10000xf32, #tpu.memory_space<vmem>>[vector<16xi32>], vector<16xf32>,
      %get3A_289 = arith.index_cast %add3A_276 : i32 to index
      %get3A_290 = arith.constant 64 : index
      %get3A_291 = tpu.vector_load %arg9[%get3A_289, %get3A_290] {strides = array<i32>} : memref<78x128xi32, #tpu.memory_space<vmem>>, vector<16xi32>,
      tpu.vector_store_idx %arg11[%get3A_291], %broadcast_in_dim3A_3 {add = true} : memref<10000xf32, #tpu.memory_space<vmem>>[vector<16xi32>], vector<16xf32>,
      %get3A_292 = arith.index_cast %add3A_276 : i32 to index
      %get3A_293 = arith.constant 80 : index
      %get3A_294 = tpu.vector_load %arg9[%get3A_292, %get3A_293] {strides = array<i32>} : memref<78x128xi32, #tpu.memory_space<vmem>>, vector<16xi32>,
      tpu.vector_store_idx %arg11[%get3A_294], %broadcast_in_dim3A_3 {add = true} : memref<10000xf32, #tpu.memory_space<vmem>>[vector<16xi32>], vector<16xf32>,
      %get3A_295 = arith.index_cast %add3A_276 : i32 to index
      %get3A_296 = arith.constant 96 : index
      %get3A_297 = tpu.vector_load %arg9[%get3A_295, %get3A_296] {strides = array<i32>} : memref<78x128xi32, #tpu.memory_space<vmem>>, vector<16xi32>,
      tpu.vector_store_idx %arg11[%get3A_297], %broadcast_in_dim3A_3 {add = true} : memref<10000xf32, #tpu.memory_space<vmem>>[vector<16xi32>], vector<16xf32>,
      %get3A_298 = arith.index_cast %add3A_276 : i32 to index
      %get3A_299 = arith.constant 112 : index
      %get3A_300 = tpu.vector_load %arg9[%get3A_298, %get3A_299] {strides = array<i32>} : memref<78x128xi32, #tpu.memory_space<vmem>>, vector<16xi32>,
      tpu.vector_store_idx %arg11[%get3A_300], %broadcast_in_dim3A_3 {add = true} : memref<10000xf32, #tpu.memory_space<vmem>>[vector<16xi32>], vector<16xf32>,
      %gt3A = arith.constant 0 : i32
      %gt3A_301 = arith.cmpi sgt, %add3A_138, %gt3A : i32
      %convert_element_type3A_302 = arith.extui %gt3A_301 : i1 to i32
      %cond3A_303 = arith.constant 0 : i32
      %cond3A_304 = arith.cmpi ne, %convert_element_type3A_302, %cond3A_303 : i32
      scf.if %cond3A_304 {
        %dma_wait3A_562 = arith.constant 3 : i32
        %dma_wait3A_563 = arith.constant 0 : i32
        %dma_wait3A_564 = arith.constant 0 : i32
        %dma_wait3A_565 = arith.constant 0 : i32
        %dma_wait3A_566 = tpu.memref_slice %arg10[%dma_wait3A_562, %dma_wait3A_564, %dma_wait3A_565] : memref<6x128x64xf32, #tpu.memory_space<vmem>> -> memref<1x128x64xf32, #tpu.memory_space<vmem>>
        %dma_wait3A_567 = tpu.memref_squeeze %dma_wait3A_566 : memref<1x128x64xf32, #tpu.memory_space<vmem>> -> memref<128x64xf32, #tpu.memory_space<vmem>>
        %dma_wait3A_568 = arith.constant 0 : i32
        %dma_wait3A_569 = tpu.memref_slice %arg9[%dma_wait3A_563, %dma_wait3A_568] : memref<78x128xi32, #tpu.memory_space<vmem>> -> memref<1x128xi32, #tpu.memory_space<vmem>>
        %dma_wait3A_570 = tpu.memref_squeeze %dma_wait3A_569 : memref<1x128xi32, #tpu.memory_space<vmem>> -> memref<128xi32, #tpu.memory_space<vmem>>
        %dma_wait3A_571 = arith.constant 0 : i32
        %dma_wait3A_572 = arith.constant 0 : i32
        %dma_wait3A_573 = tpu.memref_slice %arg13[%dma_wait3A_571, %dma_wait3A_572] : memref<10000x64xf32, #tpu.memory_space<vmem_shared>> -> memref<10000x64xf32, #tpu.memory_space<vmem_shared>>
        tpu.wait_indirect_dma semaphore(%arg16 : memref<!tpu.dma_semaphore, #tpu.memory_space<semaphore_mem>>) src(%dma_wait3A_567 : memref<128x64xf32, #tpu.memory_space<vmem>>) dst(%dma_wait3A_573 : memref<10000x64xf32, #tpu.memory_space<vmem_shared>>)
        %dma_wait3A_574 = arith.constant 4 : i32
        %dma_wait3A_575 = arith.constant 0 : i32
        %dma_wait3A_576 = arith.constant 0 : i32
        %dma_wait3A_577 = arith.constant 0 : i32
        %dma_wait3A_578 = tpu.memref_slice %arg10[%dma_wait3A_574, %dma_wait3A_576, %dma_wait3A_577] : memref<6x128x64xf32, #tpu.memory_space<vmem>> -> memref<1x128x64xf32, #tpu.memory_space<vmem>>
        %dma_wait3A_579 = tpu.memref_squeeze %dma_wait3A_578 : memref<1x128x64xf32, #tpu.memory_space<vmem>> -> memref<128x64xf32, #tpu.memory_space<vmem>>
        %dma_wait3A_580 = arith.constant 0 : i32
        %dma_wait3A_581 = tpu.memref_slice %arg9[%dma_wait3A_575, %dma_wait3A_580] : memref<78x128xi32, #tpu.memory_space<vmem>> -> memref<1x128xi32, #tpu.memory_space<vmem>>
        %dma_wait3A_582 = tpu.memref_squeeze %dma_wait3A_581 : memref<1x128xi32, #tpu.memory_space<vmem>> -> memref<128xi32, #tpu.memory_space<vmem>>
        %dma_wait3A_583 = arith.constant 0 : i32
        %dma_wait3A_584 = arith.constant 0 : i32
        %dma_wait3A_585 = tpu.memref_slice %arg13[%dma_wait3A_583, %dma_wait3A_584] : memref<10000x64xf32, #tpu.memory_space<vmem_shared>> -> memref<10000x64xf32, #tpu.memory_space<vmem_shared>>
        tpu.wait_indirect_dma semaphore(%arg16 : memref<!tpu.dma_semaphore, #tpu.memory_space<semaphore_mem>>) src(%dma_wait3A_579 : memref<128x64xf32, #tpu.memory_space<vmem>>) dst(%dma_wait3A_585 : memref<10000x64xf32, #tpu.memory_space<vmem_shared>>)
        %dma_wait3A_586 = arith.constant 5 : i32
        %dma_wait3A_587 = arith.constant 0 : i32
        %dma_wait3A_588 = arith.constant 0 : i32
        %dma_wait3A_589 = arith.constant 0 : i32
        %dma_wait3A_590 = tpu.memref_slice %arg10[%dma_wait3A_586, %dma_wait3A_588, %dma_wait3A_589] : memref<6x128x64xf32, #tpu.memory_space<vmem>> -> memref<1x128x64xf32, #tpu.memory_space<vmem>>
        %dma_wait3A_591 = tpu.memref_squeeze %dma_wait3A_590 : memref<1x128x64xf32, #tpu.memory_space<vmem>> -> memref<128x64xf32, #tpu.memory_space<vmem>>
        %dma_wait3A_592 = arith.constant 0 : i32
        %dma_wait3A_593 = tpu.memref_slice %arg9[%dma_wait3A_587, %dma_wait3A_592] : memref<78x128xi32, #tpu.memory_space<vmem>> -> memref<1x128xi32, #tpu.memory_space<vmem>>
        %dma_wait3A_594 = tpu.memref_squeeze %dma_wait3A_593 : memref<1x128xi32, #tpu.memory_space<vmem>> -> memref<128xi32, #tpu.memory_space<vmem>>
        %dma_wait3A_595 = arith.constant 0 : i32
        %dma_wait3A_596 = arith.constant 0 : i32
        %dma_wait3A_597 = tpu.memref_slice %arg13[%dma_wait3A_595, %dma_wait3A_596] : memref<10000x64xf32, #tpu.memory_space<vmem_shared>> -> memref<10000x64xf32, #tpu.memory_space<vmem_shared>>
        tpu.wait_indirect_dma semaphore(%arg16 : memref<!tpu.dma_semaphore, #tpu.memory_space<semaphore_mem>>) src(%dma_wait3A_591 : memref<128x64xf32, #tpu.memory_space<vmem>>) dst(%dma_wait3A_597 : memref<10000x64xf32, #tpu.memory_space<vmem_shared>>)
      } else {
      }
      %mul3A_305 = arith.constant 2 : i32
      %mul3A_306 = arith.muli %mul3A_305, %add3A_138 : i32
      %add3A_307 = arith.constant 1 : i32
      %add3A_308 = arith.addi %mul3A_306, %add3A_307 : i32
      %mul3A_309 = arith.constant 3 : i32
      %mul3A_310 = arith.muli %add3A_308, %mul3A_309 : i32
      %add3A_311 = arith.constant 0 : i32
      %add3A_312 = arith.addi %mul3A_310, %add3A_311 : i32
      %mul3A_313 = arith.constant 128 : i32
      %mul3A_314 = arith.muli %add3A_312, %mul3A_313 : i32
      %dma_start3A_315 = arith.constant 3 : i32
      %dma_start3A_316 = arith.constant 0 : i32
      %dma_start3A_317 = arith.constant 0 : i32
      %dma_start3A_318 = tpu.memref_slice %arg10[%dma_start3A_315, %dma_start3A_316, %dma_start3A_317] : memref<6x128x64xf32, #tpu.memory_space<vmem>> -> memref<1x128x64xf32, #tpu.memory_space<vmem>>
      %dma_start3A_319 = tpu.memref_squeeze %dma_start3A_318 : memref<1x128x64xf32, #tpu.memory_space<vmem>> -> memref<128x64xf32, #tpu.memory_space<vmem>>
      %dma_start3A_320 = tpu.memref_slice %arg8[%mul3A_314] : memref<9984xi32, #tpu.memory_space<vmem>> -> memref<128xi32, #tpu.memory_space<vmem>>
      %dma_start3A_321 = arith.constant 0 : i32
      %dma_start3A_322 = arith.constant 0 : i32
      %dma_start3A_323 = tpu.memref_slice %arg2[%dma_start3A_321, %dma_start3A_322] : memref<10000x64xf32, #tpu.memory_space<hbm>> -> memref<10000x64xf32, #tpu.memory_space<hbm>>
      tpu.enqueue_indirect_dma source(%dma_start3A_323 : memref<10000x64xf32, #tpu.memory_space<hbm>>) target(%dma_start3A_319 : memref<128x64xf32, #tpu.memory_space<vmem>>) offsets(%dma_start3A_320 : memref<128xi32, #tpu.memory_space<vmem>>) semaphore(%arg14 : memref<!tpu.dma_semaphore, #tpu.memory_space<semaphore_mem>>)
      %mul3A_324 = arith.constant 3 : i32
      %mul3A_325 = arith.muli %add3A_308, %mul3A_324 : i32
      %add3A_326 = arith.constant 1 : i32
      %add3A_327 = arith.addi %mul3A_325, %add3A_326 : i32
      %mul3A_328 = arith.constant 128 : i32
      %mul3A_329 = arith.muli %add3A_327, %mul3A_328 : i32
      %dma_start3A_330 = arith.constant 4 : i32
      %dma_start3A_331 = arith.constant 0 : i32
      %dma_start3A_332 = arith.constant 0 : i32
      %dma_start3A_333 = tpu.memref_slice %arg10[%dma_start3A_330, %dma_start3A_331, %dma_start3A_332] : memref<6x128x64xf32, #tpu.memory_space<vmem>> -> memref<1x128x64xf32, #tpu.memory_space<vmem>>
      %dma_start3A_334 = tpu.memref_squeeze %dma_start3A_333 : memref<1x128x64xf32, #tpu.memory_space<vmem>> -> memref<128x64xf32, #tpu.memory_space<vmem>>
      %dma_start3A_335 = tpu.memref_slice %arg8[%mul3A_329] : memref<9984xi32, #tpu.memory_space<vmem>> -> memref<128xi32, #tpu.memory_space<vmem>>
      %dma_start3A_336 = arith.constant 0 : i32
      %dma_start3A_337 = arith.constant 0 : i32
      %dma_start3A_338 = tpu.memref_slice %arg2[%dma_start3A_336, %dma_start3A_337] : memref<10000x64xf32, #tpu.memory_space<hbm>> -> memref<10000x64xf32, #tpu.memory_space<hbm>>
      tpu.enqueue_indirect_dma source(%dma_start3A_338 : memref<10000x64xf32, #tpu.memory_space<hbm>>) target(%dma_start3A_334 : memref<128x64xf32, #tpu.memory_space<vmem>>) offsets(%dma_start3A_335 : memref<128xi32, #tpu.memory_space<vmem>>) semaphore(%arg14 : memref<!tpu.dma_semaphore, #tpu.memory_space<semaphore_mem>>)
      %mul3A_339 = arith.constant 3 : i32
      %mul3A_340 = arith.muli %add3A_308, %mul3A_339 : i32
      %add3A_341 = arith.constant 2 : i32
      %add3A_342 = arith.addi %mul3A_340, %add3A_341 : i32
      %mul3A_343 = arith.constant 128 : i32
      %mul3A_344 = arith.muli %add3A_342, %mul3A_343 : i32
      %dma_start3A_345 = arith.constant 5 : i32
      %dma_start3A_346 = arith.constant 0 : i32
      %dma_start3A_347 = arith.constant 0 : i32
      %dma_start3A_348 = tpu.memref_slice %arg10[%dma_start3A_345, %dma_start3A_346, %dma_start3A_347] : memref<6x128x64xf32, #tpu.memory_space<vmem>> -> memref<1x128x64xf32, #tpu.memory_space<vmem>>
      %dma_start3A_349 = tpu.memref_squeeze %dma_start3A_348 : memref<1x128x64xf32, #tpu.memory_space<vmem>> -> memref<128x64xf32, #tpu.memory_space<vmem>>
      %dma_start3A_350 = tpu.memref_slice %arg8[%mul3A_344] : memref<9984xi32, #tpu.memory_space<vmem>> -> memref<128xi32, #tpu.memory_space<vmem>>
      %dma_start3A_351 = arith.constant 0 : i32
      %dma_start3A_352 = arith.constant 0 : i32
      %dma_start3A_353 = tpu.memref_slice %arg2[%dma_start3A_351, %dma_start3A_352] : memref<10000x64xf32, #tpu.memory_space<hbm>> -> memref<10000x64xf32, #tpu.memory_space<hbm>>
      tpu.enqueue_indirect_dma source(%dma_start3A_353 : memref<10000x64xf32, #tpu.memory_space<hbm>>) target(%dma_start3A_349 : memref<128x64xf32, #tpu.memory_space<vmem>>) offsets(%dma_start3A_350 : memref<128xi32, #tpu.memory_space<vmem>>) semaphore(%arg14 : memref<!tpu.dma_semaphore, #tpu.memory_space<semaphore_mem>>)
      %dma_wait3A_354 = arith.constant 3 : i32
      %dma_wait3A_355 = arith.constant 0 : i32
      %dma_wait3A_356 = arith.constant 0 : i32
      %dma_wait3A_357 = tpu.memref_slice %arg10[%dma_wait3A_354, %dma_wait3A_355, %dma_wait3A_356] : memref<6x128x64xf32, #tpu.memory_space<vmem>> -> memref<1x128x64xf32, #tpu.memory_space<vmem>>
      %dma_wait3A_358 = tpu.memref_squeeze %dma_wait3A_357 : memref<1x128x64xf32, #tpu.memory_space<vmem>> -> memref<128x64xf32, #tpu.memory_space<vmem>>
      %dma_wait3A_359 = arith.constant 0 : i32
      %dma_wait3A_360 = tpu.memref_slice %arg8[%dma_wait3A_359] : memref<9984xi32, #tpu.memory_space<vmem>> -> memref<128xi32, #tpu.memory_space<vmem>>
      %dma_wait3A_361 = arith.constant 0 : i32
      %dma_wait3A_362 = arith.constant 0 : i32
      %dma_wait3A_363 = tpu.memref_slice %arg2[%dma_wait3A_361, %dma_wait3A_362] : memref<10000x64xf32, #tpu.memory_space<hbm>> -> memref<10000x64xf32, #tpu.memory_space<hbm>>
      tpu.wait_indirect_dma semaphore(%arg14 : memref<!tpu.dma_semaphore, #tpu.memory_space<semaphore_mem>>) src(%dma_wait3A_363 : memref<10000x64xf32, #tpu.memory_space<hbm>>) dst(%dma_wait3A_358 : memref<128x64xf32, #tpu.memory_space<vmem>>)
      %dma_wait3A_364 = arith.constant 4 : i32
      %dma_wait3A_365 = arith.constant 0 : i32
      %dma_wait3A_366 = arith.constant 0 : i32
      %dma_wait3A_367 = tpu.memref_slice %arg10[%dma_wait3A_364, %dma_wait3A_365, %dma_wait3A_366] : memref<6x128x64xf32, #tpu.memory_space<vmem>> -> memref<1x128x64xf32, #tpu.memory_space<vmem>>
      %dma_wait3A_368 = tpu.memref_squeeze %dma_wait3A_367 : memref<1x128x64xf32, #tpu.memory_space<vmem>> -> memref<128x64xf32, #tpu.memory_space<vmem>>
      %dma_wait3A_369 = arith.constant 0 : i32
      %dma_wait3A_370 = tpu.memref_slice %arg8[%dma_wait3A_369] : memref<9984xi32, #tpu.memory_space<vmem>> -> memref<128xi32, #tpu.memory_space<vmem>>
      %dma_wait3A_371 = arith.constant 0 : i32
      %dma_wait3A_372 = arith.constant 0 : i32
      %dma_wait3A_373 = tpu.memref_slice %arg2[%dma_wait3A_371, %dma_wait3A_372] : memref<10000x64xf32, #tpu.memory_space<hbm>> -> memref<10000x64xf32, #tpu.memory_space<hbm>>
      tpu.wait_indirect_dma semaphore(%arg14 : memref<!tpu.dma_semaphore, #tpu.memory_space<semaphore_mem>>) src(%dma_wait3A_373 : memref<10000x64xf32, #tpu.memory_space<hbm>>) dst(%dma_wait3A_368 : memref<128x64xf32, #tpu.memory_space<vmem>>)
      %dma_wait3A_374 = arith.constant 5 : i32
      %dma_wait3A_375 = arith.constant 0 : i32
      %dma_wait3A_376 = arith.constant 0 : i32
      %dma_wait3A_377 = tpu.memref_slice %arg10[%dma_wait3A_374, %dma_wait3A_375, %dma_wait3A_376] : memref<6x128x64xf32, #tpu.memory_space<vmem>> -> memref<1x128x64xf32, #tpu.memory_space<vmem>>
      %dma_wait3A_378 = tpu.memref_squeeze %dma_wait3A_377 : memref<1x128x64xf32, #tpu.memory_space<vmem>> -> memref<128x64xf32, #tpu.memory_space<vmem>>
      %dma_wait3A_379 = arith.constant 0 : i32
      %dma_wait3A_380 = tpu.memref_slice %arg8[%dma_wait3A_379] : memref<9984xi32, #tpu.memory_space<vmem>> -> memref<128xi32, #tpu.memory_space<vmem>>
      %dma_wait3A_381 = arith.constant 0 : i32
      %dma_wait3A_382 = arith.constant 0 : i32
      %dma_wait3A_383 = tpu.memref_slice %arg2[%dma_wait3A_381, %dma_wait3A_382] : memref<10000x64xf32, #tpu.memory_space<hbm>> -> memref<10000x64xf32, #tpu.memory_space<hbm>>
      tpu.wait_indirect_dma semaphore(%arg14 : memref<!tpu.dma_semaphore, #tpu.memory_space<semaphore_mem>>) src(%dma_wait3A_383 : memref<10000x64xf32, #tpu.memory_space<hbm>>) dst(%dma_wait3A_378 : memref<128x64xf32, #tpu.memory_space<vmem>>)
      %mul3A_384 = arith.constant 2 : i32
      %mul3A_385 = arith.muli %mul3A_384, %add3A_138 : i32
      %add3A_386 = arith.constant 1 : i32
      %add3A_387 = arith.addi %mul3A_385, %add3A_386 : i32
      %mul3A_388 = arith.constant 3 : i32
      %mul3A_389 = arith.muli %add3A_387, %mul3A_388 : i32
      %add3A_390 = arith.constant 0 : i32
      %add3A_391 = arith.addi %mul3A_389, %add3A_390 : i32
      %dma_start3A_392 = arith.constant 3 : i32
      %dma_start3A_393 = arith.constant 0 : i32
      %dma_start3A_394 = arith.constant 0 : i32
      %dma_start3A_395 = tpu.memref_slice %arg10[%dma_start3A_392, %dma_start3A_393, %dma_start3A_394] : memref<6x128x64xf32, #tpu.memory_space<vmem>> -> memref<1x128x64xf32, #tpu.memory_space<vmem>>
      %dma_start3A_396 = tpu.memref_squeeze %dma_start3A_395 : memref<1x128x64xf32, #tpu.memory_space<vmem>> -> memref<128x64xf32, #tpu.memory_space<vmem>>
      %dma_start3A_397 = arith.constant 0 : i32
      %dma_start3A_398 = tpu.memref_slice %arg9[%add3A_391, %dma_start3A_397] : memref<78x128xi32, #tpu.memory_space<vmem>> -> memref<1x128xi32, #tpu.memory_space<vmem>>
      %dma_start3A_399 = tpu.memref_squeeze %dma_start3A_398 : memref<1x128xi32, #tpu.memory_space<vmem>> -> memref<128xi32, #tpu.memory_space<vmem>>
      %dma_start3A_400 = arith.constant 0 : i32
      %dma_start3A_401 = arith.constant 0 : i32
      %dma_start3A_402 = tpu.memref_slice %arg13[%dma_start3A_400, %dma_start3A_401] : memref<10000x64xf32, #tpu.memory_space<vmem_shared>> -> memref<10000x64xf32, #tpu.memory_space<vmem_shared>>
      tpu.enqueue_indirect_dma source(%dma_start3A_396 : memref<128x64xf32, #tpu.memory_space<vmem>>) target(%dma_start3A_402 : memref<10000x64xf32, #tpu.memory_space<vmem_shared>>) offsets(%dma_start3A_399 : memref<128xi32, #tpu.memory_space<vmem>>) semaphore(%arg16 : memref<!tpu.dma_semaphore, #tpu.memory_space<semaphore_mem>>) {add = true}
      %mul3A_403 = arith.constant 3 : i32
      %mul3A_404 = arith.muli %add3A_387, %mul3A_403 : i32
      %add3A_405 = arith.constant 1 : i32
      %add3A_406 = arith.addi %mul3A_404, %add3A_405 : i32
      %dma_start3A_407 = arith.constant 4 : i32
      %dma_start3A_408 = arith.constant 0 : i32
      %dma_start3A_409 = arith.constant 0 : i32
      %dma_start3A_410 = tpu.memref_slice %arg10[%dma_start3A_407, %dma_start3A_408, %dma_start3A_409] : memref<6x128x64xf32, #tpu.memory_space<vmem>> -> memref<1x128x64xf32, #tpu.memory_space<vmem>>
      %dma_start3A_411 = tpu.memref_squeeze %dma_start3A_410 : memref<1x128x64xf32, #tpu.memory_space<vmem>> -> memref<128x64xf32, #tpu.memory_space<vmem>>
      %dma_start3A_412 = arith.constant 0 : i32
      %dma_start3A_413 = tpu.memref_slice %arg9[%add3A_406, %dma_start3A_412] : memref<78x128xi32, #tpu.memory_space<vmem>> -> memref<1x128xi32, #tpu.memory_space<vmem>>
      %dma_start3A_414 = tpu.memref_squeeze %dma_start3A_413 : memref<1x128xi32, #tpu.memory_space<vmem>> -> memref<128xi32, #tpu.memory_space<vmem>>
      %dma_start3A_415 = arith.constant 0 : i32
      %dma_start3A_416 = arith.constant 0 : i32
      %dma_start3A_417 = tpu.memref_slice %arg13[%dma_start3A_415, %dma_start3A_416] : memref<10000x64xf32, #tpu.memory_space<vmem_shared>> -> memref<10000x64xf32, #tpu.memory_space<vmem_shared>>
      tpu.enqueue_indirect_dma source(%dma_start3A_411 : memref<128x64xf32, #tpu.memory_space<vmem>>) target(%dma_start3A_417 : memref<10000x64xf32, #tpu.memory_space<vmem_shared>>) offsets(%dma_start3A_414 : memref<128xi32, #tpu.memory_space<vmem>>) semaphore(%arg16 : memref<!tpu.dma_semaphore, #tpu.memory_space<semaphore_mem>>) {add = true}
      %mul3A_418 = arith.constant 3 : i32
      %mul3A_419 = arith.muli %add3A_387, %mul3A_418 : i32
      %add3A_420 = arith.constant 2 : i32
      %add3A_421 = arith.addi %mul3A_419, %add3A_420 : i32
      %dma_start3A_422 = arith.constant 5 : i32
      %dma_start3A_423 = arith.constant 0 : i32
      %dma_start3A_424 = arith.constant 0 : i32
      %dma_start3A_425 = tpu.memref_slice %arg10[%dma_start3A_422, %dma_start3A_423, %dma_start3A_424] : memref<6x128x64xf32, #tpu.memory_space<vmem>> -> memref<1x128x64xf32, #tpu.memory_space<vmem>>
      %dma_start3A_426 = tpu.memref_squeeze %dma_start3A_425 : memref<1x128x64xf32, #tpu.memory_space<vmem>> -> memref<128x64xf32, #tpu.memory_space<vmem>>
      %dma_start3A_427 = arith.constant 0 : i32
      %dma_start3A_428 = tpu.memref_slice %arg9[%add3A_421, %dma_start3A_427] : memref<78x128xi32, #tpu.memory_space<vmem>> -> memref<1x128xi32, #tpu.memory_space<vmem>>
      %dma_start3A_429 = tpu.memref_squeeze %dma_start3A_428 : memref<1x128xi32, #tpu.memory_space<vmem>> -> memref<128xi32, #tpu.memory_space<vmem>>
      %dma_start3A_430 = arith.constant 0 : i32
      %dma_start3A_431 = arith.constant 0 : i32
      %dma_start3A_432 = tpu.memref_slice %arg13[%dma_start3A_430, %dma_start3A_431] : memref<10000x64xf32, #tpu.memory_space<vmem_shared>> -> memref<10000x64xf32, #tpu.memory_space<vmem_shared>>
      tpu.enqueue_indirect_dma source(%dma_start3A_426 : memref<128x64xf32, #tpu.memory_space<vmem>>) target(%dma_start3A_432 : memref<10000x64xf32, #tpu.memory_space<vmem_shared>>) offsets(%dma_start3A_429 : memref<128xi32, #tpu.memory_space<vmem>>) semaphore(%arg16 : memref<!tpu.dma_semaphore, #tpu.memory_space<semaphore_mem>>) {add = true}
      %mul3A_433 = arith.constant 2 : i32
      %mul3A_434 = arith.muli %mul3A_433, %add3A_138 : i32
      %add3A_435 = arith.constant 1 : i32
      %add3A_436 = arith.addi %mul3A_434, %add3A_435 : i32
      %mul3A_437 = arith.constant 3 : i32
      %mul3A_438 = arith.muli %add3A_436, %mul3A_437 : i32
      %add3A_439 = arith.constant 0 : i32
      %add3A_440 = arith.addi %mul3A_438, %add3A_439 : i32
      %get3A_441 = arith.index_cast %add3A_440 : i32 to index
      %get3A_442 = arith.constant 0 : index
      %get3A_443 = tpu.vector_load %arg9[%get3A_441, %get3A_442] {strides = array<i32>} : memref<78x128xi32, #tpu.memory_space<vmem>>, vector<16xi32>,
      tpu.vector_store_idx %arg11[%get3A_443], %broadcast_in_dim3A_3 {add = true} : memref<10000xf32, #tpu.memory_space<vmem>>[vector<16xi32>], vector<16xf32>,
      %get3A_444 = arith.index_cast %add3A_440 : i32 to index
      %get3A_445 = arith.constant 16 : index
      %get3A_446 = tpu.vector_load %arg9[%get3A_444, %get3A_445] {strides = array<i32>} : memref<78x128xi32, #tpu.memory_space<vmem>>, vector<16xi32>,
      tpu.vector_store_idx %arg11[%get3A_446], %broadcast_in_dim3A_3 {add = true} : memref<10000xf32, #tpu.memory_space<vmem>>[vector<16xi32>], vector<16xf32>,
      %get3A_447 = arith.index_cast %add3A_440 : i32 to index
      %get3A_448 = arith.constant 32 : index
      %get3A_449 = tpu.vector_load %arg9[%get3A_447, %get3A_448] {strides = array<i32>} : memref<78x128xi32, #tpu.memory_space<vmem>>, vector<16xi32>,
      tpu.vector_store_idx %arg11[%get3A_449], %broadcast_in_dim3A_3 {add = true} : memref<10000xf32, #tpu.memory_space<vmem>>[vector<16xi32>], vector<16xf32>,
      %get3A_450 = arith.index_cast %add3A_440 : i32 to index
      %get3A_451 = arith.constant 48 : index
      %get3A_452 = tpu.vector_load %arg9[%get3A_450, %get3A_451] {strides = array<i32>} : memref<78x128xi32, #tpu.memory_space<vmem>>, vector<16xi32>,
      tpu.vector_store_idx %arg11[%get3A_452], %broadcast_in_dim3A_3 {add = true} : memref<10000xf32, #tpu.memory_space<vmem>>[vector<16xi32>], vector<16xf32>,
      %get3A_453 = arith.index_cast %add3A_440 : i32 to index
      %get3A_454 = arith.constant 64 : index
      %get3A_455 = tpu.vector_load %arg9[%get3A_453, %get3A_454] {strides = array<i32>} : memref<78x128xi32, #tpu.memory_space<vmem>>, vector<16xi32>,
      tpu.vector_store_idx %arg11[%get3A_455], %broadcast_in_dim3A_3 {add = true} : memref<10000xf32, #tpu.memory_space<vmem>>[vector<16xi32>], vector<16xf32>,
      %get3A_456 = arith.index_cast %add3A_440 : i32 to index
      %get3A_457 = arith.constant 80 : index
      %get3A_458 = tpu.vector_load %arg9[%get3A_456, %get3A_457] {strides = array<i32>} : memref<78x128xi32, #tpu.memory_space<vmem>>, vector<16xi32>,
      tpu.vector_store_idx %arg11[%get3A_458], %broadcast_in_dim3A_3 {add = true} : memref<10000xf32, #tpu.memory_space<vmem>>[vector<16xi32>], vector<16xf32>,
      %get3A_459 = arith.index_cast %add3A_440 : i32 to index
      %get3A_460 = arith.constant 96 : index
      %get3A_461 = tpu.vector_load %arg9[%get3A_459, %get3A_460] {strides = array<i32>} : memref<78x128xi32, #tpu.memory_space<vmem>>, vector<16xi32>,
      tpu.vector_store_idx %arg11[%get3A_461], %broadcast_in_dim3A_3 {add = true} : memref<10000xf32, #tpu.memory_space<vmem>>[vector<16xi32>], vector<16xf32>,
      %get3A_462 = arith.index_cast %add3A_440 : i32 to index
      %get3A_463 = arith.constant 112 : index
      %get3A_464 = tpu.vector_load %arg9[%get3A_462, %get3A_463] {strides = array<i32>} : memref<78x128xi32, #tpu.memory_space<vmem>>, vector<16xi32>,
      tpu.vector_store_idx %arg11[%get3A_464], %broadcast_in_dim3A_3 {add = true} : memref<10000xf32, #tpu.memory_space<vmem>>[vector<16xi32>], vector<16xf32>,
      %mul3A_465 = arith.constant 3 : i32
      %mul3A_466 = arith.muli %add3A_436, %mul3A_465 : i32
      %add3A_467 = arith.constant 1 : i32
      %add3A_468 = arith.addi %mul3A_466, %add3A_467 : i32
      %get3A_469 = arith.index_cast %add3A_468 : i32 to index
      %get3A_470 = arith.constant 0 : index
      %get3A_471 = tpu.vector_load %arg9[%get3A_469, %get3A_470] {strides = array<i32>} : memref<78x128xi32, #tpu.memory_space<vmem>>, vector<16xi32>,
      tpu.vector_store_idx %arg11[%get3A_471], %broadcast_in_dim3A_3 {add = true} : memref<10000xf32, #tpu.memory_space<vmem>>[vector<16xi32>], vector<16xf32>,
      %get3A_472 = arith.index_cast %add3A_468 : i32 to index
      %get3A_473 = arith.constant 16 : index
      %get3A_474 = tpu.vector_load %arg9[%get3A_472, %get3A_473] {strides = array<i32>} : memref<78x128xi32, #tpu.memory_space<vmem>>, vector<16xi32>,
      tpu.vector_store_idx %arg11[%get3A_474], %broadcast_in_dim3A_3 {add = true} : memref<10000xf32, #tpu.memory_space<vmem>>[vector<16xi32>], vector<16xf32>,
      %get3A_475 = arith.index_cast %add3A_468 : i32 to index
      %get3A_476 = arith.constant 32 : index
      %get3A_477 = tpu.vector_load %arg9[%get3A_475, %get3A_476] {strides = array<i32>} : memref<78x128xi32, #tpu.memory_space<vmem>>, vector<16xi32>,
      tpu.vector_store_idx %arg11[%get3A_477], %broadcast_in_dim3A_3 {add = true} : memref<10000xf32, #tpu.memory_space<vmem>>[vector<16xi32>], vector<16xf32>,
      %get3A_478 = arith.index_cast %add3A_468 : i32 to index
      %get3A_479 = arith.constant 48 : index
      %get3A_480 = tpu.vector_load %arg9[%get3A_478, %get3A_479] {strides = array<i32>} : memref<78x128xi32, #tpu.memory_space<vmem>>, vector<16xi32>,
      tpu.vector_store_idx %arg11[%get3A_480], %broadcast_in_dim3A_3 {add = true} : memref<10000xf32, #tpu.memory_space<vmem>>[vector<16xi32>], vector<16xf32>,
      %get3A_481 = arith.index_cast %add3A_468 : i32 to index
      %get3A_482 = arith.constant 64 : index
      %get3A_483 = tpu.vector_load %arg9[%get3A_481, %get3A_482] {strides = array<i32>} : memref<78x128xi32, #tpu.memory_space<vmem>>, vector<16xi32>,
      tpu.vector_store_idx %arg11[%get3A_483], %broadcast_in_dim3A_3 {add = true} : memref<10000xf32, #tpu.memory_space<vmem>>[vector<16xi32>], vector<16xf32>,
      %get3A_484 = arith.index_cast %add3A_468 : i32 to index
      %get3A_485 = arith.constant 80 : index
      %get3A_486 = tpu.vector_load %arg9[%get3A_484, %get3A_485] {strides = array<i32>} : memref<78x128xi32, #tpu.memory_space<vmem>>, vector<16xi32>,
      tpu.vector_store_idx %arg11[%get3A_486], %broadcast_in_dim3A_3 {add = true} : memref<10000xf32, #tpu.memory_space<vmem>>[vector<16xi32>], vector<16xf32>,
      %get3A_487 = arith.index_cast %add3A_468 : i32 to index
      %get3A_488 = arith.constant 96 : index
      %get3A_489 = tpu.vector_load %arg9[%get3A_487, %get3A_488] {strides = array<i32>} : memref<78x128xi32, #tpu.memory_space<vmem>>, vector<16xi32>,
      tpu.vector_store_idx %arg11[%get3A_489], %broadcast_in_dim3A_3 {add = true} : memref<10000xf32, #tpu.memory_space<vmem>>[vector<16xi32>], vector<16xf32>,
      %get3A_490 = arith.index_cast %add3A_468 : i32 to index
      %get3A_491 = arith.constant 112 : index
      %get3A_492 = tpu.vector_load %arg9[%get3A_490, %get3A_491] {strides = array<i32>} : memref<78x128xi32, #tpu.memory_space<vmem>>, vector<16xi32>,
      tpu.vector_store_idx %arg11[%get3A_492], %broadcast_in_dim3A_3 {add = true} : memref<10000xf32, #tpu.memory_space<vmem>>[vector<16xi32>], vector<16xf32>,
      %mul3A_493 = arith.constant 3 : i32
      %mul3A_494 = arith.muli %add3A_436, %mul3A_493 : i32
      %add3A_495 = arith.constant 2 : i32
      %add3A_496 = arith.addi %mul3A_494, %add3A_495 : i32
      %get3A_497 = arith.index_cast %add3A_496 : i32 to index
      %get3A_498 = arith.constant 0 : index
      %get3A_499 = tpu.vector_load %arg9[%get3A_497, %get3A_498] {strides = array<i32>} : memref<78x128xi32, #tpu.memory_space<vmem>>, vector<16xi32>,
      tpu.vector_store_idx %arg11[%get3A_499], %broadcast_in_dim3A_3 {add = true} : memref<10000xf32, #tpu.memory_space<vmem>>[vector<16xi32>], vector<16xf32>,
      %get3A_500 = arith.index_cast %add3A_496 : i32 to index
      %get3A_501 = arith.constant 16 : index
      %get3A_502 = tpu.vector_load %arg9[%get3A_500, %get3A_501] {strides = array<i32>} : memref<78x128xi32, #tpu.memory_space<vmem>>, vector<16xi32>,
      tpu.vector_store_idx %arg11[%get3A_502], %broadcast_in_dim3A_3 {add = true} : memref<10000xf32, #tpu.memory_space<vmem>>[vector<16xi32>], vector<16xf32>,
      %get3A_503 = arith.index_cast %add3A_496 : i32 to index
      %get3A_504 = arith.constant 32 : index
      %get3A_505 = tpu.vector_load %arg9[%get3A_503, %get3A_504] {strides = array<i32>} : memref<78x128xi32, #tpu.memory_space<vmem>>, vector<16xi32>,
      tpu.vector_store_idx %arg11[%get3A_505], %broadcast_in_dim3A_3 {add = true} : memref<10000xf32, #tpu.memory_space<vmem>>[vector<16xi32>], vector<16xf32>,
      %get3A_506 = arith.index_cast %add3A_496 : i32 to index
      %get3A_507 = arith.constant 48 : index
      %get3A_508 = tpu.vector_load %arg9[%get3A_506, %get3A_507] {strides = array<i32>} : memref<78x128xi32, #tpu.memory_space<vmem>>, vector<16xi32>,
      tpu.vector_store_idx %arg11[%get3A_508], %broadcast_in_dim3A_3 {add = true} : memref<10000xf32, #tpu.memory_space<vmem>>[vector<16xi32>], vector<16xf32>,
      %get3A_509 = arith.index_cast %add3A_496 : i32 to index
      %get3A_510 = arith.constant 64 : index
      %get3A_511 = tpu.vector_load %arg9[%get3A_509, %get3A_510] {strides = array<i32>} : memref<78x128xi32, #tpu.memory_space<vmem>>, vector<16xi32>,
      tpu.vector_store_idx %arg11[%get3A_511], %broadcast_in_dim3A_3 {add = true} : memref<10000xf32, #tpu.memory_space<vmem>>[vector<16xi32>], vector<16xf32>,
      %get3A_512 = arith.index_cast %add3A_496 : i32 to index
      %get3A_513 = arith.constant 80 : index
      %get3A_514 = tpu.vector_load %arg9[%get3A_512, %get3A_513] {strides = array<i32>} : memref<78x128xi32, #tpu.memory_space<vmem>>, vector<16xi32>,
      tpu.vector_store_idx %arg11[%get3A_514], %broadcast_in_dim3A_3 {add = true} : memref<10000xf32, #tpu.memory_space<vmem>>[vector<16xi32>], vector<16xf32>,
      %get3A_515 = arith.index_cast %add3A_496 : i32 to index
      %get3A_516 = arith.constant 96 : index
      %get3A_517 = tpu.vector_load %arg9[%get3A_515, %get3A_516] {strides = array<i32>} : memref<78x128xi32, #tpu.memory_space<vmem>>, vector<16xi32>,
      tpu.vector_store_idx %arg11[%get3A_517], %broadcast_in_dim3A_3 {add = true} : memref<10000xf32, #tpu.memory_space<vmem>>[vector<16xi32>], vector<16xf32>,
      %get3A_518 = arith.index_cast %add3A_496 : i32 to index
      %get3A_519 = arith.constant 112 : index
      %get3A_520 = tpu.vector_load %arg9[%get3A_518, %get3A_519] {strides = array<i32>} : memref<78x128xi32, #tpu.memory_space<vmem>>, vector<16xi32>,
      tpu.vector_store_idx %arg11[%get3A_520], %broadcast_in_dim3A_3 {add = true} : memref<10000xf32, #tpu.memory_space<vmem>>[vector<16xi32>], vector<16xf32>,
      %dma_wait3A_521 = arith.constant 0 : i32
      %dma_wait3A_522 = arith.constant 0 : i32
      %dma_wait3A_523 = arith.constant 0 : i32
      %dma_wait3A_524 = arith.constant 0 : i32
      %dma_wait3A_525 = tpu.memref_slice %arg10[%dma_wait3A_521, %dma_wait3A_523, %dma_wait3A_524] : memref<6x128x64xf32, #tpu.memory_space<vmem>> -> memref<1x128x64xf32, #tpu.memory_space<vmem>>
      %dma_wait3A_526 = tpu.memref_squeeze %dma_wait3A_525 : memref<1x128x64xf32, #tpu.memory_space<vmem>> -> memref<128x64xf32, #tpu.memory_space<vmem>>
      %dma_wait3A_527 = arith.constant 0 : i32
      %dma_wait3A_528 = tpu.memref_slice %arg9[%dma_wait3A_522, %dma_wait3A_527] : memref<78x128xi32, #tpu.memory_space<vmem>> -> memref<1x128xi32, #tpu.memory_space<vmem>>
      %dma_wait3A_529 = tpu.memref_squeeze %dma_wait3A_528 : memref<1x128xi32, #tpu.memory_space<vmem>> -> memref<128xi32, #tpu.memory_space<vmem>>
      %dma_wait3A_530 = arith.constant 0 : i32
      %dma_wait3A_531 = arith.constant 0 : i32
      %dma_wait3A_532 = tpu.memref_slice %arg13[%dma_wait3A_530, %dma_wait3A_531] : memref<10000x64xf32, #tpu.memory_space<vmem_shared>> -> memref<10000x64xf32, #tpu.memory_space<vmem_shared>>
      tpu.wait_indirect_dma semaphore(%arg15 : memref<!tpu.dma_semaphore, #tpu.memory_space<semaphore_mem>>) src(%dma_wait3A_526 : memref<128x64xf32, #tpu.memory_space<vmem>>) dst(%dma_wait3A_532 : memref<10000x64xf32, #tpu.memory_space<vmem_shared>>)
      %dma_wait3A_533 = arith.constant 1 : i32
      %dma_wait3A_534 = arith.constant 0 : i32
      %dma_wait3A_535 = arith.constant 0 : i32
      %dma_wait3A_536 = arith.constant 0 : i32
      %dma_wait3A_537 = tpu.memref_slice %arg10[%dma_wait3A_533, %dma_wait3A_535, %dma_wait3A_536] : memref<6x128x64xf32, #tpu.memory_space<vmem>> -> memref<1x128x64xf32, #tpu.memory_space<vmem>>
      %dma_wait3A_538 = tpu.memref_squeeze %dma_wait3A_537 : memref<1x128x64xf32, #tpu.memory_space<vmem>> -> memref<128x64xf32, #tpu.memory_space<vmem>>
      %dma_wait3A_539 = arith.constant 0 : i32
      %dma_wait3A_540 = tpu.memref_slice %arg9[%dma_wait3A_534, %dma_wait3A_539] : memref<78x128xi32, #tpu.memory_space<vmem>> -> memref<1x128xi32, #tpu.memory_space<vmem>>
      %dma_wait3A_541 = tpu.memref_squeeze %dma_wait3A_540 : memref<1x128xi32, #tpu.memory_space<vmem>> -> memref<128xi32, #tpu.memory_space<vmem>>
      %dma_wait3A_542 = arith.constant 0 : i32
      %dma_wait3A_543 = arith.constant 0 : i32
      %dma_wait3A_544 = tpu.memref_slice %arg13[%dma_wait3A_542, %dma_wait3A_543] : memref<10000x64xf32, #tpu.memory_space<vmem_shared>> -> memref<10000x64xf32, #tpu.memory_space<vmem_shared>>
      tpu.wait_indirect_dma semaphore(%arg15 : memref<!tpu.dma_semaphore, #tpu.memory_space<semaphore_mem>>) src(%dma_wait3A_538 : memref<128x64xf32, #tpu.memory_space<vmem>>) dst(%dma_wait3A_544 : memref<10000x64xf32, #tpu.memory_space<vmem_shared>>)
      %dma_wait3A_545 = arith.constant 2 : i32
      %dma_wait3A_546 = arith.constant 0 : i32
      %dma_wait3A_547 = arith.constant 0 : i32
      %dma_wait3A_548 = arith.constant 0 : i32
      %dma_wait3A_549 = tpu.memref_slice %arg10[%dma_wait3A_545, %dma_wait3A_547, %dma_wait3A_548] : memref<6x128x64xf32, #tpu.memory_space<vmem>> -> memref<1x128x64xf32, #tpu.memory_space<vmem>>
      %dma_wait3A_550 = tpu.memref_squeeze %dma_wait3A_549 : memref<1x128x64xf32, #tpu.memory_space<vmem>> -> memref<128x64xf32, #tpu.memory_space<vmem>>
      %dma_wait3A_551 = arith.constant 0 : i32
      %dma_wait3A_552 = tpu.memref_slice %arg9[%dma_wait3A_546, %dma_wait3A_551] : memref<78x128xi32, #tpu.memory_space<vmem>> -> memref<1x128xi32, #tpu.memory_space<vmem>>
      %dma_wait3A_553 = tpu.memref_squeeze %dma_wait3A_552 : memref<1x128xi32, #tpu.memory_space<vmem>> -> memref<128xi32, #tpu.memory_space<vmem>>
      %dma_wait3A_554 = arith.constant 0 : i32
      %dma_wait3A_555 = arith.constant 0 : i32
      %dma_wait3A_556 = tpu.memref_slice %arg13[%dma_wait3A_554, %dma_wait3A_555] : memref<10000x64xf32, #tpu.memory_space<vmem_shared>> -> memref<10000x64xf32, #tpu.memory_space<vmem_shared>>
      tpu.wait_indirect_dma semaphore(%arg15 : memref<!tpu.dma_semaphore, #tpu.memory_space<semaphore_mem>>) src(%dma_wait3A_550 : memref<128x64xf32, #tpu.memory_space<vmem>>) dst(%dma_wait3A_556 : memref<10000x64xf32, #tpu.memory_space<vmem_shared>>)
      %lt3A_557 = arith.constant 12 : i32
      %lt3A_558 = arith.cmpi slt, %add3A_138, %lt3A_557 : i32
      %convert_element_type3A_559 = arith.extui %lt3A_558 : i1 to i32
      %cond3A_560 = arith.constant 0 : i32
      %cond3A_561 = arith.cmpi ne, %convert_element_type3A_559, %cond3A_560 : i32
      scf.if %cond3A_561 {
        %mul3A_562 = arith.constant 2 : i32
        %mul3A_563 = arith.muli %mul3A_562, %add3A_138 : i32
        %add3A_564 = arith.constant 2 : i32
        %add3A_565 = arith.addi %mul3A_563, %add3A_564 : i32
        %mul3A_566 = arith.constant 3 : i32
        %mul3A_567 = arith.muli %add3A_565, %mul3A_566 : i32
        %add3A_568 = arith.constant 0 : i32
        %add3A_569 = arith.addi %mul3A_567, %add3A_568 : i32
        %mul3A_570 = arith.constant 128 : i32
        %mul3A_571 = arith.muli %add3A_569, %mul3A_570 : i32
        %dma_start3A_572 = arith.constant 0 : i32
        %dma_start3A_573 = arith.constant 0 : i32
        %dma_start3A_574 = arith.constant 0 : i32
        %dma_start3A_575 = tpu.memref_slice %arg10[%dma_start3A_572, %dma_start3A_573, %dma_start3A_574] : memref<6x128x64xf32, #tpu.memory_space<vmem>> -> memref<1x128x64xf32, #tpu.memory_space<vmem>>
        %dma_start3A_576 = tpu.memref_squeeze %dma_start3A_575 : memref<1x128x64xf32, #tpu.memory_space<vmem>> -> memref<128x64xf32, #tpu.memory_space<vmem>>
        %dma_start3A_577 = tpu.memref_slice %arg8[%mul3A_571] : memref<9984xi32, #tpu.memory_space<vmem>> -> memref<128xi32, #tpu.memory_space<vmem>>
        %dma_start3A_578 = arith.constant 0 : i32
        %dma_start3A_579 = arith.constant 0 : i32
        %dma_start3A_580 = tpu.memref_slice %arg2[%dma_start3A_578, %dma_start3A_579] : memref<10000x64xf32, #tpu.memory_space<hbm>> -> memref<10000x64xf32, #tpu.memory_space<hbm>>
        tpu.enqueue_indirect_dma source(%dma_start3A_580 : memref<10000x64xf32, #tpu.memory_space<hbm>>) target(%dma_start3A_576 : memref<128x64xf32, #tpu.memory_space<vmem>>) offsets(%dma_start3A_577 : memref<128xi32, #tpu.memory_space<vmem>>) semaphore(%arg14 : memref<!tpu.dma_semaphore, #tpu.memory_space<semaphore_mem>>)
        %mul3A_581 = arith.constant 3 : i32
        %mul3A_582 = arith.muli %add3A_565, %mul3A_581 : i32
        %add3A_583 = arith.constant 1 : i32
        %add3A_584 = arith.addi %mul3A_582, %add3A_583 : i32
        %mul3A_585 = arith.constant 128 : i32
        %mul3A_586 = arith.muli %add3A_584, %mul3A_585 : i32
        %dma_start3A_587 = arith.constant 1 : i32
        %dma_start3A_588 = arith.constant 0 : i32
        %dma_start3A_589 = arith.constant 0 : i32
        %dma_start3A_590 = tpu.memref_slice %arg10[%dma_start3A_587, %dma_start3A_588, %dma_start3A_589] : memref<6x128x64xf32, #tpu.memory_space<vmem>> -> memref<1x128x64xf32, #tpu.memory_space<vmem>>
        %dma_start3A_591 = tpu.memref_squeeze %dma_start3A_590 : memref<1x128x64xf32, #tpu.memory_space<vmem>> -> memref<128x64xf32, #tpu.memory_space<vmem>>
        %dma_start3A_592 = tpu.memref_slice %arg8[%mul3A_586] : memref<9984xi32, #tpu.memory_space<vmem>> -> memref<128xi32, #tpu.memory_space<vmem>>
        %dma_start3A_593 = arith.constant 0 : i32
        %dma_start3A_594 = arith.constant 0 : i32
        %dma_start3A_595 = tpu.memref_slice %arg2[%dma_start3A_593, %dma_start3A_594] : memref<10000x64xf32, #tpu.memory_space<hbm>> -> memref<10000x64xf32, #tpu.memory_space<hbm>>
        tpu.enqueue_indirect_dma source(%dma_start3A_595 : memref<10000x64xf32, #tpu.memory_space<hbm>>) target(%dma_start3A_591 : memref<128x64xf32, #tpu.memory_space<vmem>>) offsets(%dma_start3A_592 : memref<128xi32, #tpu.memory_space<vmem>>) semaphore(%arg14 : memref<!tpu.dma_semaphore, #tpu.memory_space<semaphore_mem>>)
        %mul3A_596 = arith.constant 3 : i32
        %mul3A_597 = arith.muli %add3A_565, %mul3A_596 : i32
        %add3A_598 = arith.constant 2 : i32
        %add3A_599 = arith.addi %mul3A_597, %add3A_598 : i32
        %mul3A_600 = arith.constant 128 : i32
        %mul3A_601 = arith.muli %add3A_599, %mul3A_600 : i32
        %dma_start3A_602 = arith.constant 2 : i32
        %dma_start3A_603 = arith.constant 0 : i32
        %dma_start3A_604 = arith.constant 0 : i32
        %dma_start3A_605 = tpu.memref_slice %arg10[%dma_start3A_602, %dma_start3A_603, %dma_start3A_604] : memref<6x128x64xf32, #tpu.memory_space<vmem>> -> memref<1x128x64xf32, #tpu.memory_space<vmem>>
        %dma_start3A_606 = tpu.memref_squeeze %dma_start3A_605 : memref<1x128x64xf32, #tpu.memory_space<vmem>> -> memref<128x64xf32, #tpu.memory_space<vmem>>
        %dma_start3A_607 = tpu.memref_slice %arg8[%mul3A_601] : memref<9984xi32, #tpu.memory_space<vmem>> -> memref<128xi32, #tpu.memory_space<vmem>>
        %dma_start3A_608 = arith.constant 0 : i32
        %dma_start3A_609 = arith.constant 0 : i32
        %dma_start3A_610 = tpu.memref_slice %arg2[%dma_start3A_608, %dma_start3A_609] : memref<10000x64xf32, #tpu.memory_space<hbm>> -> memref<10000x64xf32, #tpu.memory_space<hbm>>
        tpu.enqueue_indirect_dma source(%dma_start3A_610 : memref<10000x64xf32, #tpu.memory_space<hbm>>) target(%dma_start3A_606 : memref<128x64xf32, #tpu.memory_space<vmem>>) offsets(%dma_start3A_607 : memref<128xi32, #tpu.memory_space<vmem>>) semaphore(%arg14 : memref<!tpu.dma_semaphore, #tpu.memory_space<semaphore_mem>>)
      } else {
      }
    }
    %scan3A_77 = arith.constant 13 : i32
    %dma_wait3A_78 = arith.constant 3 : i32
    %dma_wait3A_79 = arith.constant 0 : i32
    %dma_wait3A_80 = arith.constant 0 : i32
    %dma_wait3A_81 = arith.constant 0 : i32
    %dma_wait3A_82 = tpu.memref_slice %arg10[%dma_wait3A_78, %dma_wait3A_80, %dma_wait3A_81] : memref<6x128x64xf32, #tpu.memory_space<vmem>> -> memref<1x128x64xf32, #tpu.memory_space<vmem>>
    %dma_wait3A_83 = tpu.memref_squeeze %dma_wait3A_82 : memref<1x128x64xf32, #tpu.memory_space<vmem>> -> memref<128x64xf32, #tpu.memory_space<vmem>>
    %dma_wait3A_84 = arith.constant 0 : i32
    %dma_wait3A_85 = tpu.memref_slice %arg9[%dma_wait3A_79, %dma_wait3A_84] : memref<78x128xi32, #tpu.memory_space<vmem>> -> memref<1x128xi32, #tpu.memory_space<vmem>>
    %dma_wait3A_86 = tpu.memref_squeeze %dma_wait3A_85 : memref<1x128xi32, #tpu.memory_space<vmem>> -> memref<128xi32, #tpu.memory_space<vmem>>
    %dma_wait3A_87 = arith.constant 0 : i32
    %dma_wait3A_88 = arith.constant 0 : i32
    %dma_wait3A_89 = tpu.memref_slice %arg13[%dma_wait3A_87, %dma_wait3A_88] : memref<10000x64xf32, #tpu.memory_space<vmem_shared>> -> memref<10000x64xf32, #tpu.memory_space<vmem_shared>>
    tpu.wait_indirect_dma semaphore(%arg16 : memref<!tpu.dma_semaphore, #tpu.memory_space<semaphore_mem>>) src(%dma_wait3A_83 : memref<128x64xf32, #tpu.memory_space<vmem>>) dst(%dma_wait3A_89 : memref<10000x64xf32, #tpu.memory_space<vmem_shared>>)
    %dma_wait3A_90 = arith.constant 4 : i32
    %dma_wait3A_91 = arith.constant 0 : i32
    %dma_wait3A_92 = arith.constant 0 : i32
    %dma_wait3A_93 = arith.constant 0 : i32
    %dma_wait3A_94 = tpu.memref_slice %arg10[%dma_wait3A_90, %dma_wait3A_92, %dma_wait3A_93] : memref<6x128x64xf32, #tpu.memory_space<vmem>> -> memref<1x128x64xf32, #tpu.memory_space<vmem>>
    %dma_wait3A_95 = tpu.memref_squeeze %dma_wait3A_94 : memref<1x128x64xf32, #tpu.memory_space<vmem>> -> memref<128x64xf32, #tpu.memory_space<vmem>>
    %dma_wait3A_96 = arith.constant 0 : i32
    %dma_wait3A_97 = tpu.memref_slice %arg9[%dma_wait3A_91, %dma_wait3A_96] : memref<78x128xi32, #tpu.memory_space<vmem>> -> memref<1x128xi32, #tpu.memory_space<vmem>>
    %dma_wait3A_98 = tpu.memref_squeeze %dma_wait3A_97 : memref<1x128xi32, #tpu.memory_space<vmem>> -> memref<128xi32, #tpu.memory_space<vmem>>
    %dma_wait3A_99 = arith.constant 0 : i32
    %dma_wait3A_100 = arith.constant 0 : i32
    %dma_wait3A_101 = tpu.memref_slice %arg13[%dma_wait3A_99, %dma_wait3A_100] : memref<10000x64xf32, #tpu.memory_space<vmem_shared>> -> memref<10000x64xf32, #tpu.memory_space<vmem_shared>>
    tpu.wait_indirect_dma semaphore(%arg16 : memref<!tpu.dma_semaphore, #tpu.memory_space<semaphore_mem>>) src(%dma_wait3A_95 : memref<128x64xf32, #tpu.memory_space<vmem>>) dst(%dma_wait3A_101 : memref<10000x64xf32, #tpu.memory_space<vmem_shared>>)
    %dma_wait3A_102 = arith.constant 5 : i32
    %dma_wait3A_103 = arith.constant 0 : i32
    %dma_wait3A_104 = arith.constant 0 : i32
    %dma_wait3A_105 = arith.constant 0 : i32
    %dma_wait3A_106 = tpu.memref_slice %arg10[%dma_wait3A_102, %dma_wait3A_104, %dma_wait3A_105] : memref<6x128x64xf32, #tpu.memory_space<vmem>> -> memref<1x128x64xf32, #tpu.memory_space<vmem>>
    %dma_wait3A_107 = tpu.memref_squeeze %dma_wait3A_106 : memref<1x128x64xf32, #tpu.memory_space<vmem>> -> memref<128x64xf32, #tpu.memory_space<vmem>>
    %dma_wait3A_108 = arith.constant 0 : i32
    %dma_wait3A_109 = tpu.memref_slice %arg9[%dma_wait3A_103, %dma_wait3A_108] : memref<78x128xi32, #tpu.memory_space<vmem>> -> memref<1x128xi32, #tpu.memory_space<vmem>>
    %dma_wait3A_110 = tpu.memref_squeeze %dma_wait3A_109 : memref<1x128xi32, #tpu.memory_space<vmem>> -> memref<128xi32, #tpu.memory_space<vmem>>
    %dma_wait3A_111 = arith.constant 0 : i32
    %dma_wait3A_112 = arith.constant 0 : i32
    %dma_wait3A_113 = tpu.memref_slice %arg13[%dma_wait3A_111, %dma_wait3A_112] : memref<10000x64xf32, #tpu.memory_space<vmem_shared>> -> memref<10000x64xf32, #tpu.memory_space<vmem_shared>>
    tpu.wait_indirect_dma semaphore(%arg16 : memref<!tpu.dma_semaphore, #tpu.memory_space<semaphore_mem>>) src(%dma_wait3A_107 : memref<128x64xf32, #tpu.memory_space<vmem>>) dst(%dma_wait3A_113 : memref<10000x64xf32, #tpu.memory_space<vmem_shared>>)
    %lt3A = arith.constant 4 : i32
    %lt3A_114 = arith.cmpi slt, %add3A, %lt3A : i32
    %convert_element_type3A_115 = arith.extui %lt3A_114 : i1 to i32
    %cond3A_116 = arith.constant 0 : i32
    %cond3A_117 = arith.cmpi ne, %convert_element_type3A_115, %cond3A_116 : i32
    scf.if %cond3A_117 {
      %add3A_134 = arith.constant 2496 : i32
      %add3A_135 = arith.addi %add3A_134, %add3A : i32
      %mul3A_136 = arith.constant 128 : i32
      %mul3A_137 = arith.muli %add3A_135, %mul3A_136 : i32
      %run_scoped3A_138 = arith.constant 0 : i32
      "tpu.region"() ({
        %run_scoped3A_194 = tpu.sem_alloc : memref<!tpu.dma_semaphore, #tpu.memory_space<semaphore_mem>>
        %dma_start3A_195 = arith.constant 0 : i32
        %dma_start3A_196 = tpu.memref_slice %arg8[%dma_start3A_195] : memref<9984xi32, #tpu.memory_space<vmem>> -> memref<128xi32, #tpu.memory_space<vmem>>
        %dma_start3A_197 = tpu.memref_slice %arg3[%run_scoped3A_138, %mul3A_137] : memref<2x320000xi32, #tpu.memory_space<hbm>> -> memref<1x128xi32, #tpu.memory_space<hbm>>
        %dma_start3A_198 = tpu.memref_squeeze %dma_start3A_197 : memref<1x128xi32, #tpu.memory_space<hbm>> -> memref<128xi32, #tpu.memory_space<hbm>>
        %dma_start3A_199 = arith.constant 0 : i32
        %dma_start3A_200 = tpu.memref_slice %arg8[%dma_start3A_199] : memref<9984xi32, #tpu.memory_space<vmem>> -> memref<128xi32, #tpu.memory_space<vmem>>
        %dma_start3A_201 = tpu.memref_slice %arg3[%run_scoped3A_138, %mul3A_137] : memref<2x320000xi32, #tpu.memory_space<hbm>> -> memref<1x128xi32, #tpu.memory_space<hbm>>
        %dma_start3A_202 = tpu.memref_squeeze %dma_start3A_201 : memref<1x128xi32, #tpu.memory_space<hbm>> -> memref<128xi32, #tpu.memory_space<hbm>>
        tpu.enqueue_dma source(%dma_start3A_202 : memref<128xi32, #tpu.memory_space<hbm>>) target(%dma_start3A_200 : memref<128xi32, #tpu.memory_space<vmem>>) target_semaphore(%run_scoped3A_194 : memref<!tpu.dma_semaphore, #tpu.memory_space<semaphore_mem>>)
        %dma_wait3A_203 = arith.constant 0 : i32
        %dma_wait3A_204 = tpu.memref_slice %arg8[%dma_wait3A_203] : memref<9984xi32, #tpu.memory_space<vmem>> -> memref<128xi32, #tpu.memory_space<vmem>>
        %dma_wait3A_205 = tpu.memref_slice %arg3[%run_scoped3A_138, %mul3A_137] : memref<2x320000xi32, #tpu.memory_space<hbm>> -> memref<1x128xi32, #tpu.memory_space<hbm>>
        %dma_wait3A_206 = tpu.memref_squeeze %dma_wait3A_205 : memref<1x128xi32, #tpu.memory_space<hbm>> -> memref<128xi32, #tpu.memory_space<hbm>>
        %dma_wait3A_207 = arith.constant 0 : i32
        %dma_wait3A_208 = tpu.memref_slice %arg8[%dma_wait3A_207] : memref<9984xi32, #tpu.memory_space<vmem>> -> memref<128xi32, #tpu.memory_space<vmem>>
        %dma_wait3A_209 = tpu.memref_slice %arg3[%run_scoped3A_138, %mul3A_137] : memref<2x320000xi32, #tpu.memory_space<hbm>> -> memref<1x128xi32, #tpu.memory_space<hbm>>
        %dma_wait3A_210 = tpu.memref_squeeze %dma_wait3A_209 : memref<1x128xi32, #tpu.memory_space<hbm>> -> memref<128xi32, #tpu.memory_space<hbm>>
        tpu.wait_dma2 semaphore(%run_scoped3A_194 : memref<!tpu.dma_semaphore, #tpu.memory_space<semaphore_mem>>) src(%dma_wait3A_210 : memref<128xi32, #tpu.memory_space<hbm>>) dst(%dma_wait3A_208 : memref<128xi32, #tpu.memory_space<vmem>>)
        tpu.yield
      }) : () -> ()
      %run_scoped3A_139 = arith.constant 1 : i32
      %run_scoped3A_140 = arith.constant 0 : i32
      "tpu.region"() ({
        %run_scoped3A_194 = tpu.sem_alloc : memref<!tpu.dma_semaphore, #tpu.memory_space<semaphore_mem>>
        %dma_start3A_195 = arith.constant 0 : i32
        %dma_start3A_196 = tpu.memref_slice %arg9[%run_scoped3A_140, %dma_start3A_195] : memref<78x128xi32, #tpu.memory_space<vmem>> -> memref<1x128xi32, #tpu.memory_space<vmem>>
        %dma_start3A_197 = tpu.memref_squeeze %dma_start3A_196 : memref<1x128xi32, #tpu.memory_space<vmem>> -> memref<128xi32, #tpu.memory_space<vmem>>
        %dma_start3A_198 = tpu.memref_slice %arg3[%run_scoped3A_139, %mul3A_137] : memref<2x320000xi32, #tpu.memory_space<hbm>> -> memref<1x128xi32, #tpu.memory_space<hbm>>
        %dma_start3A_199 = tpu.memref_squeeze %dma_start3A_198 : memref<1x128xi32, #tpu.memory_space<hbm>> -> memref<128xi32, #tpu.memory_space<hbm>>
        %dma_start3A_200 = arith.constant 0 : i32
        %dma_start3A_201 = tpu.memref_slice %arg9[%run_scoped3A_140, %dma_start3A_200] : memref<78x128xi32, #tpu.memory_space<vmem>> -> memref<1x128xi32, #tpu.memory_space<vmem>>
        %dma_start3A_202 = tpu.memref_squeeze %dma_start3A_201 : memref<1x128xi32, #tpu.memory_space<vmem>> -> memref<128xi32, #tpu.memory_space<vmem>>
        %dma_start3A_203 = tpu.memref_slice %arg3[%run_scoped3A_139, %mul3A_137] : memref<2x320000xi32, #tpu.memory_space<hbm>> -> memref<1x128xi32, #tpu.memory_space<hbm>>
        %dma_start3A_204 = tpu.memref_squeeze %dma_start3A_203 : memref<1x128xi32, #tpu.memory_space<hbm>> -> memref<128xi32, #tpu.memory_space<hbm>>
        tpu.enqueue_dma source(%dma_start3A_204 : memref<128xi32, #tpu.memory_space<hbm>>) target(%dma_start3A_202 : memref<128xi32, #tpu.memory_space<vmem>>) target_semaphore(%run_scoped3A_194 : memref<!tpu.dma_semaphore, #tpu.memory_space<semaphore_mem>>)
        %dma_wait3A_205 = arith.constant 0 : i32
        %dma_wait3A_206 = tpu.memref_slice %arg9[%run_scoped3A_140, %dma_wait3A_205] : memref<78x128xi32, #tpu.memory_space<vmem>> -> memref<1x128xi32, #tpu.memory_space<vmem>>
        %dma_wait3A_207 = tpu.memref_squeeze %dma_wait3A_206 : memref<1x128xi32, #tpu.memory_space<vmem>> -> memref<128xi32, #tpu.memory_space<vmem>>
        %dma_wait3A_208 = tpu.memref_slice %arg3[%run_scoped3A_139, %mul3A_137] : memref<2x320000xi32, #tpu.memory_space<hbm>> -> memref<1x128xi32, #tpu.memory_space<hbm>>
        %dma_wait3A_209 = tpu.memref_squeeze %dma_wait3A_208 : memref<1x128xi32, #tpu.memory_space<hbm>> -> memref<128xi32, #tpu.memory_space<hbm>>
        %dma_wait3A_210 = arith.constant 0 : i32
        %dma_wait3A_211 = tpu.memref_slice %arg9[%run_scoped3A_140, %dma_wait3A_210] : memref<78x128xi32, #tpu.memory_space<vmem>> -> memref<1x128xi32, #tpu.memory_space<vmem>>
        %dma_wait3A_212 = tpu.memref_squeeze %dma_wait3A_211 : memref<1x128xi32, #tpu.memory_space<vmem>> -> memref<128xi32, #tpu.memory_space<vmem>>
        %dma_wait3A_213 = tpu.memref_slice %arg3[%run_scoped3A_139, %mul3A_137] : memref<2x320000xi32, #tpu.memory_space<hbm>> -> memref<1x128xi32, #tpu.memory_space<hbm>>
        %dma_wait3A_214 = tpu.memref_squeeze %dma_wait3A_213 : memref<1x128xi32, #tpu.memory_space<hbm>> -> memref<128xi32, #tpu.memory_space<hbm>>
        tpu.wait_dma2 semaphore(%run_scoped3A_194 : memref<!tpu.dma_semaphore, #tpu.memory_space<semaphore_mem>>) src(%dma_wait3A_214 : memref<128xi32, #tpu.memory_space<hbm>>) dst(%dma_wait3A_212 : memref<128xi32, #tpu.memory_space<vmem>>)
        tpu.yield
      }) : () -> ()
      %dma_start3A_141 = arith.constant 0 : i32
      %dma_start3A_142 = arith.constant 0 : i32
      %dma_start3A_143 = arith.constant 0 : i32
      %dma_start3A_144 = tpu.memref_slice %arg10[%dma_start3A_141, %dma_start3A_142, %dma_start3A_143] : memref<6x128x64xf32, #tpu.memory_space<vmem>> -> memref<1x128x64xf32, #tpu.memory_space<vmem>>
      %dma_start3A_145 = tpu.memref_squeeze %dma_start3A_144 : memref<1x128x64xf32, #tpu.memory_space<vmem>> -> memref<128x64xf32, #tpu.memory_space<vmem>>
      %dma_start3A_146 = arith.constant 0 : i32
      %dma_start3A_147 = tpu.memref_slice %arg8[%dma_start3A_146] : memref<9984xi32, #tpu.memory_space<vmem>> -> memref<128xi32, #tpu.memory_space<vmem>>
      %dma_start3A_148 = arith.constant 0 : i32
      %dma_start3A_149 = arith.constant 0 : i32
      %dma_start3A_150 = tpu.memref_slice %arg2[%dma_start3A_148, %dma_start3A_149] : memref<10000x64xf32, #tpu.memory_space<hbm>> -> memref<10000x64xf32, #tpu.memory_space<hbm>>
      tpu.enqueue_indirect_dma source(%dma_start3A_150 : memref<10000x64xf32, #tpu.memory_space<hbm>>) target(%dma_start3A_145 : memref<128x64xf32, #tpu.memory_space<vmem>>) offsets(%dma_start3A_147 : memref<128xi32, #tpu.memory_space<vmem>>) semaphore(%arg14 : memref<!tpu.dma_semaphore, #tpu.memory_space<semaphore_mem>>)
      %dma_wait3A_151 = arith.constant 0 : i32
      %dma_wait3A_152 = arith.constant 0 : i32
      %dma_wait3A_153 = arith.constant 0 : i32
      %dma_wait3A_154 = tpu.memref_slice %arg10[%dma_wait3A_151, %dma_wait3A_152, %dma_wait3A_153] : memref<6x128x64xf32, #tpu.memory_space<vmem>> -> memref<1x128x64xf32, #tpu.memory_space<vmem>>
      %dma_wait3A_155 = tpu.memref_squeeze %dma_wait3A_154 : memref<1x128x64xf32, #tpu.memory_space<vmem>> -> memref<128x64xf32, #tpu.memory_space<vmem>>
      %dma_wait3A_156 = arith.constant 0 : i32
      %dma_wait3A_157 = tpu.memref_slice %arg8[%dma_wait3A_156] : memref<9984xi32, #tpu.memory_space<vmem>> -> memref<128xi32, #tpu.memory_space<vmem>>
      %dma_wait3A_158 = arith.constant 0 : i32
      %dma_wait3A_159 = arith.constant 0 : i32
      %dma_wait3A_160 = tpu.memref_slice %arg2[%dma_wait3A_158, %dma_wait3A_159] : memref<10000x64xf32, #tpu.memory_space<hbm>> -> memref<10000x64xf32, #tpu.memory_space<hbm>>
      tpu.wait_indirect_dma semaphore(%arg14 : memref<!tpu.dma_semaphore, #tpu.memory_space<semaphore_mem>>) src(%dma_wait3A_160 : memref<10000x64xf32, #tpu.memory_space<hbm>>) dst(%dma_wait3A_155 : memref<128x64xf32, #tpu.memory_space<vmem>>)
      %run_scoped3A_161 = arith.constant 0 : i32
      %run_scoped3A_162 = arith.constant 0 : i32
      "tpu.region"() ({
        %run_scoped3A_194 = tpu.sem_alloc : memref<!tpu.dma_semaphore, #tpu.memory_space<semaphore_mem>>
        %dma_start3A_195 = arith.constant 0 : i32
        %dma_start3A_196 = arith.constant 0 : i32
        %dma_start3A_197 = tpu.memref_slice %arg10[%run_scoped3A_161, %dma_start3A_195, %dma_start3A_196] : memref<6x128x64xf32, #tpu.memory_space<vmem>> -> memref<1x128x64xf32, #tpu.memory_space<vmem>>
        %dma_start3A_198 = tpu.memref_squeeze %dma_start3A_197 : memref<1x128x64xf32, #tpu.memory_space<vmem>> -> memref<128x64xf32, #tpu.memory_space<vmem>>
        %dma_start3A_199 = arith.constant 0 : i32
        %dma_start3A_200 = tpu.memref_slice %arg9[%run_scoped3A_162, %dma_start3A_199] : memref<78x128xi32, #tpu.memory_space<vmem>> -> memref<1x128xi32, #tpu.memory_space<vmem>>
        %dma_start3A_201 = tpu.memref_squeeze %dma_start3A_200 : memref<1x128xi32, #tpu.memory_space<vmem>> -> memref<128xi32, #tpu.memory_space<vmem>>
        %dma_start3A_202 = arith.constant 0 : i32
        %dma_start3A_203 = arith.constant 0 : i32
        %dma_start3A_204 = tpu.memref_slice %arg13[%dma_start3A_202, %dma_start3A_203] : memref<10000x64xf32, #tpu.memory_space<vmem_shared>> -> memref<10000x64xf32, #tpu.memory_space<vmem_shared>>
        tpu.enqueue_indirect_dma source(%dma_start3A_198 : memref<128x64xf32, #tpu.memory_space<vmem>>) target(%dma_start3A_204 : memref<10000x64xf32, #tpu.memory_space<vmem_shared>>) offsets(%dma_start3A_201 : memref<128xi32, #tpu.memory_space<vmem>>) semaphore(%run_scoped3A_194 : memref<!tpu.dma_semaphore, #tpu.memory_space<semaphore_mem>>) {add = true}
        %dma_wait3A_205 = arith.constant 0 : i32
        %dma_wait3A_206 = arith.constant 0 : i32
        %dma_wait3A_207 = tpu.memref_slice %arg10[%run_scoped3A_161, %dma_wait3A_205, %dma_wait3A_206] : memref<6x128x64xf32, #tpu.memory_space<vmem>> -> memref<1x128x64xf32, #tpu.memory_space<vmem>>
        %dma_wait3A_208 = tpu.memref_squeeze %dma_wait3A_207 : memref<1x128x64xf32, #tpu.memory_space<vmem>> -> memref<128x64xf32, #tpu.memory_space<vmem>>
        %dma_wait3A_209 = arith.constant 0 : i32
        %dma_wait3A_210 = tpu.memref_slice %arg9[%run_scoped3A_162, %dma_wait3A_209] : memref<78x128xi32, #tpu.memory_space<vmem>> -> memref<1x128xi32, #tpu.memory_space<vmem>>
        %dma_wait3A_211 = tpu.memref_squeeze %dma_wait3A_210 : memref<1x128xi32, #tpu.memory_space<vmem>> -> memref<128xi32, #tpu.memory_space<vmem>>
        %dma_wait3A_212 = arith.constant 0 : i32
        %dma_wait3A_213 = arith.constant 0 : i32
        %dma_wait3A_214 = tpu.memref_slice %arg13[%dma_wait3A_212, %dma_wait3A_213] : memref<10000x64xf32, #tpu.memory_space<vmem_shared>> -> memref<10000x64xf32, #tpu.memory_space<vmem_shared>>
        tpu.wait_indirect_dma semaphore(%run_scoped3A_194 : memref<!tpu.dma_semaphore, #tpu.memory_space<semaphore_mem>>) src(%dma_wait3A_208 : memref<128x64xf32, #tpu.memory_space<vmem>>) dst(%dma_wait3A_214 : memref<10000x64xf32, #tpu.memory_space<vmem_shared>>)
        tpu.yield
      }) : () -> ()
      %get3A = arith.constant 0 : i32
      %get3A_163 = arith.index_cast %get3A : i32 to index
      %get3A_164 = arith.constant 0 : index
      %get3A_165 = tpu.vector_load %arg9[%get3A_163, %get3A_164] {strides = array<i32>} : memref<78x128xi32, #tpu.memory_space<vmem>>, vector<16xi32>,
      tpu.vector_store_idx %arg11[%get3A_165], %broadcast_in_dim3A_3 {add = true} : memref<10000xf32, #tpu.memory_space<vmem>>[vector<16xi32>], vector<16xf32>,
      %get3A_166 = arith.constant 0 : i32
      %get3A_167 = arith.index_cast %get3A_166 : i32 to index
      %get3A_168 = arith.constant 16 : index
      %get3A_169 = tpu.vector_load %arg9[%get3A_167, %get3A_168] {strides = array<i32>} : memref<78x128xi32, #tpu.memory_space<vmem>>, vector<16xi32>,
      tpu.vector_store_idx %arg11[%get3A_169], %broadcast_in_dim3A_3 {add = true} : memref<10000xf32, #tpu.memory_space<vmem>>[vector<16xi32>], vector<16xf32>,
      %get3A_170 = arith.constant 0 : i32
      %get3A_171 = arith.index_cast %get3A_170 : i32 to index
      %get3A_172 = arith.constant 32 : index
      %get3A_173 = tpu.vector_load %arg9[%get3A_171, %get3A_172] {strides = array<i32>} : memref<78x128xi32, #tpu.memory_space<vmem>>, vector<16xi32>,
      tpu.vector_store_idx %arg11[%get3A_173], %broadcast_in_dim3A_3 {add = true} : memref<10000xf32, #tpu.memory_space<vmem>>[vector<16xi32>], vector<16xf32>,
      %get3A_174 = arith.constant 0 : i32
      %get3A_175 = arith.index_cast %get3A_174 : i32 to index
      %get3A_176 = arith.constant 48 : index
      %get3A_177 = tpu.vector_load %arg9[%get3A_175, %get3A_176] {strides = array<i32>} : memref<78x128xi32, #tpu.memory_space<vmem>>, vector<16xi32>,
      tpu.vector_store_idx %arg11[%get3A_177], %broadcast_in_dim3A_3 {add = true} : memref<10000xf32, #tpu.memory_space<vmem>>[vector<16xi32>], vector<16xf32>,
      %get3A_178 = arith.constant 0 : i32
      %get3A_179 = arith.index_cast %get3A_178 : i32 to index
      %get3A_180 = arith.constant 64 : index
      %get3A_181 = tpu.vector_load %arg9[%get3A_179, %get3A_180] {strides = array<i32>} : memref<78x128xi32, #tpu.memory_space<vmem>>, vector<16xi32>,
      tpu.vector_store_idx %arg11[%get3A_181], %broadcast_in_dim3A_3 {add = true} : memref<10000xf32, #tpu.memory_space<vmem>>[vector<16xi32>], vector<16xf32>,
      %get3A_182 = arith.constant 0 : i32
      %get3A_183 = arith.index_cast %get3A_182 : i32 to index
      %get3A_184 = arith.constant 80 : index
      %get3A_185 = tpu.vector_load %arg9[%get3A_183, %get3A_184] {strides = array<i32>} : memref<78x128xi32, #tpu.memory_space<vmem>>, vector<16xi32>,
      tpu.vector_store_idx %arg11[%get3A_185], %broadcast_in_dim3A_3 {add = true} : memref<10000xf32, #tpu.memory_space<vmem>>[vector<16xi32>], vector<16xf32>,
      %get3A_186 = arith.constant 0 : i32
      %get3A_187 = arith.index_cast %get3A_186 : i32 to index
      %get3A_188 = arith.constant 96 : index
      %get3A_189 = tpu.vector_load %arg9[%get3A_187, %get3A_188] {strides = array<i32>} : memref<78x128xi32, #tpu.memory_space<vmem>>, vector<16xi32>,
      tpu.vector_store_idx %arg11[%get3A_189], %broadcast_in_dim3A_3 {add = true} : memref<10000xf32, #tpu.memory_space<vmem>>[vector<16xi32>], vector<16xf32>,
      %get3A_190 = arith.constant 0 : i32
      %get3A_191 = arith.index_cast %get3A_190 : i32 to index
      %get3A_192 = arith.constant 112 : index
      %get3A_193 = tpu.vector_load %arg9[%get3A_191, %get3A_192] {strides = array<i32>} : memref<78x128xi32, #tpu.memory_space<vmem>>, vector<16xi32>,
      tpu.vector_store_idx %arg11[%get3A_193], %broadcast_in_dim3A_3 {add = true} : memref<10000xf32, #tpu.memory_space<vmem>>[vector<16xi32>], vector<16xf32>,
    } else {
    }
    %lt3A_118 = arith.constant 8 : i32
    %lt3A_119 = arith.cmpi slt, %add3A, %lt3A_118 : i32
    %convert_element_type3A_120 = arith.extui %lt3A_119 : i1 to i32
    %cond3A_121 = arith.constant 0 : i32
    %cond3A_122 = arith.cmpi ne, %convert_element_type3A_120, %cond3A_121 : i32
    scf.if %cond3A_122 {
      %scan3A_134 = arith.constant 0 : i32
      %scan3A_135 = arith.constant 625 : i32
      %scan3A_136 = arith.addi %scan3A_134, %scan3A_135 : i32
      %scan3A_137 = arith.constant 1 : i32
      scf.for %scan3A_175 = %scan3A_134 to %scan3A_136 step %scan3A_137  : i32 {
        %mul3A_176 = arith.constant 1 : i32
        %mul3A_177 = arith.muli %scan3A_175, %mul3A_176 : i32
        %add3A_178 = arith.constant 0 : i32
        %add3A_179 = arith.addi %add3A_178, %mul3A_177 : i32
        %mul3A_180 = arith.constant 16 : i32
        %mul3A_181 = arith.muli %add3A_179, %mul3A_180 : i32
        %swap3A = arith.index_cast %mul3A_181 : i32 to index
        %swap3A_182 = tpu.vector_load %arg12[%swap3A] {strides = array<i32>} : memref<10000xf32, #tpu.memory_space<vmem>>, vector<16xf32>,
        tpu.vector_store %arg12[%swap3A], %broadcast_in_dim3A_1 {strides = array<i32>} : memref<10000xf32, #tpu.memory_space<vmem>>, vector<16xf32>,
      }
      %scan3A_138 = arith.constant 625 : i32
      %eq3A_139 = arith.constant 7 : i32
      %eq3A_140 = arith.cmpi eq, %add3A, %eq3A_139 : i32
      %mul3A_141 = arith.constant 128 : i32
      %mul3A_142 = arith.muli %add3A, %mul3A_141 : i32
      %jit3A = arith.constant 872 : i32
      %select_n3A = arith.select %eq3A_140, %jit3A, %mul3A_142 : i32
      %run_scoped3A_143 = arith.constant 0 : i32
      "tpu.region"() ({
        %run_scoped3A_175 = tpu.sem_alloc : memref<!tpu.dma_semaphore, #tpu.memory_space<semaphore_mem>>
        %dma_start3A_176 = arith.constant 0 : i32
        %dma_start3A_177 = tpu.memref_slice %arg9[%run_scoped3A_143, %dma_start3A_176] : memref<78x128xi32, #tpu.memory_space<vmem>> -> memref<1x128xi32, #tpu.memory_space<vmem>>
        %dma_start3A_178 = tpu.memref_squeeze %dma_start3A_177 : memref<1x128xi32, #tpu.memory_space<vmem>> -> memref<128xi32, #tpu.memory_space<vmem>>
        %dma_start3A_179 = tpu.memref_slice %arg4[%select_n3A] : memref<1000xi32, #tpu.memory_space<hbm>> -> memref<128xi32, #tpu.memory_space<hbm>>
        %dma_start3A_180 = arith.constant 0 : i32
        %dma_start3A_181 = tpu.memref_slice %arg9[%run_scoped3A_143, %dma_start3A_180] : memref<78x128xi32, #tpu.memory_space<vmem>> -> memref<1x128xi32, #tpu.memory_space<vmem>>
        %dma_start3A_182 = tpu.memref_squeeze %dma_start3A_181 : memref<1x128xi32, #tpu.memory_space<vmem>> -> memref<128xi32, #tpu.memory_space<vmem>>
        %dma_start3A_183 = tpu.memref_slice %arg4[%select_n3A] : memref<1000xi32, #tpu.memory_space<hbm>> -> memref<128xi32, #tpu.memory_space<hbm>>
        tpu.enqueue_dma source(%dma_start3A_183 : memref<128xi32, #tpu.memory_space<hbm>>) target(%dma_start3A_182 : memref<128xi32, #tpu.memory_space<vmem>>) target_semaphore(%run_scoped3A_175 : memref<!tpu.dma_semaphore, #tpu.memory_space<semaphore_mem>>)
        %dma_wait3A_184 = arith.constant 0 : i32
        %dma_wait3A_185 = tpu.memref_slice %arg9[%run_scoped3A_143, %dma_wait3A_184] : memref<78x128xi32, #tpu.memory_space<vmem>> -> memref<1x128xi32, #tpu.memory_space<vmem>>
        %dma_wait3A_186 = tpu.memref_squeeze %dma_wait3A_185 : memref<1x128xi32, #tpu.memory_space<vmem>> -> memref<128xi32, #tpu.memory_space<vmem>>
        %dma_wait3A_187 = tpu.memref_slice %arg4[%select_n3A] : memref<1000xi32, #tpu.memory_space<hbm>> -> memref<128xi32, #tpu.memory_space<hbm>>
        %dma_wait3A_188 = arith.constant 0 : i32
        %dma_wait3A_189 = tpu.memref_slice %arg9[%run_scoped3A_143, %dma_wait3A_188] : memref<78x128xi32, #tpu.memory_space<vmem>> -> memref<1x128xi32, #tpu.memory_space<vmem>>
        %dma_wait3A_190 = tpu.memref_squeeze %dma_wait3A_189 : memref<1x128xi32, #tpu.memory_space<vmem>> -> memref<128xi32, #tpu.memory_space<vmem>>
        %dma_wait3A_191 = tpu.memref_slice %arg4[%select_n3A] : memref<1000xi32, #tpu.memory_space<hbm>> -> memref<128xi32, #tpu.memory_space<hbm>>
        tpu.wait_dma2 semaphore(%run_scoped3A_175 : memref<!tpu.dma_semaphore, #tpu.memory_space<semaphore_mem>>) src(%dma_wait3A_191 : memref<128xi32, #tpu.memory_space<hbm>>) dst(%dma_wait3A_190 : memref<128xi32, #tpu.memory_space<vmem>>)
        tpu.yield
      }) : () -> ()
      %get3A = arith.constant 0 : i32
      %get3A_144 = arith.index_cast %get3A : i32 to index
      %get3A_145 = arith.constant 0 : index
      %get3A_146 = tpu.vector_load %arg9[%get3A_144, %get3A_145] {strides = array<i32>} : memref<78x128xi32, #tpu.memory_space<vmem>>, vector<16xi32>,
      tpu.vector_store_idx %arg12[%get3A_146], %broadcast_in_dim3A_3 {add = true} : memref<10000xf32, #tpu.memory_space<vmem>>[vector<16xi32>], vector<16xf32>,
      %get3A_147 = arith.constant 0 : i32
      %get3A_148 = arith.index_cast %get3A_147 : i32 to index
      %get3A_149 = arith.constant 16 : index
      %get3A_150 = tpu.vector_load %arg9[%get3A_148, %get3A_149] {strides = array<i32>} : memref<78x128xi32, #tpu.memory_space<vmem>>, vector<16xi32>,
      tpu.vector_store_idx %arg12[%get3A_150], %broadcast_in_dim3A_3 {add = true} : memref<10000xf32, #tpu.memory_space<vmem>>[vector<16xi32>], vector<16xf32>,
      %get3A_151 = arith.constant 0 : i32
      %get3A_152 = arith.index_cast %get3A_151 : i32 to index
      %get3A_153 = arith.constant 32 : index
      %get3A_154 = tpu.vector_load %arg9[%get3A_152, %get3A_153] {strides = array<i32>} : memref<78x128xi32, #tpu.memory_space<vmem>>, vector<16xi32>,
      tpu.vector_store_idx %arg12[%get3A_154], %broadcast_in_dim3A_3 {add = true} : memref<10000xf32, #tpu.memory_space<vmem>>[vector<16xi32>], vector<16xf32>,
      %get3A_155 = arith.constant 0 : i32
      %get3A_156 = arith.index_cast %get3A_155 : i32 to index
      %get3A_157 = arith.constant 48 : index
      %get3A_158 = tpu.vector_load %arg9[%get3A_156, %get3A_157] {strides = array<i32>} : memref<78x128xi32, #tpu.memory_space<vmem>>, vector<16xi32>,
      tpu.vector_store_idx %arg12[%get3A_158], %broadcast_in_dim3A_3 {add = true} : memref<10000xf32, #tpu.memory_space<vmem>>[vector<16xi32>], vector<16xf32>,
      %get3A_159 = arith.constant 0 : i32
      %get3A_160 = arith.index_cast %get3A_159 : i32 to index
      %get3A_161 = arith.constant 64 : index
      %get3A_162 = tpu.vector_load %arg9[%get3A_160, %get3A_161] {strides = array<i32>} : memref<78x128xi32, #tpu.memory_space<vmem>>, vector<16xi32>,
      tpu.vector_store_idx %arg12[%get3A_162], %broadcast_in_dim3A_3 {add = true} : memref<10000xf32, #tpu.memory_space<vmem>>[vector<16xi32>], vector<16xf32>,
      %get3A_163 = arith.constant 0 : i32
      %get3A_164 = arith.index_cast %get3A_163 : i32 to index
      %get3A_165 = arith.constant 80 : index
      %get3A_166 = tpu.vector_load %arg9[%get3A_164, %get3A_165] {strides = array<i32>} : memref<78x128xi32, #tpu.memory_space<vmem>>, vector<16xi32>,
      tpu.vector_store_idx %arg12[%get3A_166], %broadcast_in_dim3A_3 {add = true} : memref<10000xf32, #tpu.memory_space<vmem>>[vector<16xi32>], vector<16xf32>,
      %get3A_167 = arith.constant 0 : i32
      %get3A_168 = arith.index_cast %get3A_167 : i32 to index
      %get3A_169 = arith.constant 96 : index
      %get3A_170 = tpu.vector_load %arg9[%get3A_168, %get3A_169] {strides = array<i32>} : memref<78x128xi32, #tpu.memory_space<vmem>>, vector<16xi32>,
      tpu.vector_store_idx %arg12[%get3A_170], %broadcast_in_dim3A_3 {add = true} : memref<10000xf32, #tpu.memory_space<vmem>>[vector<16xi32>], vector<16xf32>,
      %get3A_171 = arith.constant 0 : i32
      %get3A_172 = arith.index_cast %get3A_171 : i32 to index
      %get3A_173 = arith.constant 112 : index
      %get3A_174 = tpu.vector_load %arg9[%get3A_172, %get3A_173] {strides = array<i32>} : memref<78x128xi32, #tpu.memory_space<vmem>>, vector<16xi32>,
      tpu.vector_store_idx %arg12[%get3A_174], %broadcast_in_dim3A_3 {add = true} : memref<10000xf32, #tpu.memory_space<vmem>>[vector<16xi32>], vector<16xf32>,
      "tpu.region"() ({
        %run_scoped3A_175 = tpu.sem_alloc : memref<!tpu.dma_semaphore, #tpu.memory_space<semaphore_mem>>
        %dma_start3A_176 = arith.constant 0 : i32
        %dma_start3A_177 = tpu.memref_slice %arg7[%add3A, %dma_start3A_176] : memref<8x10000xf32, #tpu.memory_space<hbm>> -> memref<1x10000xf32, #tpu.memory_space<hbm>>
        %dma_start3A_178 = tpu.memref_squeeze %dma_start3A_177 : memref<1x10000xf32, #tpu.memory_space<hbm>> -> memref<10000xf32, #tpu.memory_space<hbm>>
        %dma_start3A_179 = arith.constant 0 : i32
        %dma_start3A_180 = tpu.memref_slice %arg7[%add3A, %dma_start3A_179] : memref<8x10000xf32, #tpu.memory_space<hbm>> -> memref<1x10000xf32, #tpu.memory_space<hbm>>
        %dma_start3A_181 = tpu.memref_squeeze %dma_start3A_180 : memref<1x10000xf32, #tpu.memory_space<hbm>> -> memref<10000xf32, #tpu.memory_space<hbm>>
        tpu.enqueue_dma source(%arg12 : memref<10000xf32, #tpu.memory_space<vmem>>) target(%dma_start3A_181 : memref<10000xf32, #tpu.memory_space<hbm>>) target_semaphore(%run_scoped3A_175 : memref<!tpu.dma_semaphore, #tpu.memory_space<semaphore_mem>>)
        %dma_wait3A_182 = arith.constant 0 : i32
        %dma_wait3A_183 = tpu.memref_slice %arg7[%add3A, %dma_wait3A_182] : memref<8x10000xf32, #tpu.memory_space<hbm>> -> memref<1x10000xf32, #tpu.memory_space<hbm>>
        %dma_wait3A_184 = tpu.memref_squeeze %dma_wait3A_183 : memref<1x10000xf32, #tpu.memory_space<hbm>> -> memref<10000xf32, #tpu.memory_space<hbm>>
        %dma_wait3A_185 = arith.constant 0 : i32
        %dma_wait3A_186 = tpu.memref_slice %arg7[%add3A, %dma_wait3A_185] : memref<8x10000xf32, #tpu.memory_space<hbm>> -> memref<1x10000xf32, #tpu.memory_space<hbm>>
        %dma_wait3A_187 = tpu.memref_squeeze %dma_wait3A_186 : memref<1x10000xf32, #tpu.memory_space<hbm>> -> memref<10000xf32, #tpu.memory_space<hbm>>
        tpu.wait_dma2 semaphore(%run_scoped3A_175 : memref<!tpu.dma_semaphore, #tpu.memory_space<semaphore_mem>>) src(%arg12 : memref<10000xf32, #tpu.memory_space<vmem>>) dst(%dma_wait3A_187 : memref<10000xf32, #tpu.memory_space<hbm>>)
        tpu.yield
      }) : () -> ()
    } else {
    }
    %run_scoped3A = arith.constant 0 : i32
    "tpu.region"() ({
      %run_scoped3A_134 = tpu.sem_alloc : memref<!tpu.dma_semaphore, #tpu.memory_space<semaphore_mem>>
      %dma_start3A_135 = arith.constant 0 : i32
      %dma_start3A_136 = tpu.memref_slice %arg6[%add3A, %run_scoped3A, %dma_start3A_135] : memref<32x1x10000xf32, #tpu.memory_space<hbm>> -> memref<1x1x10000xf32, #tpu.memory_space<hbm>>
      %dma_start3A_137 = tpu.memref_squeeze %dma_start3A_136 : memref<1x1x10000xf32, #tpu.memory_space<hbm>> -> memref<10000xf32, #tpu.memory_space<hbm>>
      %dma_start3A_138 = arith.constant 0 : i32
      %dma_start3A_139 = tpu.memref_slice %arg6[%add3A, %run_scoped3A, %dma_start3A_138] : memref<32x1x10000xf32, #tpu.memory_space<hbm>> -> memref<1x1x10000xf32, #tpu.memory_space<hbm>>
      %dma_start3A_140 = tpu.memref_squeeze %dma_start3A_139 : memref<1x1x10000xf32, #tpu.memory_space<hbm>> -> memref<10000xf32, #tpu.memory_space<hbm>>
      tpu.enqueue_dma source(%arg11 : memref<10000xf32, #tpu.memory_space<vmem>>) target(%dma_start3A_140 : memref<10000xf32, #tpu.memory_space<hbm>>) target_semaphore(%run_scoped3A_134 : memref<!tpu.dma_semaphore, #tpu.memory_space<semaphore_mem>>)
      %dma_wait3A_141 = arith.constant 0 : i32
      %dma_wait3A_142 = tpu.memref_slice %arg6[%add3A, %run_scoped3A, %dma_wait3A_141] : memref<32x1x10000xf32, #tpu.memory_space<hbm>> -> memref<1x1x10000xf32, #tpu.memory_space<hbm>>
      %dma_wait3A_143 = tpu.memref_squeeze %dma_wait3A_142 : memref<1x1x10000xf32, #tpu.memory_space<hbm>> -> memref<10000xf32, #tpu.memory_space<hbm>>
      %dma_wait3A_144 = arith.constant 0 : i32
      %dma_wait3A_145 = tpu.memref_slice %arg6[%add3A, %run_scoped3A, %dma_wait3A_144] : memref<32x1x10000xf32, #tpu.memory_space<hbm>> -> memref<1x1x10000xf32, #tpu.memory_space<hbm>>
      %dma_wait3A_146 = tpu.memref_squeeze %dma_wait3A_145 : memref<1x1x10000xf32, #tpu.memory_space<hbm>> -> memref<10000xf32, #tpu.memory_space<hbm>>
      tpu.wait_dma2 semaphore(%run_scoped3A_134 : memref<!tpu.dma_semaphore, #tpu.memory_space<semaphore_mem>>) src(%arg11 : memref<10000xf32, #tpu.memory_space<vmem>>) dst(%dma_wait3A_146 : memref<10000xf32, #tpu.memory_space<hbm>>)
      tpu.yield
    }) : () -> ()
    %barrier3A_123 = arith.constant 0 : index
    tpu.barrier barrier_id(%barrier3A_123)
    %ne3A_124 = arith.constant 15 : i32
    %ne3A_125 = arith.cmpi ne, %arg1, %ne3A_124 : i32
    %convert_element_type3A_126 = arith.extui %ne3A_125 : i1 to i32
    %cond3A_127 = arith.constant 0 : i32
    %cond3A_128 = arith.cmpi ne, %convert_element_type3A_126, %cond3A_127 : i32
    scf.if %cond3A_128 {
      %add3A_134 = arith.constant 0 : i32
      %add3A_135 = arith.addi %mul3A_22, %add3A_134 : i32
      %run_scoped3A_136 = arith.constant 0 : i32
      "tpu.region"() ({
        %run_scoped3A_154 = tpu.sem_alloc : memref<!tpu.dma_semaphore, #tpu.memory_space<semaphore_mem>>
        %dma_start3A_155 = arith.constant 0 : i32
        %dma_start3A_156 = arith.constant 0 : i32
        %dma_start3A_157 = tpu.memref_slice %arg10[%run_scoped3A_136, %dma_start3A_155, %dma_start3A_156] : memref<6x128x64xf32, #tpu.memory_space<vmem>> -> memref<1x128x64xf32, #tpu.memory_space<vmem>>
        %dma_start3A_158 = tpu.memref_squeeze %dma_start3A_157 : memref<1x128x64xf32, #tpu.memory_space<vmem>> -> memref<128x64xf32, #tpu.memory_space<vmem>>
        %dma_start3A_159 = arith.constant 0 : i32
        %dma_start3A_160 = tpu.memref_slice %arg13[%add3A_135, %dma_start3A_159] : memref<10000x64xf32, #tpu.memory_space<vmem_shared>> -> memref<128x64xf32, #tpu.memory_space<vmem_shared>>
        %dma_start3A_161 = arith.constant 0 : i32
        %dma_start3A_162 = arith.constant 0 : i32
        %dma_start3A_163 = tpu.memref_slice %arg10[%run_scoped3A_136, %dma_start3A_161, %dma_start3A_162] : memref<6x128x64xf32, #tpu.memory_space<vmem>> -> memref<1x128x64xf32, #tpu.memory_space<vmem>>
        %dma_start3A_164 = tpu.memref_squeeze %dma_start3A_163 : memref<1x128x64xf32, #tpu.memory_space<vmem>> -> memref<128x64xf32, #tpu.memory_space<vmem>>
        %dma_start3A_165 = arith.constant 0 : i32
        %dma_start3A_166 = tpu.memref_slice %arg13[%add3A_135, %dma_start3A_165] : memref<10000x64xf32, #tpu.memory_space<vmem_shared>> -> memref<128x64xf32, #tpu.memory_space<vmem_shared>>
        tpu.enqueue_dma source(%dma_start3A_166 : memref<128x64xf32, #tpu.memory_space<vmem_shared>>) target(%dma_start3A_164 : memref<128x64xf32, #tpu.memory_space<vmem>>) target_semaphore(%run_scoped3A_154 : memref<!tpu.dma_semaphore, #tpu.memory_space<semaphore_mem>>)
        %dma_wait3A_167 = arith.constant 0 : i32
        %dma_wait3A_168 = arith.constant 0 : i32
        %dma_wait3A_169 = tpu.memref_slice %arg10[%run_scoped3A_136, %dma_wait3A_167, %dma_wait3A_168] : memref<6x128x64xf32, #tpu.memory_space<vmem>> -> memref<1x128x64xf32, #tpu.memory_space<vmem>>
        %dma_wait3A_170 = tpu.memref_squeeze %dma_wait3A_169 : memref<1x128x64xf32, #tpu.memory_space<vmem>> -> memref<128x64xf32, #tpu.memory_space<vmem>>
        %dma_wait3A_171 = arith.constant 0 : i32
        %dma_wait3A_172 = tpu.memref_slice %arg13[%add3A_135, %dma_wait3A_171] : memref<10000x64xf32, #tpu.memory_space<vmem_shared>> -> memref<128x64xf32, #tpu.memory_space<vmem_shared>>
        %dma_wait3A_173 = arith.constant 0 : i32
        %dma_wait3A_174 = arith.constant 0 : i32
        %dma_wait3A_175 = tpu.memref_slice %arg10[%run_scoped3A_136, %dma_wait3A_173, %dma_wait3A_174] : memref<6x128x64xf32, #tpu.memory_space<vmem>> -> memref<1x128x64xf32, #tpu.memory_space<vmem>>
        %dma_wait3A_176 = tpu.memref_squeeze %dma_wait3A_175 : memref<1x128x64xf32, #tpu.memory_space<vmem>> -> memref<128x64xf32, #tpu.memory_space<vmem>>
        %dma_wait3A_177 = arith.constant 0 : i32
        %dma_wait3A_178 = tpu.memref_slice %arg13[%add3A_135, %dma_wait3A_177] : memref<10000x64xf32, #tpu.memory_space<vmem_shared>> -> memref<128x64xf32, #tpu.memory_space<vmem_shared>>
        tpu.wait_dma2 semaphore(%run_scoped3A_154 : memref<!tpu.dma_semaphore, #tpu.memory_space<semaphore_mem>>) src(%dma_wait3A_178 : memref<128x64xf32, #tpu.memory_space<vmem_shared>>) dst(%dma_wait3A_176 : memref<128x64xf32, #tpu.memory_space<vmem>>)
        tpu.yield
      }) : () -> ()
      %run_scoped3A_137 = arith.constant 0 : i32
      "tpu.region"() ({
        %run_scoped3A_154 = tpu.sem_alloc : memref<!tpu.dma_semaphore, #tpu.memory_space<semaphore_mem>>
        %dma_start3A_155 = arith.constant 0 : i32
        %dma_start3A_156 = arith.constant 0 : i32
        %dma_start3A_157 = tpu.memref_slice %arg10[%run_scoped3A_137, %dma_start3A_155, %dma_start3A_156] : memref<6x128x64xf32, #tpu.memory_space<vmem>> -> memref<1x128x64xf32, #tpu.memory_space<vmem>>
        %dma_start3A_158 = tpu.memref_squeeze %dma_start3A_157 : memref<1x128x64xf32, #tpu.memory_space<vmem>> -> memref<128x64xf32, #tpu.memory_space<vmem>>
        %dma_start3A_159 = arith.constant 0 : i32
        %dma_start3A_160 = tpu.memref_slice %arg5[%arg0, %add3A_135, %dma_start3A_159] : memref<2x10000x64xf32, #tpu.memory_space<hbm>> -> memref<1x128x64xf32, #tpu.memory_space<hbm>>
        %dma_start3A_161 = tpu.memref_squeeze %dma_start3A_160 : memref<1x128x64xf32, #tpu.memory_space<hbm>> -> memref<128x64xf32, #tpu.memory_space<hbm>>
        %dma_start3A_162 = arith.constant 0 : i32
        %dma_start3A_163 = tpu.memref_slice %arg5[%arg0, %add3A_135, %dma_start3A_162] : memref<2x10000x64xf32, #tpu.memory_space<hbm>> -> memref<1x128x64xf32, #tpu.memory_space<hbm>>
        %dma_start3A_164 = tpu.memref_squeeze %dma_start3A_163 : memref<1x128x64xf32, #tpu.memory_space<hbm>> -> memref<128x64xf32, #tpu.memory_space<hbm>>
        %dma_start3A_165 = arith.constant 0 : i32
        %dma_start3A_166 = arith.constant 0 : i32
        %dma_start3A_167 = tpu.memref_slice %arg10[%run_scoped3A_137, %dma_start3A_165, %dma_start3A_166] : memref<6x128x64xf32, #tpu.memory_space<vmem>> -> memref<1x128x64xf32, #tpu.memory_space<vmem>>
        %dma_start3A_168 = tpu.memref_squeeze %dma_start3A_167 : memref<1x128x64xf32, #tpu.memory_space<vmem>> -> memref<128x64xf32, #tpu.memory_space<vmem>>
        tpu.enqueue_dma source(%dma_start3A_168 : memref<128x64xf32, #tpu.memory_space<vmem>>) target(%dma_start3A_164 : memref<128x64xf32, #tpu.memory_space<hbm>>) target_semaphore(%run_scoped3A_154 : memref<!tpu.dma_semaphore, #tpu.memory_space<semaphore_mem>>)
        %dma_wait3A_169 = arith.constant 0 : i32
        %dma_wait3A_170 = arith.constant 0 : i32
        %dma_wait3A_171 = tpu.memref_slice %arg10[%run_scoped3A_137, %dma_wait3A_169, %dma_wait3A_170] : memref<6x128x64xf32, #tpu.memory_space<vmem>> -> memref<1x128x64xf32, #tpu.memory_space<vmem>>
        %dma_wait3A_172 = tpu.memref_squeeze %dma_wait3A_171 : memref<1x128x64xf32, #tpu.memory_space<vmem>> -> memref<128x64xf32, #tpu.memory_space<vmem>>
        %dma_wait3A_173 = arith.constant 0 : i32
        %dma_wait3A_174 = tpu.memref_slice %arg5[%arg0, %add3A_135, %dma_wait3A_173] : memref<2x10000x64xf32, #tpu.memory_space<hbm>> -> memref<1x128x64xf32, #tpu.memory_space<hbm>>
        %dma_wait3A_175 = tpu.memref_squeeze %dma_wait3A_174 : memref<1x128x64xf32, #tpu.memory_space<hbm>> -> memref<128x64xf32, #tpu.memory_space<hbm>>
        %dma_wait3A_176 = arith.constant 0 : i32
        %dma_wait3A_177 = tpu.memref_slice %arg5[%arg0, %add3A_135, %dma_wait3A_176] : memref<2x10000x64xf32, #tpu.memory_space<hbm>> -> memref<1x128x64xf32, #tpu.memory_space<hbm>>
        %dma_wait3A_178 = tpu.memref_squeeze %dma_wait3A_177 : memref<1x128x64xf32, #tpu.memory_space<hbm>> -> memref<128x64xf32, #tpu.memory_space<hbm>>
        %dma_wait3A_179 = arith.constant 0 : i32
        %dma_wait3A_180 = arith.constant 0 : i32
        %dma_wait3A_181 = tpu.memref_slice %arg10[%run_scoped3A_137, %dma_wait3A_179, %dma_wait3A_180] : memref<6x128x64xf32, #tpu.memory_space<vmem>> -> memref<1x128x64xf32, #tpu.memory_space<vmem>>
        %dma_wait3A_182 = tpu.memref_squeeze %dma_wait3A_181 : memref<1x128x64xf32, #tpu.memory_space<vmem>> -> memref<128x64xf32, #tpu.memory_space<vmem>>
        tpu.wait_dma2 semaphore(%run_scoped3A_154 : memref<!tpu.dma_semaphore, #tpu.memory_space<semaphore_mem>>) src(%dma_wait3A_182 : memref<128x64xf32, #tpu.memory_space<vmem>>) dst(%dma_wait3A_178 : memref<128x64xf32, #tpu.memory_space<hbm>>)
        tpu.yield
      }) : () -> ()
      %add3A_138 = arith.constant 128 : i32
      %add3A_139 = arith.addi %mul3A_22, %add3A_138 : i32
      %run_scoped3A_140 = arith.constant 0 : i32
      "tpu.region"() ({
        %run_scoped3A_154 = tpu.sem_alloc : memref<!tpu.dma_semaphore, #tpu.memory_space<semaphore_mem>>
        %dma_start3A_155 = arith.constant 0 : i32
        %dma_start3A_156 = arith.constant 0 : i32
        %dma_start3A_157 = tpu.memref_slice %arg10[%run_scoped3A_140, %dma_start3A_155, %dma_start3A_156] : memref<6x128x64xf32, #tpu.memory_space<vmem>> -> memref<1x128x64xf32, #tpu.memory_space<vmem>>
        %dma_start3A_158 = tpu.memref_squeeze %dma_start3A_157 : memref<1x128x64xf32, #tpu.memory_space<vmem>> -> memref<128x64xf32, #tpu.memory_space<vmem>>
        %dma_start3A_159 = arith.constant 0 : i32
        %dma_start3A_160 = tpu.memref_slice %arg13[%add3A_139, %dma_start3A_159] : memref<10000x64xf32, #tpu.memory_space<vmem_shared>> -> memref<128x64xf32, #tpu.memory_space<vmem_shared>>
        %dma_start3A_161 = arith.constant 0 : i32
        %dma_start3A_162 = arith.constant 0 : i32
        %dma_start3A_163 = tpu.memref_slice %arg10[%run_scoped3A_140, %dma_start3A_161, %dma_start3A_162] : memref<6x128x64xf32, #tpu.memory_space<vmem>> -> memref<1x128x64xf32, #tpu.memory_space<vmem>>
        %dma_start3A_164 = tpu.memref_squeeze %dma_start3A_163 : memref<1x128x64xf32, #tpu.memory_space<vmem>> -> memref<128x64xf32, #tpu.memory_space<vmem>>
        %dma_start3A_165 = arith.constant 0 : i32
        %dma_start3A_166 = tpu.memref_slice %arg13[%add3A_139, %dma_start3A_165] : memref<10000x64xf32, #tpu.memory_space<vmem_shared>> -> memref<128x64xf32, #tpu.memory_space<vmem_shared>>
        tpu.enqueue_dma source(%dma_start3A_166 : memref<128x64xf32, #tpu.memory_space<vmem_shared>>) target(%dma_start3A_164 : memref<128x64xf32, #tpu.memory_space<vmem>>) target_semaphore(%run_scoped3A_154 : memref<!tpu.dma_semaphore, #tpu.memory_space<semaphore_mem>>)
        %dma_wait3A_167 = arith.constant 0 : i32
        %dma_wait3A_168 = arith.constant 0 : i32
        %dma_wait3A_169 = tpu.memref_slice %arg10[%run_scoped3A_140, %dma_wait3A_167, %dma_wait3A_168] : memref<6x128x64xf32, #tpu.memory_space<vmem>> -> memref<1x128x64xf32, #tpu.memory_space<vmem>>
        %dma_wait3A_170 = tpu.memref_squeeze %dma_wait3A_169 : memref<1x128x64xf32, #tpu.memory_space<vmem>> -> memref<128x64xf32, #tpu.memory_space<vmem>>
        %dma_wait3A_171 = arith.constant 0 : i32
        %dma_wait3A_172 = tpu.memref_slice %arg13[%add3A_139, %dma_wait3A_171] : memref<10000x64xf32, #tpu.memory_space<vmem_shared>> -> memref<128x64xf32, #tpu.memory_space<vmem_shared>>
        %dma_wait3A_173 = arith.constant 0 : i32
        %dma_wait3A_174 = arith.constant 0 : i32
        %dma_wait3A_175 = tpu.memref_slice %arg10[%run_scoped3A_140, %dma_wait3A_173, %dma_wait3A_174] : memref<6x128x64xf32, #tpu.memory_space<vmem>> -> memref<1x128x64xf32, #tpu.memory_space<vmem>>
        %dma_wait3A_176 = tpu.memref_squeeze %dma_wait3A_175 : memref<1x128x64xf32, #tpu.memory_space<vmem>> -> memref<128x64xf32, #tpu.memory_space<vmem>>
        %dma_wait3A_177 = arith.constant 0 : i32
        %dma_wait3A_178 = tpu.memref_slice %arg13[%add3A_139, %dma_wait3A_177] : memref<10000x64xf32, #tpu.memory_space<vmem_shared>> -> memref<128x64xf32, #tpu.memory_space<vmem_shared>>
        tpu.wait_dma2 semaphore(%run_scoped3A_154 : memref<!tpu.dma_semaphore, #tpu.memory_space<semaphore_mem>>) src(%dma_wait3A_178 : memref<128x64xf32, #tpu.memory_space<vmem_shared>>) dst(%dma_wait3A_176 : memref<128x64xf32, #tpu.memory_space<vmem>>)
        tpu.yield
      }) : () -> ()
      %run_scoped3A_141 = arith.constant 0 : i32
      "tpu.region"() ({
        %run_scoped3A_154 = tpu.sem_alloc : memref<!tpu.dma_semaphore, #tpu.memory_space<semaphore_mem>>
        %dma_start3A_155 = arith.constant 0 : i32
        %dma_start3A_156 = arith.constant 0 : i32
        %dma_start3A_157 = tpu.memref_slice %arg10[%run_scoped3A_141, %dma_start3A_155, %dma_start3A_156] : memref<6x128x64xf32, #tpu.memory_space<vmem>> -> memref<1x128x64xf32, #tpu.memory_space<vmem>>
        %dma_start3A_158 = tpu.memref_squeeze %dma_start3A_157 : memref<1x128x64xf32, #tpu.memory_space<vmem>> -> memref<128x64xf32, #tpu.memory_space<vmem>>
        %dma_start3A_159 = arith.constant 0 : i32
        %dma_start3A_160 = tpu.memref_slice %arg5[%arg0, %add3A_139, %dma_start3A_159] : memref<2x10000x64xf32, #tpu.memory_space<hbm>> -> memref<1x128x64xf32, #tpu.memory_space<hbm>>
        %dma_start3A_161 = tpu.memref_squeeze %dma_start3A_160 : memref<1x128x64xf32, #tpu.memory_space<hbm>> -> memref<128x64xf32, #tpu.memory_space<hbm>>
        %dma_start3A_162 = arith.constant 0 : i32
        %dma_start3A_163 = tpu.memref_slice %arg5[%arg0, %add3A_139, %dma_start3A_162] : memref<2x10000x64xf32, #tpu.memory_space<hbm>> -> memref<1x128x64xf32, #tpu.memory_space<hbm>>
        %dma_start3A_164 = tpu.memref_squeeze %dma_start3A_163 : memref<1x128x64xf32, #tpu.memory_space<hbm>> -> memref<128x64xf32, #tpu.memory_space<hbm>>
        %dma_start3A_165 = arith.constant 0 : i32
        %dma_start3A_166 = arith.constant 0 : i32
        %dma_start3A_167 = tpu.memref_slice %arg10[%run_scoped3A_141, %dma_start3A_165, %dma_start3A_166] : memref<6x128x64xf32, #tpu.memory_space<vmem>> -> memref<1x128x64xf32, #tpu.memory_space<vmem>>
        %dma_start3A_168 = tpu.memref_squeeze %dma_start3A_167 : memref<1x128x64xf32, #tpu.memory_space<vmem>> -> memref<128x64xf32, #tpu.memory_space<vmem>>
        tpu.enqueue_dma source(%dma_start3A_168 : memref<128x64xf32, #tpu.memory_space<vmem>>) target(%dma_start3A_164 : memref<128x64xf32, #tpu.memory_space<hbm>>) target_semaphore(%run_scoped3A_154 : memref<!tpu.dma_semaphore, #tpu.memory_space<semaphore_mem>>)
        %dma_wait3A_169 = arith.constant 0 : i32
        %dma_wait3A_170 = arith.constant 0 : i32
        %dma_wait3A_171 = tpu.memref_slice %arg10[%run_scoped3A_141, %dma_wait3A_169, %dma_wait3A_170] : memref<6x128x64xf32, #tpu.memory_space<vmem>> -> memref<1x128x64xf32, #tpu.memory_space<vmem>>
        %dma_wait3A_172 = tpu.memref_squeeze %dma_wait3A_171 : memref<1x128x64xf32, #tpu.memory_space<vmem>> -> memref<128x64xf32, #tpu.memory_space<vmem>>
        %dma_wait3A_173 = arith.constant 0 : i32
        %dma_wait3A_174 = tpu.memref_slice %arg5[%arg0, %add3A_139, %dma_wait3A_173] : memref<2x10000x64xf32, #tpu.memory_space<hbm>> -> memref<1x128x64xf32, #tpu.memory_space<hbm>>
        %dma_wait3A_175 = tpu.memref_squeeze %dma_wait3A_174 : memref<1x128x64xf32, #tpu.memory_space<hbm>> -> memref<128x64xf32, #tpu.memory_space<hbm>>
        %dma_wait3A_176 = arith.constant 0 : i32
        %dma_wait3A_177 = tpu.memref_slice %arg5[%arg0, %add3A_139, %dma_wait3A_176] : memref<2x10000x64xf32, #tpu.memory_space<hbm>> -> memref<1x128x64xf32, #tpu.memory_space<hbm>>
        %dma_wait3A_178 = tpu.memref_squeeze %dma_wait3A_177 : memref<1x128x64xf32, #tpu.memory_space<hbm>> -> memref<128x64xf32, #tpu.memory_space<hbm>>
        %dma_wait3A_179 = arith.constant 0 : i32
        %dma_wait3A_180 = arith.constant 0 : i32
        %dma_wait3A_181 = tpu.memref_slice %arg10[%run_scoped3A_141, %dma_wait3A_179, %dma_wait3A_180] : memref<6x128x64xf32, #tpu.memory_space<vmem>> -> memref<1x128x64xf32, #tpu.memory_space<vmem>>
        %dma_wait3A_182 = tpu.memref_squeeze %dma_wait3A_181 : memref<1x128x64xf32, #tpu.memory_space<vmem>> -> memref<128x64xf32, #tpu.memory_space<vmem>>
        tpu.wait_dma2 semaphore(%run_scoped3A_154 : memref<!tpu.dma_semaphore, #tpu.memory_space<semaphore_mem>>) src(%dma_wait3A_182 : memref<128x64xf32, #tpu.memory_space<vmem>>) dst(%dma_wait3A_178 : memref<128x64xf32, #tpu.memory_space<hbm>>)
        tpu.yield
      }) : () -> ()
      %add3A_142 = arith.constant 256 : i32
      %add3A_143 = arith.addi %mul3A_22, %add3A_142 : i32
      %run_scoped3A_144 = arith.constant 0 : i32
      "tpu.region"() ({
        %run_scoped3A_154 = tpu.sem_alloc : memref<!tpu.dma_semaphore, #tpu.memory_space<semaphore_mem>>
        %dma_start3A_155 = arith.constant 0 : i32
        %dma_start3A_156 = arith.constant 0 : i32
        %dma_start3A_157 = tpu.memref_slice %arg10[%run_scoped3A_144, %dma_start3A_155, %dma_start3A_156] : memref<6x128x64xf32, #tpu.memory_space<vmem>> -> memref<1x128x64xf32, #tpu.memory_space<vmem>>
        %dma_start3A_158 = tpu.memref_squeeze %dma_start3A_157 : memref<1x128x64xf32, #tpu.memory_space<vmem>> -> memref<128x64xf32, #tpu.memory_space<vmem>>
        %dma_start3A_159 = arith.constant 0 : i32
        %dma_start3A_160 = tpu.memref_slice %arg13[%add3A_143, %dma_start3A_159] : memref<10000x64xf32, #tpu.memory_space<vmem_shared>> -> memref<128x64xf32, #tpu.memory_space<vmem_shared>>
        %dma_start3A_161 = arith.constant 0 : i32
        %dma_start3A_162 = arith.constant 0 : i32
        %dma_start3A_163 = tpu.memref_slice %arg10[%run_scoped3A_144, %dma_start3A_161, %dma_start3A_162] : memref<6x128x64xf32, #tpu.memory_space<vmem>> -> memref<1x128x64xf32, #tpu.memory_space<vmem>>
        %dma_start3A_164 = tpu.memref_squeeze %dma_start3A_163 : memref<1x128x64xf32, #tpu.memory_space<vmem>> -> memref<128x64xf32, #tpu.memory_space<vmem>>
        %dma_start3A_165 = arith.constant 0 : i32
        %dma_start3A_166 = tpu.memref_slice %arg13[%add3A_143, %dma_start3A_165] : memref<10000x64xf32, #tpu.memory_space<vmem_shared>> -> memref<128x64xf32, #tpu.memory_space<vmem_shared>>
        tpu.enqueue_dma source(%dma_start3A_166 : memref<128x64xf32, #tpu.memory_space<vmem_shared>>) target(%dma_start3A_164 : memref<128x64xf32, #tpu.memory_space<vmem>>) target_semaphore(%run_scoped3A_154 : memref<!tpu.dma_semaphore, #tpu.memory_space<semaphore_mem>>)
        %dma_wait3A_167 = arith.constant 0 : i32
        %dma_wait3A_168 = arith.constant 0 : i32
        %dma_wait3A_169 = tpu.memref_slice %arg10[%run_scoped3A_144, %dma_wait3A_167, %dma_wait3A_168] : memref<6x128x64xf32, #tpu.memory_space<vmem>> -> memref<1x128x64xf32, #tpu.memory_space<vmem>>
        %dma_wait3A_170 = tpu.memref_squeeze %dma_wait3A_169 : memref<1x128x64xf32, #tpu.memory_space<vmem>> -> memref<128x64xf32, #tpu.memory_space<vmem>>
        %dma_wait3A_171 = arith.constant 0 : i32
        %dma_wait3A_172 = tpu.memref_slice %arg13[%add3A_143, %dma_wait3A_171] : memref<10000x64xf32, #tpu.memory_space<vmem_shared>> -> memref<128x64xf32, #tpu.memory_space<vmem_shared>>
        %dma_wait3A_173 = arith.constant 0 : i32
        %dma_wait3A_174 = arith.constant 0 : i32
        %dma_wait3A_175 = tpu.memref_slice %arg10[%run_scoped3A_144, %dma_wait3A_173, %dma_wait3A_174] : memref<6x128x64xf32, #tpu.memory_space<vmem>> -> memref<1x128x64xf32, #tpu.memory_space<vmem>>
        %dma_wait3A_176 = tpu.memref_squeeze %dma_wait3A_175 : memref<1x128x64xf32, #tpu.memory_space<vmem>> -> memref<128x64xf32, #tpu.memory_space<vmem>>
        %dma_wait3A_177 = arith.constant 0 : i32
        %dma_wait3A_178 = tpu.memref_slice %arg13[%add3A_143, %dma_wait3A_177] : memref<10000x64xf32, #tpu.memory_space<vmem_shared>> -> memref<128x64xf32, #tpu.memory_space<vmem_shared>>
        tpu.wait_dma2 semaphore(%run_scoped3A_154 : memref<!tpu.dma_semaphore, #tpu.memory_space<semaphore_mem>>) src(%dma_wait3A_178 : memref<128x64xf32, #tpu.memory_space<vmem_shared>>) dst(%dma_wait3A_176 : memref<128x64xf32, #tpu.memory_space<vmem>>)
        tpu.yield
      }) : () -> ()
      %run_scoped3A_145 = arith.constant 0 : i32
      "tpu.region"() ({
        %run_scoped3A_154 = tpu.sem_alloc : memref<!tpu.dma_semaphore, #tpu.memory_space<semaphore_mem>>
        %dma_start3A_155 = arith.constant 0 : i32
        %dma_start3A_156 = arith.constant 0 : i32
        %dma_start3A_157 = tpu.memref_slice %arg10[%run_scoped3A_145, %dma_start3A_155, %dma_start3A_156] : memref<6x128x64xf32, #tpu.memory_space<vmem>> -> memref<1x128x64xf32, #tpu.memory_space<vmem>>
        %dma_start3A_158 = tpu.memref_squeeze %dma_start3A_157 : memref<1x128x64xf32, #tpu.memory_space<vmem>> -> memref<128x64xf32, #tpu.memory_space<vmem>>
        %dma_start3A_159 = arith.constant 0 : i32
        %dma_start3A_160 = tpu.memref_slice %arg5[%arg0, %add3A_143, %dma_start3A_159] : memref<2x10000x64xf32, #tpu.memory_space<hbm>> -> memref<1x128x64xf32, #tpu.memory_space<hbm>>
        %dma_start3A_161 = tpu.memref_squeeze %dma_start3A_160 : memref<1x128x64xf32, #tpu.memory_space<hbm>> -> memref<128x64xf32, #tpu.memory_space<hbm>>
        %dma_start3A_162 = arith.constant 0 : i32
        %dma_start3A_163 = tpu.memref_slice %arg5[%arg0, %add3A_143, %dma_start3A_162] : memref<2x10000x64xf32, #tpu.memory_space<hbm>> -> memref<1x128x64xf32, #tpu.memory_space<hbm>>
        %dma_start3A_164 = tpu.memref_squeeze %dma_start3A_163 : memref<1x128x64xf32, #tpu.memory_space<hbm>> -> memref<128x64xf32, #tpu.memory_space<hbm>>
        %dma_start3A_165 = arith.constant 0 : i32
        %dma_start3A_166 = arith.constant 0 : i32
        %dma_start3A_167 = tpu.memref_slice %arg10[%run_scoped3A_145, %dma_start3A_165, %dma_start3A_166] : memref<6x128x64xf32, #tpu.memory_space<vmem>> -> memref<1x128x64xf32, #tpu.memory_space<vmem>>
        %dma_start3A_168 = tpu.memref_squeeze %dma_start3A_167 : memref<1x128x64xf32, #tpu.memory_space<vmem>> -> memref<128x64xf32, #tpu.memory_space<vmem>>
        tpu.enqueue_dma source(%dma_start3A_168 : memref<128x64xf32, #tpu.memory_space<vmem>>) target(%dma_start3A_164 : memref<128x64xf32, #tpu.memory_space<hbm>>) target_semaphore(%run_scoped3A_154 : memref<!tpu.dma_semaphore, #tpu.memory_space<semaphore_mem>>)
        %dma_wait3A_169 = arith.constant 0 : i32
        %dma_wait3A_170 = arith.constant 0 : i32
        %dma_wait3A_171 = tpu.memref_slice %arg10[%run_scoped3A_145, %dma_wait3A_169, %dma_wait3A_170] : memref<6x128x64xf32, #tpu.memory_space<vmem>> -> memref<1x128x64xf32, #tpu.memory_space<vmem>>
        %dma_wait3A_172 = tpu.memref_squeeze %dma_wait3A_171 : memref<1x128x64xf32, #tpu.memory_space<vmem>> -> memref<128x64xf32, #tpu.memory_space<vmem>>
        %dma_wait3A_173 = arith.constant 0 : i32
        %dma_wait3A_174 = tpu.memref_slice %arg5[%arg0, %add3A_143, %dma_wait3A_173] : memref<2x10000x64xf32, #tpu.memory_space<hbm>> -> memref<1x128x64xf32, #tpu.memory_space<hbm>>
        %dma_wait3A_175 = tpu.memref_squeeze %dma_wait3A_174 : memref<1x128x64xf32, #tpu.memory_space<hbm>> -> memref<128x64xf32, #tpu.memory_space<hbm>>
        %dma_wait3A_176 = arith.constant 0 : i32
        %dma_wait3A_177 = tpu.memref_slice %arg5[%arg0, %add3A_143, %dma_wait3A_176] : memref<2x10000x64xf32, #tpu.memory_space<hbm>> -> memref<1x128x64xf32, #tpu.memory_space<hbm>>
        %dma_wait3A_178 = tpu.memref_squeeze %dma_wait3A_177 : memref<1x128x64xf32, #tpu.memory_space<hbm>> -> memref<128x64xf32, #tpu.memory_space<hbm>>
        %dma_wait3A_179 = arith.constant 0 : i32
        %dma_wait3A_180 = arith.constant 0 : i32
        %dma_wait3A_181 = tpu.memref_slice %arg10[%run_scoped3A_145, %dma_wait3A_179, %dma_wait3A_180] : memref<6x128x64xf32, #tpu.memory_space<vmem>> -> memref<1x128x64xf32, #tpu.memory_space<vmem>>
        %dma_wait3A_182 = tpu.memref_squeeze %dma_wait3A_181 : memref<1x128x64xf32, #tpu.memory_space<vmem>> -> memref<128x64xf32, #tpu.memory_space<vmem>>
        tpu.wait_dma2 semaphore(%run_scoped3A_154 : memref<!tpu.dma_semaphore, #tpu.memory_space<semaphore_mem>>) src(%dma_wait3A_182 : memref<128x64xf32, #tpu.memory_space<vmem>>) dst(%dma_wait3A_178 : memref<128x64xf32, #tpu.memory_space<hbm>>)
        tpu.yield
      }) : () -> ()
      %add3A_146 = arith.constant 384 : i32
      %add3A_147 = arith.addi %mul3A_22, %add3A_146 : i32
      %run_scoped3A_148 = arith.constant 0 : i32
      "tpu.region"() ({
        %run_scoped3A_154 = tpu.sem_alloc : memref<!tpu.dma_semaphore, #tpu.memory_space<semaphore_mem>>
        %dma_start3A_155 = arith.constant 0 : i32
        %dma_start3A_156 = arith.constant 0 : i32
        %dma_start3A_157 = tpu.memref_slice %arg10[%run_scoped3A_148, %dma_start3A_155, %dma_start3A_156] : memref<6x128x64xf32, #tpu.memory_space<vmem>> -> memref<1x128x64xf32, #tpu.memory_space<vmem>>
        %dma_start3A_158 = tpu.memref_squeeze %dma_start3A_157 : memref<1x128x64xf32, #tpu.memory_space<vmem>> -> memref<128x64xf32, #tpu.memory_space<vmem>>
        %dma_start3A_159 = arith.constant 0 : i32
        %dma_start3A_160 = tpu.memref_slice %arg13[%add3A_147, %dma_start3A_159] : memref<10000x64xf32, #tpu.memory_space<vmem_shared>> -> memref<128x64xf32, #tpu.memory_space<vmem_shared>>
        %dma_start3A_161 = arith.constant 0 : i32
        %dma_start3A_162 = arith.constant 0 : i32
        %dma_start3A_163 = tpu.memref_slice %arg10[%run_scoped3A_148, %dma_start3A_161, %dma_start3A_162] : memref<6x128x64xf32, #tpu.memory_space<vmem>> -> memref<1x128x64xf32, #tpu.memory_space<vmem>>
        %dma_start3A_164 = tpu.memref_squeeze %dma_start3A_163 : memref<1x128x64xf32, #tpu.memory_space<vmem>> -> memref<128x64xf32, #tpu.memory_space<vmem>>
        %dma_start3A_165 = arith.constant 0 : i32
        %dma_start3A_166 = tpu.memref_slice %arg13[%add3A_147, %dma_start3A_165] : memref<10000x64xf32, #tpu.memory_space<vmem_shared>> -> memref<128x64xf32, #tpu.memory_space<vmem_shared>>
        tpu.enqueue_dma source(%dma_start3A_166 : memref<128x64xf32, #tpu.memory_space<vmem_shared>>) target(%dma_start3A_164 : memref<128x64xf32, #tpu.memory_space<vmem>>) target_semaphore(%run_scoped3A_154 : memref<!tpu.dma_semaphore, #tpu.memory_space<semaphore_mem>>)
        %dma_wait3A_167 = arith.constant 0 : i32
        %dma_wait3A_168 = arith.constant 0 : i32
        %dma_wait3A_169 = tpu.memref_slice %arg10[%run_scoped3A_148, %dma_wait3A_167, %dma_wait3A_168] : memref<6x128x64xf32, #tpu.memory_space<vmem>> -> memref<1x128x64xf32, #tpu.memory_space<vmem>>
        %dma_wait3A_170 = tpu.memref_squeeze %dma_wait3A_169 : memref<1x128x64xf32, #tpu.memory_space<vmem>> -> memref<128x64xf32, #tpu.memory_space<vmem>>
        %dma_wait3A_171 = arith.constant 0 : i32
        %dma_wait3A_172 = tpu.memref_slice %arg13[%add3A_147, %dma_wait3A_171] : memref<10000x64xf32, #tpu.memory_space<vmem_shared>> -> memref<128x64xf32, #tpu.memory_space<vmem_shared>>
        %dma_wait3A_173 = arith.constant 0 : i32
        %dma_wait3A_174 = arith.constant 0 : i32
        %dma_wait3A_175 = tpu.memref_slice %arg10[%run_scoped3A_148, %dma_wait3A_173, %dma_wait3A_174] : memref<6x128x64xf32, #tpu.memory_space<vmem>> -> memref<1x128x64xf32, #tpu.memory_space<vmem>>
        %dma_wait3A_176 = tpu.memref_squeeze %dma_wait3A_175 : memref<1x128x64xf32, #tpu.memory_space<vmem>> -> memref<128x64xf32, #tpu.memory_space<vmem>>
        %dma_wait3A_177 = arith.constant 0 : i32
        %dma_wait3A_178 = tpu.memref_slice %arg13[%add3A_147, %dma_wait3A_177] : memref<10000x64xf32, #tpu.memory_space<vmem_shared>> -> memref<128x64xf32, #tpu.memory_space<vmem_shared>>
        tpu.wait_dma2 semaphore(%run_scoped3A_154 : memref<!tpu.dma_semaphore, #tpu.memory_space<semaphore_mem>>) src(%dma_wait3A_178 : memref<128x64xf32, #tpu.memory_space<vmem_shared>>) dst(%dma_wait3A_176 : memref<128x64xf32, #tpu.memory_space<vmem>>)
        tpu.yield
      }) : () -> ()
      %run_scoped3A_149 = arith.constant 0 : i32
      "tpu.region"() ({
        %run_scoped3A_154 = tpu.sem_alloc : memref<!tpu.dma_semaphore, #tpu.memory_space<semaphore_mem>>
        %dma_start3A_155 = arith.constant 0 : i32
        %dma_start3A_156 = arith.constant 0 : i32
        %dma_start3A_157 = tpu.memref_slice %arg10[%run_scoped3A_149, %dma_start3A_155, %dma_start3A_156] : memref<6x128x64xf32, #tpu.memory_space<vmem>> -> memref<1x128x64xf32, #tpu.memory_space<vmem>>
        %dma_start3A_158 = tpu.memref_squeeze %dma_start3A_157 : memref<1x128x64xf32, #tpu.memory_space<vmem>> -> memref<128x64xf32, #tpu.memory_space<vmem>>
        %dma_start3A_159 = arith.constant 0 : i32
        %dma_start3A_160 = tpu.memref_slice %arg5[%arg0, %add3A_147, %dma_start3A_159] : memref<2x10000x64xf32, #tpu.memory_space<hbm>> -> memref<1x128x64xf32, #tpu.memory_space<hbm>>
        %dma_start3A_161 = tpu.memref_squeeze %dma_start3A_160 : memref<1x128x64xf32, #tpu.memory_space<hbm>> -> memref<128x64xf32, #tpu.memory_space<hbm>>
        %dma_start3A_162 = arith.constant 0 : i32
        %dma_start3A_163 = tpu.memref_slice %arg5[%arg0, %add3A_147, %dma_start3A_162] : memref<2x10000x64xf32, #tpu.memory_space<hbm>> -> memref<1x128x64xf32, #tpu.memory_space<hbm>>
        %dma_start3A_164 = tpu.memref_squeeze %dma_start3A_163 : memref<1x128x64xf32, #tpu.memory_space<hbm>> -> memref<128x64xf32, #tpu.memory_space<hbm>>
        %dma_start3A_165 = arith.constant 0 : i32
        %dma_start3A_166 = arith.constant 0 : i32
        %dma_start3A_167 = tpu.memref_slice %arg10[%run_scoped3A_149, %dma_start3A_165, %dma_start3A_166] : memref<6x128x64xf32, #tpu.memory_space<vmem>> -> memref<1x128x64xf32, #tpu.memory_space<vmem>>
        %dma_start3A_168 = tpu.memref_squeeze %dma_start3A_167 : memref<1x128x64xf32, #tpu.memory_space<vmem>> -> memref<128x64xf32, #tpu.memory_space<vmem>>
        tpu.enqueue_dma source(%dma_start3A_168 : memref<128x64xf32, #tpu.memory_space<vmem>>) target(%dma_start3A_164 : memref<128x64xf32, #tpu.memory_space<hbm>>) target_semaphore(%run_scoped3A_154 : memref<!tpu.dma_semaphore, #tpu.memory_space<semaphore_mem>>)
        %dma_wait3A_169 = arith.constant 0 : i32
        %dma_wait3A_170 = arith.constant 0 : i32
        %dma_wait3A_171 = tpu.memref_slice %arg10[%run_scoped3A_149, %dma_wait3A_169, %dma_wait3A_170] : memref<6x128x64xf32, #tpu.memory_space<vmem>> -> memref<1x128x64xf32, #tpu.memory_space<vmem>>
        %dma_wait3A_172 = tpu.memref_squeeze %dma_wait3A_171 : memref<1x128x64xf32, #tpu.memory_space<vmem>> -> memref<128x64xf32, #tpu.memory_space<vmem>>
        %dma_wait3A_173 = arith.constant 0 : i32
        %dma_wait3A_174 = tpu.memref_slice %arg5[%arg0, %add3A_147, %dma_wait3A_173] : memref<2x10000x64xf32, #tpu.memory_space<hbm>> -> memref<1x128x64xf32, #tpu.memory_space<hbm>>
        %dma_wait3A_175 = tpu.memref_squeeze %dma_wait3A_174 : memref<1x128x64xf32, #tpu.memory_space<hbm>> -> memref<128x64xf32, #tpu.memory_space<hbm>>
        %dma_wait3A_176 = arith.constant 0 : i32
        %dma_wait3A_177 = tpu.memref_slice %arg5[%arg0, %add3A_147, %dma_wait3A_176] : memref<2x10000x64xf32, #tpu.memory_space<hbm>> -> memref<1x128x64xf32, #tpu.memory_space<hbm>>
        %dma_wait3A_178 = tpu.memref_squeeze %dma_wait3A_177 : memref<1x128x64xf32, #tpu.memory_space<hbm>> -> memref<128x64xf32, #tpu.memory_space<hbm>>
        %dma_wait3A_179 = arith.constant 0 : i32
        %dma_wait3A_180 = arith.constant 0 : i32
        %dma_wait3A_181 = tpu.memref_slice %arg10[%run_scoped3A_149, %dma_wait3A_179, %dma_wait3A_180] : memref<6x128x64xf32, #tpu.memory_space<vmem>> -> memref<1x128x64xf32, #tpu.memory_space<vmem>>
        %dma_wait3A_182 = tpu.memref_squeeze %dma_wait3A_181 : memref<1x128x64xf32, #tpu.memory_space<vmem>> -> memref<128x64xf32, #tpu.memory_space<vmem>>
        tpu.wait_dma2 semaphore(%run_scoped3A_154 : memref<!tpu.dma_semaphore, #tpu.memory_space<semaphore_mem>>) src(%dma_wait3A_182 : memref<128x64xf32, #tpu.memory_space<vmem>>) dst(%dma_wait3A_178 : memref<128x64xf32, #tpu.memory_space<hbm>>)
        tpu.yield
      }) : () -> ()
      %add3A_150 = arith.constant 512 : i32
      %add3A_151 = arith.addi %mul3A_22, %add3A_150 : i32
      %run_scoped3A_152 = arith.constant 0 : i32
      "tpu.region"() ({
        %run_scoped3A_154 = tpu.sem_alloc : memref<!tpu.dma_semaphore, #tpu.memory_space<semaphore_mem>>
        %dma_start3A_155 = arith.constant 0 : i32
        %dma_start3A_156 = arith.constant 0 : i32
        %dma_start3A_157 = tpu.memref_slice %arg10[%run_scoped3A_152, %dma_start3A_155, %dma_start3A_156] : memref<6x128x64xf32, #tpu.memory_space<vmem>> -> memref<1x112x64xf32, #tpu.memory_space<vmem>>
        %dma_start3A_158 = tpu.memref_squeeze %dma_start3A_157 : memref<1x112x64xf32, #tpu.memory_space<vmem>> -> memref<112x64xf32, #tpu.memory_space<vmem>>
        %dma_start3A_159 = arith.constant 0 : i32
        %dma_start3A_160 = tpu.memref_slice %arg13[%add3A_151, %dma_start3A_159] : memref<10000x64xf32, #tpu.memory_space<vmem_shared>> -> memref<112x64xf32, #tpu.memory_space<vmem_shared>>
        %dma_start3A_161 = arith.constant 0 : i32
        %dma_start3A_162 = arith.constant 0 : i32
        %dma_start3A_163 = tpu.memref_slice %arg10[%run_scoped3A_152, %dma_start3A_161, %dma_start3A_162] : memref<6x128x64xf32, #tpu.memory_space<vmem>> -> memref<1x112x64xf32, #tpu.memory_space<vmem>>
        %dma_start3A_164 = tpu.memref_squeeze %dma_start3A_163 : memref<1x112x64xf32, #tpu.memory_space<vmem>> -> memref<112x64xf32, #tpu.memory_space<vmem>>
        %dma_start3A_165 = arith.constant 0 : i32
        %dma_start3A_166 = tpu.memref_slice %arg13[%add3A_151, %dma_start3A_165] : memref<10000x64xf32, #tpu.memory_space<vmem_shared>> -> memref<112x64xf32, #tpu.memory_space<vmem_shared>>
        tpu.enqueue_dma source(%dma_start3A_166 : memref<112x64xf32, #tpu.memory_space<vmem_shared>>) target(%dma_start3A_164 : memref<112x64xf32, #tpu.memory_space<vmem>>) target_semaphore(%run_scoped3A_154 : memref<!tpu.dma_semaphore, #tpu.memory_space<semaphore_mem>>)
        %dma_wait3A_167 = arith.constant 0 : i32
        %dma_wait3A_168 = arith.constant 0 : i32
        %dma_wait3A_169 = tpu.memref_slice %arg10[%run_scoped3A_152, %dma_wait3A_167, %dma_wait3A_168] : memref<6x128x64xf32, #tpu.memory_space<vmem>> -> memref<1x112x64xf32, #tpu.memory_space<vmem>>
        %dma_wait3A_170 = tpu.memref_squeeze %dma_wait3A_169 : memref<1x112x64xf32, #tpu.memory_space<vmem>> -> memref<112x64xf32, #tpu.memory_space<vmem>>
        %dma_wait3A_171 = arith.constant 0 : i32
        %dma_wait3A_172 = tpu.memref_slice %arg13[%add3A_151, %dma_wait3A_171] : memref<10000x64xf32, #tpu.memory_space<vmem_shared>> -> memref<112x64xf32, #tpu.memory_space<vmem_shared>>
        %dma_wait3A_173 = arith.constant 0 : i32
        %dma_wait3A_174 = arith.constant 0 : i32
        %dma_wait3A_175 = tpu.memref_slice %arg10[%run_scoped3A_152, %dma_wait3A_173, %dma_wait3A_174] : memref<6x128x64xf32, #tpu.memory_space<vmem>> -> memref<1x112x64xf32, #tpu.memory_space<vmem>>
        %dma_wait3A_176 = tpu.memref_squeeze %dma_wait3A_175 : memref<1x112x64xf32, #tpu.memory_space<vmem>> -> memref<112x64xf32, #tpu.memory_space<vmem>>
        %dma_wait3A_177 = arith.constant 0 : i32
        %dma_wait3A_178 = tpu.memref_slice %arg13[%add3A_151, %dma_wait3A_177] : memref<10000x64xf32, #tpu.memory_space<vmem_shared>> -> memref<112x64xf32, #tpu.memory_space<vmem_shared>>
        tpu.wait_dma2 semaphore(%run_scoped3A_154 : memref<!tpu.dma_semaphore, #tpu.memory_space<semaphore_mem>>) src(%dma_wait3A_178 : memref<112x64xf32, #tpu.memory_space<vmem_shared>>) dst(%dma_wait3A_176 : memref<112x64xf32, #tpu.memory_space<vmem>>)
        tpu.yield
      }) : () -> ()
      %run_scoped3A_153 = arith.constant 0 : i32
      "tpu.region"() ({
        %run_scoped3A_154 = tpu.sem_alloc : memref<!tpu.dma_semaphore, #tpu.memory_space<semaphore_mem>>
        %dma_start3A_155 = arith.constant 0 : i32
        %dma_start3A_156 = arith.constant 0 : i32
        %dma_start3A_157 = tpu.memref_slice %arg10[%run_scoped3A_153, %dma_start3A_155, %dma_start3A_156] : memref<6x128x64xf32, #tpu.memory_space<vmem>> -> memref<1x112x64xf32, #tpu.memory_space<vmem>>
        %dma_start3A_158 = tpu.memref_squeeze %dma_start3A_157 : memref<1x112x64xf32, #tpu.memory_space<vmem>> -> memref<112x64xf32, #tpu.memory_space<vmem>>
        %dma_start3A_159 = arith.constant 0 : i32
        %dma_start3A_160 = tpu.memref_slice %arg5[%arg0, %add3A_151, %dma_start3A_159] : memref<2x10000x64xf32, #tpu.memory_space<hbm>> -> memref<1x112x64xf32, #tpu.memory_space<hbm>>
        %dma_start3A_161 = tpu.memref_squeeze %dma_start3A_160 : memref<1x112x64xf32, #tpu.memory_space<hbm>> -> memref<112x64xf32, #tpu.memory_space<hbm>>
        %dma_start3A_162 = arith.constant 0 : i32
        %dma_start3A_163 = tpu.memref_slice %arg5[%arg0, %add3A_151, %dma_start3A_162] : memref<2x10000x64xf32, #tpu.memory_space<hbm>> -> memref<1x112x64xf32, #tpu.memory_space<hbm>>
        %dma_start3A_164 = tpu.memref_squeeze %dma_start3A_163 : memref<1x112x64xf32, #tpu.memory_space<hbm>> -> memref<112x64xf32, #tpu.memory_space<hbm>>
        %dma_start3A_165 = arith.constant 0 : i32
        %dma_start3A_166 = arith.constant 0 : i32
        %dma_start3A_167 = tpu.memref_slice %arg10[%run_scoped3A_153, %dma_start3A_165, %dma_start3A_166] : memref<6x128x64xf32, #tpu.memory_space<vmem>> -> memref<1x112x64xf32, #tpu.memory_space<vmem>>
        %dma_start3A_168 = tpu.memref_squeeze %dma_start3A_167 : memref<1x112x64xf32, #tpu.memory_space<vmem>> -> memref<112x64xf32, #tpu.memory_space<vmem>>
        tpu.enqueue_dma source(%dma_start3A_168 : memref<112x64xf32, #tpu.memory_space<vmem>>) target(%dma_start3A_164 : memref<112x64xf32, #tpu.memory_space<hbm>>) target_semaphore(%run_scoped3A_154 : memref<!tpu.dma_semaphore, #tpu.memory_space<semaphore_mem>>)
        %dma_wait3A_169 = arith.constant 0 : i32
        %dma_wait3A_170 = arith.constant 0 : i32
        %dma_wait3A_171 = tpu.memref_slice %arg10[%run_scoped3A_153, %dma_wait3A_169, %dma_wait3A_170] : memref<6x128x64xf32, #tpu.memory_space<vmem>> -> memref<1x112x64xf32, #tpu.memory_space<vmem>>
        %dma_wait3A_172 = tpu.memref_squeeze %dma_wait3A_171 : memref<1x112x64xf32, #tpu.memory_space<vmem>> -> memref<112x64xf32, #tpu.memory_space<vmem>>
        %dma_wait3A_173 = arith.constant 0 : i32
        %dma_wait3A_174 = tpu.memref_slice %arg5[%arg0, %add3A_151, %dma_wait3A_173] : memref<2x10000x64xf32, #tpu.memory_space<hbm>> -> memref<1x112x64xf32, #tpu.memory_space<hbm>>
        %dma_wait3A_175 = tpu.memref_squeeze %dma_wait3A_174 : memref<1x112x64xf32, #tpu.memory_space<hbm>> -> memref<112x64xf32, #tpu.memory_space<hbm>>
        %dma_wait3A_176 = arith.constant 0 : i32
        %dma_wait3A_177 = tpu.memref_slice %arg5[%arg0, %add3A_151, %dma_wait3A_176] : memref<2x10000x64xf32, #tpu.memory_space<hbm>> -> memref<1x112x64xf32, #tpu.memory_space<hbm>>
        %dma_wait3A_178 = tpu.memref_squeeze %dma_wait3A_177 : memref<1x112x64xf32, #tpu.memory_space<hbm>> -> memref<112x64xf32, #tpu.memory_space<hbm>>
        %dma_wait3A_179 = arith.constant 0 : i32
        %dma_wait3A_180 = arith.constant 0 : i32
        %dma_wait3A_181 = tpu.memref_slice %arg10[%run_scoped3A_153, %dma_wait3A_179, %dma_wait3A_180] : memref<6x128x64xf32, #tpu.memory_space<vmem>> -> memref<1x112x64xf32, #tpu.memory_space<vmem>>
        %dma_wait3A_182 = tpu.memref_squeeze %dma_wait3A_181 : memref<1x112x64xf32, #tpu.memory_space<vmem>> -> memref<112x64xf32, #tpu.memory_space<vmem>>
        tpu.wait_dma2 semaphore(%run_scoped3A_154 : memref<!tpu.dma_semaphore, #tpu.memory_space<semaphore_mem>>) src(%dma_wait3A_182 : memref<112x64xf32, #tpu.memory_space<vmem>>) dst(%dma_wait3A_178 : memref<112x64xf32, #tpu.memory_space<hbm>>)
        tpu.yield
      }) : () -> ()
    } else {
    }
    %eq3A_129 = arith.constant 15 : i32
    %eq3A_130 = arith.cmpi eq, %arg1, %eq3A_129 : i32
    %convert_element_type3A_131 = arith.extui %eq3A_130 : i1 to i32
    %cond3A_132 = arith.constant 0 : i32
    %cond3A_133 = arith.cmpi ne, %convert_element_type3A_131, %cond3A_132 : i32
    scf.if %cond3A_133 {
      %run_scoped3A_134 = arith.constant 0 : i32
      "tpu.region"() ({
        %run_scoped3A_144 = tpu.sem_alloc : memref<!tpu.dma_semaphore, #tpu.memory_space<semaphore_mem>>
        %dma_start3A_145 = arith.constant 0 : i32
        %dma_start3A_146 = arith.constant 0 : i32
        %dma_start3A_147 = tpu.memref_slice %arg10[%run_scoped3A_134, %dma_start3A_145, %dma_start3A_146] : memref<6x128x64xf32, #tpu.memory_space<vmem>> -> memref<1x128x64xf32, #tpu.memory_space<vmem>>
        %dma_start3A_148 = tpu.memref_squeeze %dma_start3A_147 : memref<1x128x64xf32, #tpu.memory_space<vmem>> -> memref<128x64xf32, #tpu.memory_space<vmem>>
        %dma_start3A_149 = arith.constant 9360 : i32
        %dma_start3A_150 = arith.constant 0 : i32
        %dma_start3A_151 = tpu.memref_slice %arg13[%dma_start3A_149, %dma_start3A_150] : memref<10000x64xf32, #tpu.memory_space<vmem_shared>> -> memref<128x64xf32, #tpu.memory_space<vmem_shared>>
        %dma_start3A_152 = arith.constant 0 : i32
        %dma_start3A_153 = arith.constant 0 : i32
        %dma_start3A_154 = tpu.memref_slice %arg10[%run_scoped3A_134, %dma_start3A_152, %dma_start3A_153] : memref<6x128x64xf32, #tpu.memory_space<vmem>> -> memref<1x128x64xf32, #tpu.memory_space<vmem>>
        %dma_start3A_155 = tpu.memref_squeeze %dma_start3A_154 : memref<1x128x64xf32, #tpu.memory_space<vmem>> -> memref<128x64xf32, #tpu.memory_space<vmem>>
        %dma_start3A_156 = arith.constant 9360 : i32
        %dma_start3A_157 = arith.constant 0 : i32
        %dma_start3A_158 = tpu.memref_slice %arg13[%dma_start3A_156, %dma_start3A_157] : memref<10000x64xf32, #tpu.memory_space<vmem_shared>> -> memref<128x64xf32, #tpu.memory_space<vmem_shared>>
        tpu.enqueue_dma source(%dma_start3A_158 : memref<128x64xf32, #tpu.memory_space<vmem_shared>>) target(%dma_start3A_155 : memref<128x64xf32, #tpu.memory_space<vmem>>) target_semaphore(%run_scoped3A_144 : memref<!tpu.dma_semaphore, #tpu.memory_space<semaphore_mem>>)
        %dma_wait3A_159 = arith.constant 0 : i32
        %dma_wait3A_160 = arith.constant 0 : i32
        %dma_wait3A_161 = tpu.memref_slice %arg10[%run_scoped3A_134, %dma_wait3A_159, %dma_wait3A_160] : memref<6x128x64xf32, #tpu.memory_space<vmem>> -> memref<1x128x64xf32, #tpu.memory_space<vmem>>
        %dma_wait3A_162 = tpu.memref_squeeze %dma_wait3A_161 : memref<1x128x64xf32, #tpu.memory_space<vmem>> -> memref<128x64xf32, #tpu.memory_space<vmem>>
        %dma_wait3A_163 = arith.constant 9360 : i32
        %dma_wait3A_164 = arith.constant 0 : i32
        %dma_wait3A_165 = tpu.memref_slice %arg13[%dma_wait3A_163, %dma_wait3A_164] : memref<10000x64xf32, #tpu.memory_space<vmem_shared>> -> memref<128x64xf32, #tpu.memory_space<vmem_shared>>
        %dma_wait3A_166 = arith.constant 0 : i32
        %dma_wait3A_167 = arith.constant 0 : i32
        %dma_wait3A_168 = tpu.memref_slice %arg10[%run_scoped3A_134, %dma_wait3A_166, %dma_wait3A_167] : memref<6x128x64xf32, #tpu.memory_space<vmem>> -> memref<1x128x64xf32, #tpu.memory_space<vmem>>
        %dma_wait3A_169 = tpu.memref_squeeze %dma_wait3A_168 : memref<1x128x64xf32, #tpu.memory_space<vmem>> -> memref<128x64xf32, #tpu.memory_space<vmem>>
        %dma_wait3A_170 = arith.constant 9360 : i32
        %dma_wait3A_171 = arith.constant 0 : i32
        %dma_wait3A_172 = tpu.memref_slice %arg13[%dma_wait3A_170, %dma_wait3A_171] : memref<10000x64xf32, #tpu.memory_space<vmem_shared>> -> memref<128x64xf32, #tpu.memory_space<vmem_shared>>
        tpu.wait_dma2 semaphore(%run_scoped3A_144 : memref<!tpu.dma_semaphore, #tpu.memory_space<semaphore_mem>>) src(%dma_wait3A_172 : memref<128x64xf32, #tpu.memory_space<vmem_shared>>) dst(%dma_wait3A_169 : memref<128x64xf32, #tpu.memory_space<vmem>>)
        tpu.yield
      }) : () -> ()
      %run_scoped3A_135 = arith.constant 0 : i32
      "tpu.region"() ({
        %run_scoped3A_144 = tpu.sem_alloc : memref<!tpu.dma_semaphore, #tpu.memory_space<semaphore_mem>>
        %dma_start3A_145 = arith.constant 0 : i32
        %dma_start3A_146 = arith.constant 0 : i32
        %dma_start3A_147 = tpu.memref_slice %arg10[%run_scoped3A_135, %dma_start3A_145, %dma_start3A_146] : memref<6x128x64xf32, #tpu.memory_space<vmem>> -> memref<1x128x64xf32, #tpu.memory_space<vmem>>
        %dma_start3A_148 = tpu.memref_squeeze %dma_start3A_147 : memref<1x128x64xf32, #tpu.memory_space<vmem>> -> memref<128x64xf32, #tpu.memory_space<vmem>>
        %dma_start3A_149 = arith.constant 9360 : i32
        %dma_start3A_150 = arith.constant 0 : i32
        %dma_start3A_151 = tpu.memref_slice %arg5[%arg0, %dma_start3A_149, %dma_start3A_150] : memref<2x10000x64xf32, #tpu.memory_space<hbm>> -> memref<1x128x64xf32, #tpu.memory_space<hbm>>
        %dma_start3A_152 = tpu.memref_squeeze %dma_start3A_151 : memref<1x128x64xf32, #tpu.memory_space<hbm>> -> memref<128x64xf32, #tpu.memory_space<hbm>>
        %dma_start3A_153 = arith.constant 9360 : i32
        %dma_start3A_154 = arith.constant 0 : i32
        %dma_start3A_155 = tpu.memref_slice %arg5[%arg0, %dma_start3A_153, %dma_start3A_154] : memref<2x10000x64xf32, #tpu.memory_space<hbm>> -> memref<1x128x64xf32, #tpu.memory_space<hbm>>
        %dma_start3A_156 = tpu.memref_squeeze %dma_start3A_155 : memref<1x128x64xf32, #tpu.memory_space<hbm>> -> memref<128x64xf32, #tpu.memory_space<hbm>>
        %dma_start3A_157 = arith.constant 0 : i32
        %dma_start3A_158 = arith.constant 0 : i32
        %dma_start3A_159 = tpu.memref_slice %arg10[%run_scoped3A_135, %dma_start3A_157, %dma_start3A_158] : memref<6x128x64xf32, #tpu.memory_space<vmem>> -> memref<1x128x64xf32, #tpu.memory_space<vmem>>
        %dma_start3A_160 = tpu.memref_squeeze %dma_start3A_159 : memref<1x128x64xf32, #tpu.memory_space<vmem>> -> memref<128x64xf32, #tpu.memory_space<vmem>>
        tpu.enqueue_dma source(%dma_start3A_160 : memref<128x64xf32, #tpu.memory_space<vmem>>) target(%dma_start3A_156 : memref<128x64xf32, #tpu.memory_space<hbm>>) target_semaphore(%run_scoped3A_144 : memref<!tpu.dma_semaphore, #tpu.memory_space<semaphore_mem>>)
        %dma_wait3A_161 = arith.constant 0 : i32
        %dma_wait3A_162 = arith.constant 0 : i32
        %dma_wait3A_163 = tpu.memref_slice %arg10[%run_scoped3A_135, %dma_wait3A_161, %dma_wait3A_162] : memref<6x128x64xf32, #tpu.memory_space<vmem>> -> memref<1x128x64xf32, #tpu.memory_space<vmem>>
        %dma_wait3A_164 = tpu.memref_squeeze %dma_wait3A_163 : memref<1x128x64xf32, #tpu.memory_space<vmem>> -> memref<128x64xf32, #tpu.memory_space<vmem>>
        %dma_wait3A_165 = arith.constant 9360 : i32
        %dma_wait3A_166 = arith.constant 0 : i32
        %dma_wait3A_167 = tpu.memref_slice %arg5[%arg0, %dma_wait3A_165, %dma_wait3A_166] : memref<2x10000x64xf32, #tpu.memory_space<hbm>> -> memref<1x128x64xf32, #tpu.memory_space<hbm>>
        %dma_wait3A_168 = tpu.memref_squeeze %dma_wait3A_167 : memref<1x128x64xf32, #tpu.memory_space<hbm>> -> memref<128x64xf32, #tpu.memory_space<hbm>>
        %dma_wait3A_169 = arith.constant 9360 : i32
        %dma_wait3A_170 = arith.constant 0 : i32
        %dma_wait3A_171 = tpu.memref_slice %arg5[%arg0, %dma_wait3A_169, %dma_wait3A_170] : memref<2x10000x64xf32, #tpu.memory_space<hbm>> -> memref<1x128x64xf32, #tpu.memory_space<hbm>>
        %dma_wait3A_172 = tpu.memref_squeeze %dma_wait3A_171 : memref<1x128x64xf32, #tpu.memory_space<hbm>> -> memref<128x64xf32, #tpu.memory_space<hbm>>
        %dma_wait3A_173 = arith.constant 0 : i32
        %dma_wait3A_174 = arith.constant 0 : i32
        %dma_wait3A_175 = tpu.memref_slice %arg10[%run_scoped3A_135, %dma_wait3A_173, %dma_wait3A_174] : memref<6x128x64xf32, #tpu.memory_space<vmem>> -> memref<1x128x64xf32, #tpu.memory_space<vmem>>
        %dma_wait3A_176 = tpu.memref_squeeze %dma_wait3A_175 : memref<1x128x64xf32, #tpu.memory_space<vmem>> -> memref<128x64xf32, #tpu.memory_space<vmem>>
        tpu.wait_dma2 semaphore(%run_scoped3A_144 : memref<!tpu.dma_semaphore, #tpu.memory_space<semaphore_mem>>) src(%dma_wait3A_176 : memref<128x64xf32, #tpu.memory_space<vmem>>) dst(%dma_wait3A_172 : memref<128x64xf32, #tpu.memory_space<hbm>>)
        tpu.yield
      }) : () -> ()
      %run_scoped3A_136 = arith.constant 0 : i32
      "tpu.region"() ({
        %run_scoped3A_144 = tpu.sem_alloc : memref<!tpu.dma_semaphore, #tpu.memory_space<semaphore_mem>>
        %dma_start3A_145 = arith.constant 0 : i32
        %dma_start3A_146 = arith.constant 0 : i32
        %dma_start3A_147 = tpu.memref_slice %arg10[%run_scoped3A_136, %dma_start3A_145, %dma_start3A_146] : memref<6x128x64xf32, #tpu.memory_space<vmem>> -> memref<1x128x64xf32, #tpu.memory_space<vmem>>
        %dma_start3A_148 = tpu.memref_squeeze %dma_start3A_147 : memref<1x128x64xf32, #tpu.memory_space<vmem>> -> memref<128x64xf32, #tpu.memory_space<vmem>>
        %dma_start3A_149 = arith.constant 9488 : i32
        %dma_start3A_150 = arith.constant 0 : i32
        %dma_start3A_151 = tpu.memref_slice %arg13[%dma_start3A_149, %dma_start3A_150] : memref<10000x64xf32, #tpu.memory_space<vmem_shared>> -> memref<128x64xf32, #tpu.memory_space<vmem_shared>>
        %dma_start3A_152 = arith.constant 0 : i32
        %dma_start3A_153 = arith.constant 0 : i32
        %dma_start3A_154 = tpu.memref_slice %arg10[%run_scoped3A_136, %dma_start3A_152, %dma_start3A_153] : memref<6x128x64xf32, #tpu.memory_space<vmem>> -> memref<1x128x64xf32, #tpu.memory_space<vmem>>
        %dma_start3A_155 = tpu.memref_squeeze %dma_start3A_154 : memref<1x128x64xf32, #tpu.memory_space<vmem>> -> memref<128x64xf32, #tpu.memory_space<vmem>>
        %dma_start3A_156 = arith.constant 9488 : i32
        %dma_start3A_157 = arith.constant 0 : i32
        %dma_start3A_158 = tpu.memref_slice %arg13[%dma_start3A_156, %dma_start3A_157] : memref<10000x64xf32, #tpu.memory_space<vmem_shared>> -> memref<128x64xf32, #tpu.memory_space<vmem_shared>>
        tpu.enqueue_dma source(%dma_start3A_158 : memref<128x64xf32, #tpu.memory_space<vmem_shared>>) target(%dma_start3A_155 : memref<128x64xf32, #tpu.memory_space<vmem>>) target_semaphore(%run_scoped3A_144 : memref<!tpu.dma_semaphore, #tpu.memory_space<semaphore_mem>>)
        %dma_wait3A_159 = arith.constant 0 : i32
        %dma_wait3A_160 = arith.constant 0 : i32
        %dma_wait3A_161 = tpu.memref_slice %arg10[%run_scoped3A_136, %dma_wait3A_159, %dma_wait3A_160] : memref<6x128x64xf32, #tpu.memory_space<vmem>> -> memref<1x128x64xf32, #tpu.memory_space<vmem>>
        %dma_wait3A_162 = tpu.memref_squeeze %dma_wait3A_161 : memref<1x128x64xf32, #tpu.memory_space<vmem>> -> memref<128x64xf32, #tpu.memory_space<vmem>>
        %dma_wait3A_163 = arith.constant 9488 : i32
        %dma_wait3A_164 = arith.constant 0 : i32
        %dma_wait3A_165 = tpu.memref_slice %arg13[%dma_wait3A_163, %dma_wait3A_164] : memref<10000x64xf32, #tpu.memory_space<vmem_shared>> -> memref<128x64xf32, #tpu.memory_space<vmem_shared>>
        %dma_wait3A_166 = arith.constant 0 : i32
        %dma_wait3A_167 = arith.constant 0 : i32
        %dma_wait3A_168 = tpu.memref_slice %arg10[%run_scoped3A_136, %dma_wait3A_166, %dma_wait3A_167] : memref<6x128x64xf32, #tpu.memory_space<vmem>> -> memref<1x128x64xf32, #tpu.memory_space<vmem>>
        %dma_wait3A_169 = tpu.memref_squeeze %dma_wait3A_168 : memref<1x128x64xf32, #tpu.memory_space<vmem>> -> memref<128x64xf32, #tpu.memory_space<vmem>>
        %dma_wait3A_170 = arith.constant 9488 : i32
        %dma_wait3A_171 = arith.constant 0 : i32
        %dma_wait3A_172 = tpu.memref_slice %arg13[%dma_wait3A_170, %dma_wait3A_171] : memref<10000x64xf32, #tpu.memory_space<vmem_shared>> -> memref<128x64xf32, #tpu.memory_space<vmem_shared>>
        tpu.wait_dma2 semaphore(%run_scoped3A_144 : memref<!tpu.dma_semaphore, #tpu.memory_space<semaphore_mem>>) src(%dma_wait3A_172 : memref<128x64xf32, #tpu.memory_space<vmem_shared>>) dst(%dma_wait3A_169 : memref<128x64xf32, #tpu.memory_space<vmem>>)
        tpu.yield
      }) : () -> ()
      %run_scoped3A_137 = arith.constant 0 : i32
      "tpu.region"() ({
        %run_scoped3A_144 = tpu.sem_alloc : memref<!tpu.dma_semaphore, #tpu.memory_space<semaphore_mem>>
        %dma_start3A_145 = arith.constant 0 : i32
        %dma_start3A_146 = arith.constant 0 : i32
        %dma_start3A_147 = tpu.memref_slice %arg10[%run_scoped3A_137, %dma_start3A_145, %dma_start3A_146] : memref<6x128x64xf32, #tpu.memory_space<vmem>> -> memref<1x128x64xf32, #tpu.memory_space<vmem>>
        %dma_start3A_148 = tpu.memref_squeeze %dma_start3A_147 : memref<1x128x64xf32, #tpu.memory_space<vmem>> -> memref<128x64xf32, #tpu.memory_space<vmem>>
        %dma_start3A_149 = arith.constant 9488 : i32
        %dma_start3A_150 = arith.constant 0 : i32
        %dma_start3A_151 = tpu.memref_slice %arg5[%arg0, %dma_start3A_149, %dma_start3A_150] : memref<2x10000x64xf32, #tpu.memory_space<hbm>> -> memref<1x128x64xf32, #tpu.memory_space<hbm>>
        %dma_start3A_152 = tpu.memref_squeeze %dma_start3A_151 : memref<1x128x64xf32, #tpu.memory_space<hbm>> -> memref<128x64xf32, #tpu.memory_space<hbm>>
        %dma_start3A_153 = arith.constant 9488 : i32
        %dma_start3A_154 = arith.constant 0 : i32
        %dma_start3A_155 = tpu.memref_slice %arg5[%arg0, %dma_start3A_153, %dma_start3A_154] : memref<2x10000x64xf32, #tpu.memory_space<hbm>> -> memref<1x128x64xf32, #tpu.memory_space<hbm>>
        %dma_start3A_156 = tpu.memref_squeeze %dma_start3A_155 : memref<1x128x64xf32, #tpu.memory_space<hbm>> -> memref<128x64xf32, #tpu.memory_space<hbm>>
        %dma_start3A_157 = arith.constant 0 : i32
        %dma_start3A_158 = arith.constant 0 : i32
        %dma_start3A_159 = tpu.memref_slice %arg10[%run_scoped3A_137, %dma_start3A_157, %dma_start3A_158] : memref<6x128x64xf32, #tpu.memory_space<vmem>> -> memref<1x128x64xf32, #tpu.memory_space<vmem>>
        %dma_start3A_160 = tpu.memref_squeeze %dma_start3A_159 : memref<1x128x64xf32, #tpu.memory_space<vmem>> -> memref<128x64xf32, #tpu.memory_space<vmem>>
        tpu.enqueue_dma source(%dma_start3A_160 : memref<128x64xf32, #tpu.memory_space<vmem>>) target(%dma_start3A_156 : memref<128x64xf32, #tpu.memory_space<hbm>>) target_semaphore(%run_scoped3A_144 : memref<!tpu.dma_semaphore, #tpu.memory_space<semaphore_mem>>)
        %dma_wait3A_161 = arith.constant 0 : i32
        %dma_wait3A_162 = arith.constant 0 : i32
        %dma_wait3A_163 = tpu.memref_slice %arg10[%run_scoped3A_137, %dma_wait3A_161, %dma_wait3A_162] : memref<6x128x64xf32, #tpu.memory_space<vmem>> -> memref<1x128x64xf32, #tpu.memory_space<vmem>>
        %dma_wait3A_164 = tpu.memref_squeeze %dma_wait3A_163 : memref<1x128x64xf32, #tpu.memory_space<vmem>> -> memref<128x64xf32, #tpu.memory_space<vmem>>
        %dma_wait3A_165 = arith.constant 9488 : i32
        %dma_wait3A_166 = arith.constant 0 : i32
        %dma_wait3A_167 = tpu.memref_slice %arg5[%arg0, %dma_wait3A_165, %dma_wait3A_166] : memref<2x10000x64xf32, #tpu.memory_space<hbm>> -> memref<1x128x64xf32, #tpu.memory_space<hbm>>
        %dma_wait3A_168 = tpu.memref_squeeze %dma_wait3A_167 : memref<1x128x64xf32, #tpu.memory_space<hbm>> -> memref<128x64xf32, #tpu.memory_space<hbm>>
        %dma_wait3A_169 = arith.constant 9488 : i32
        %dma_wait3A_170 = arith.constant 0 : i32
        %dma_wait3A_171 = tpu.memref_slice %arg5[%arg0, %dma_wait3A_169, %dma_wait3A_170] : memref<2x10000x64xf32, #tpu.memory_space<hbm>> -> memref<1x128x64xf32, #tpu.memory_space<hbm>>
        %dma_wait3A_172 = tpu.memref_squeeze %dma_wait3A_171 : memref<1x128x64xf32, #tpu.memory_space<hbm>> -> memref<128x64xf32, #tpu.memory_space<hbm>>
        %dma_wait3A_173 = arith.constant 0 : i32
        %dma_wait3A_174 = arith.constant 0 : i32
        %dma_wait3A_175 = tpu.memref_slice %arg10[%run_scoped3A_137, %dma_wait3A_173, %dma_wait3A_174] : memref<6x128x64xf32, #tpu.memory_space<vmem>> -> memref<1x128x64xf32, #tpu.memory_space<vmem>>
        %dma_wait3A_176 = tpu.memref_squeeze %dma_wait3A_175 : memref<1x128x64xf32, #tpu.memory_space<vmem>> -> memref<128x64xf32, #tpu.memory_space<vmem>>
        tpu.wait_dma2 semaphore(%run_scoped3A_144 : memref<!tpu.dma_semaphore, #tpu.memory_space<semaphore_mem>>) src(%dma_wait3A_176 : memref<128x64xf32, #tpu.memory_space<vmem>>) dst(%dma_wait3A_172 : memref<128x64xf32, #tpu.memory_space<hbm>>)
        tpu.yield
      }) : () -> ()
      %run_scoped3A_138 = arith.constant 0 : i32
      "tpu.region"() ({
        %run_scoped3A_144 = tpu.sem_alloc : memref<!tpu.dma_semaphore, #tpu.memory_space<semaphore_mem>>
        %dma_start3A_145 = arith.constant 0 : i32
        %dma_start3A_146 = arith.constant 0 : i32
        %dma_start3A_147 = tpu.memref_slice %arg10[%run_scoped3A_138, %dma_start3A_145, %dma_start3A_146] : memref<6x128x64xf32, #tpu.memory_space<vmem>> -> memref<1x128x64xf32, #tpu.memory_space<vmem>>
        %dma_start3A_148 = tpu.memref_squeeze %dma_start3A_147 : memref<1x128x64xf32, #tpu.memory_space<vmem>> -> memref<128x64xf32, #tpu.memory_space<vmem>>
        %dma_start3A_149 = arith.constant 9616 : i32
        %dma_start3A_150 = arith.constant 0 : i32
        %dma_start3A_151 = tpu.memref_slice %arg13[%dma_start3A_149, %dma_start3A_150] : memref<10000x64xf32, #tpu.memory_space<vmem_shared>> -> memref<128x64xf32, #tpu.memory_space<vmem_shared>>
        %dma_start3A_152 = arith.constant 0 : i32
        %dma_start3A_153 = arith.constant 0 : i32
        %dma_start3A_154 = tpu.memref_slice %arg10[%run_scoped3A_138, %dma_start3A_152, %dma_start3A_153] : memref<6x128x64xf32, #tpu.memory_space<vmem>> -> memref<1x128x64xf32, #tpu.memory_space<vmem>>
        %dma_start3A_155 = tpu.memref_squeeze %dma_start3A_154 : memref<1x128x64xf32, #tpu.memory_space<vmem>> -> memref<128x64xf32, #tpu.memory_space<vmem>>
        %dma_start3A_156 = arith.constant 9616 : i32
        %dma_start3A_157 = arith.constant 0 : i32
        %dma_start3A_158 = tpu.memref_slice %arg13[%dma_start3A_156, %dma_start3A_157] : memref<10000x64xf32, #tpu.memory_space<vmem_shared>> -> memref<128x64xf32, #tpu.memory_space<vmem_shared>>
        tpu.enqueue_dma source(%dma_start3A_158 : memref<128x64xf32, #tpu.memory_space<vmem_shared>>) target(%dma_start3A_155 : memref<128x64xf32, #tpu.memory_space<vmem>>) target_semaphore(%run_scoped3A_144 : memref<!tpu.dma_semaphore, #tpu.memory_space<semaphore_mem>>)
        %dma_wait3A_159 = arith.constant 0 : i32
        %dma_wait3A_160 = arith.constant 0 : i32
        %dma_wait3A_161 = tpu.memref_slice %arg10[%run_scoped3A_138, %dma_wait3A_159, %dma_wait3A_160] : memref<6x128x64xf32, #tpu.memory_space<vmem>> -> memref<1x128x64xf32, #tpu.memory_space<vmem>>
        %dma_wait3A_162 = tpu.memref_squeeze %dma_wait3A_161 : memref<1x128x64xf32, #tpu.memory_space<vmem>> -> memref<128x64xf32, #tpu.memory_space<vmem>>
        %dma_wait3A_163 = arith.constant 9616 : i32
        %dma_wait3A_164 = arith.constant 0 : i32
        %dma_wait3A_165 = tpu.memref_slice %arg13[%dma_wait3A_163, %dma_wait3A_164] : memref<10000x64xf32, #tpu.memory_space<vmem_shared>> -> memref<128x64xf32, #tpu.memory_space<vmem_shared>>
        %dma_wait3A_166 = arith.constant 0 : i32
        %dma_wait3A_167 = arith.constant 0 : i32
        %dma_wait3A_168 = tpu.memref_slice %arg10[%run_scoped3A_138, %dma_wait3A_166, %dma_wait3A_167] : memref<6x128x64xf32, #tpu.memory_space<vmem>> -> memref<1x128x64xf32, #tpu.memory_space<vmem>>
        %dma_wait3A_169 = tpu.memref_squeeze %dma_wait3A_168 : memref<1x128x64xf32, #tpu.memory_space<vmem>> -> memref<128x64xf32, #tpu.memory_space<vmem>>
        %dma_wait3A_170 = arith.constant 9616 : i32
        %dma_wait3A_171 = arith.constant 0 : i32
        %dma_wait3A_172 = tpu.memref_slice %arg13[%dma_wait3A_170, %dma_wait3A_171] : memref<10000x64xf32, #tpu.memory_space<vmem_shared>> -> memref<128x64xf32, #tpu.memory_space<vmem_shared>>
        tpu.wait_dma2 semaphore(%run_scoped3A_144 : memref<!tpu.dma_semaphore, #tpu.memory_space<semaphore_mem>>) src(%dma_wait3A_172 : memref<128x64xf32, #tpu.memory_space<vmem_shared>>) dst(%dma_wait3A_169 : memref<128x64xf32, #tpu.memory_space<vmem>>)
        tpu.yield
      }) : () -> ()
      %run_scoped3A_139 = arith.constant 0 : i32
      "tpu.region"() ({
        %run_scoped3A_144 = tpu.sem_alloc : memref<!tpu.dma_semaphore, #tpu.memory_space<semaphore_mem>>
        %dma_start3A_145 = arith.constant 0 : i32
        %dma_start3A_146 = arith.constant 0 : i32
        %dma_start3A_147 = tpu.memref_slice %arg10[%run_scoped3A_139, %dma_start3A_145, %dma_start3A_146] : memref<6x128x64xf32, #tpu.memory_space<vmem>> -> memref<1x128x64xf32, #tpu.memory_space<vmem>>
        %dma_start3A_148 = tpu.memref_squeeze %dma_start3A_147 : memref<1x128x64xf32, #tpu.memory_space<vmem>> -> memref<128x64xf32, #tpu.memory_space<vmem>>
        %dma_start3A_149 = arith.constant 9616 : i32
        %dma_start3A_150 = arith.constant 0 : i32
        %dma_start3A_151 = tpu.memref_slice %arg5[%arg0, %dma_start3A_149, %dma_start3A_150] : memref<2x10000x64xf32, #tpu.memory_space<hbm>> -> memref<1x128x64xf32, #tpu.memory_space<hbm>>
        %dma_start3A_152 = tpu.memref_squeeze %dma_start3A_151 : memref<1x128x64xf32, #tpu.memory_space<hbm>> -> memref<128x64xf32, #tpu.memory_space<hbm>>
        %dma_start3A_153 = arith.constant 9616 : i32
        %dma_start3A_154 = arith.constant 0 : i32
        %dma_start3A_155 = tpu.memref_slice %arg5[%arg0, %dma_start3A_153, %dma_start3A_154] : memref<2x10000x64xf32, #tpu.memory_space<hbm>> -> memref<1x128x64xf32, #tpu.memory_space<hbm>>
        %dma_start3A_156 = tpu.memref_squeeze %dma_start3A_155 : memref<1x128x64xf32, #tpu.memory_space<hbm>> -> memref<128x64xf32, #tpu.memory_space<hbm>>
        %dma_start3A_157 = arith.constant 0 : i32
        %dma_start3A_158 = arith.constant 0 : i32
        %dma_start3A_159 = tpu.memref_slice %arg10[%run_scoped3A_139, %dma_start3A_157, %dma_start3A_158] : memref<6x128x64xf32, #tpu.memory_space<vmem>> -> memref<1x128x64xf32, #tpu.memory_space<vmem>>
        %dma_start3A_160 = tpu.memref_squeeze %dma_start3A_159 : memref<1x128x64xf32, #tpu.memory_space<vmem>> -> memref<128x64xf32, #tpu.memory_space<vmem>>
        tpu.enqueue_dma source(%dma_start3A_160 : memref<128x64xf32, #tpu.memory_space<vmem>>) target(%dma_start3A_156 : memref<128x64xf32, #tpu.memory_space<hbm>>) target_semaphore(%run_scoped3A_144 : memref<!tpu.dma_semaphore, #tpu.memory_space<semaphore_mem>>)
        %dma_wait3A_161 = arith.constant 0 : i32
        %dma_wait3A_162 = arith.constant 0 : i32
        %dma_wait3A_163 = tpu.memref_slice %arg10[%run_scoped3A_139, %dma_wait3A_161, %dma_wait3A_162] : memref<6x128x64xf32, #tpu.memory_space<vmem>> -> memref<1x128x64xf32, #tpu.memory_space<vmem>>
        %dma_wait3A_164 = tpu.memref_squeeze %dma_wait3A_163 : memref<1x128x64xf32, #tpu.memory_space<vmem>> -> memref<128x64xf32, #tpu.memory_space<vmem>>
        %dma_wait3A_165 = arith.constant 9616 : i32
        %dma_wait3A_166 = arith.constant 0 : i32
        %dma_wait3A_167 = tpu.memref_slice %arg5[%arg0, %dma_wait3A_165, %dma_wait3A_166] : memref<2x10000x64xf32, #tpu.memory_space<hbm>> -> memref<1x128x64xf32, #tpu.memory_space<hbm>>
        %dma_wait3A_168 = tpu.memref_squeeze %dma_wait3A_167 : memref<1x128x64xf32, #tpu.memory_space<hbm>> -> memref<128x64xf32, #tpu.memory_space<hbm>>
        %dma_wait3A_169 = arith.constant 9616 : i32
        %dma_wait3A_170 = arith.constant 0 : i32
        %dma_wait3A_171 = tpu.memref_slice %arg5[%arg0, %dma_wait3A_169, %dma_wait3A_170] : memref<2x10000x64xf32, #tpu.memory_space<hbm>> -> memref<1x128x64xf32, #tpu.memory_space<hbm>>
        %dma_wait3A_172 = tpu.memref_squeeze %dma_wait3A_171 : memref<1x128x64xf32, #tpu.memory_space<hbm>> -> memref<128x64xf32, #tpu.memory_space<hbm>>
        %dma_wait3A_173 = arith.constant 0 : i32
        %dma_wait3A_174 = arith.constant 0 : i32
        %dma_wait3A_175 = tpu.memref_slice %arg10[%run_scoped3A_139, %dma_wait3A_173, %dma_wait3A_174] : memref<6x128x64xf32, #tpu.memory_space<vmem>> -> memref<1x128x64xf32, #tpu.memory_space<vmem>>
        %dma_wait3A_176 = tpu.memref_squeeze %dma_wait3A_175 : memref<1x128x64xf32, #tpu.memory_space<vmem>> -> memref<128x64xf32, #tpu.memory_space<vmem>>
        tpu.wait_dma2 semaphore(%run_scoped3A_144 : memref<!tpu.dma_semaphore, #tpu.memory_space<semaphore_mem>>) src(%dma_wait3A_176 : memref<128x64xf32, #tpu.memory_space<vmem>>) dst(%dma_wait3A_172 : memref<128x64xf32, #tpu.memory_space<hbm>>)
        tpu.yield
      }) : () -> ()
      %run_scoped3A_140 = arith.constant 0 : i32
      "tpu.region"() ({
        %run_scoped3A_144 = tpu.sem_alloc : memref<!tpu.dma_semaphore, #tpu.memory_space<semaphore_mem>>
        %dma_start3A_145 = arith.constant 0 : i32
        %dma_start3A_146 = arith.constant 0 : i32
        %dma_start3A_147 = tpu.memref_slice %arg10[%run_scoped3A_140, %dma_start3A_145, %dma_start3A_146] : memref<6x128x64xf32, #tpu.memory_space<vmem>> -> memref<1x128x64xf32, #tpu.memory_space<vmem>>
        %dma_start3A_148 = tpu.memref_squeeze %dma_start3A_147 : memref<1x128x64xf32, #tpu.memory_space<vmem>> -> memref<128x64xf32, #tpu.memory_space<vmem>>
        %dma_start3A_149 = arith.constant 9744 : i32
        %dma_start3A_150 = arith.constant 0 : i32
        %dma_start3A_151 = tpu.memref_slice %arg13[%dma_start3A_149, %dma_start3A_150] : memref<10000x64xf32, #tpu.memory_space<vmem_shared>> -> memref<128x64xf32, #tpu.memory_space<vmem_shared>>
        %dma_start3A_152 = arith.constant 0 : i32
        %dma_start3A_153 = arith.constant 0 : i32
        %dma_start3A_154 = tpu.memref_slice %arg10[%run_scoped3A_140, %dma_start3A_152, %dma_start3A_153] : memref<6x128x64xf32, #tpu.memory_space<vmem>> -> memref<1x128x64xf32, #tpu.memory_space<vmem>>
        %dma_start3A_155 = tpu.memref_squeeze %dma_start3A_154 : memref<1x128x64xf32, #tpu.memory_space<vmem>> -> memref<128x64xf32, #tpu.memory_space<vmem>>
        %dma_start3A_156 = arith.constant 9744 : i32
        %dma_start3A_157 = arith.constant 0 : i32
        %dma_start3A_158 = tpu.memref_slice %arg13[%dma_start3A_156, %dma_start3A_157] : memref<10000x64xf32, #tpu.memory_space<vmem_shared>> -> memref<128x64xf32, #tpu.memory_space<vmem_shared>>
        tpu.enqueue_dma source(%dma_start3A_158 : memref<128x64xf32, #tpu.memory_space<vmem_shared>>) target(%dma_start3A_155 : memref<128x64xf32, #tpu.memory_space<vmem>>) target_semaphore(%run_scoped3A_144 : memref<!tpu.dma_semaphore, #tpu.memory_space<semaphore_mem>>)
        %dma_wait3A_159 = arith.constant 0 : i32
        %dma_wait3A_160 = arith.constant 0 : i32
        %dma_wait3A_161 = tpu.memref_slice %arg10[%run_scoped3A_140, %dma_wait3A_159, %dma_wait3A_160] : memref<6x128x64xf32, #tpu.memory_space<vmem>> -> memref<1x128x64xf32, #tpu.memory_space<vmem>>
        %dma_wait3A_162 = tpu.memref_squeeze %dma_wait3A_161 : memref<1x128x64xf32, #tpu.memory_space<vmem>> -> memref<128x64xf32, #tpu.memory_space<vmem>>
        %dma_wait3A_163 = arith.constant 9744 : i32
        %dma_wait3A_164 = arith.constant 0 : i32
        %dma_wait3A_165 = tpu.memref_slice %arg13[%dma_wait3A_163, %dma_wait3A_164] : memref<10000x64xf32, #tpu.memory_space<vmem_shared>> -> memref<128x64xf32, #tpu.memory_space<vmem_shared>>
        %dma_wait3A_166 = arith.constant 0 : i32
        %dma_wait3A_167 = arith.constant 0 : i32
        %dma_wait3A_168 = tpu.memref_slice %arg10[%run_scoped3A_140, %dma_wait3A_166, %dma_wait3A_167] : memref<6x128x64xf32, #tpu.memory_space<vmem>> -> memref<1x128x64xf32, #tpu.memory_space<vmem>>
        %dma_wait3A_169 = tpu.memref_squeeze %dma_wait3A_168 : memref<1x128x64xf32, #tpu.memory_space<vmem>> -> memref<128x64xf32, #tpu.memory_space<vmem>>
        %dma_wait3A_170 = arith.constant 9744 : i32
        %dma_wait3A_171 = arith.constant 0 : i32
        %dma_wait3A_172 = tpu.memref_slice %arg13[%dma_wait3A_170, %dma_wait3A_171] : memref<10000x64xf32, #tpu.memory_space<vmem_shared>> -> memref<128x64xf32, #tpu.memory_space<vmem_shared>>
        tpu.wait_dma2 semaphore(%run_scoped3A_144 : memref<!tpu.dma_semaphore, #tpu.memory_space<semaphore_mem>>) src(%dma_wait3A_172 : memref<128x64xf32, #tpu.memory_space<vmem_shared>>) dst(%dma_wait3A_169 : memref<128x64xf32, #tpu.memory_space<vmem>>)
        tpu.yield
      }) : () -> ()
      %run_scoped3A_141 = arith.constant 0 : i32
      "tpu.region"() ({
        %run_scoped3A_144 = tpu.sem_alloc : memref<!tpu.dma_semaphore, #tpu.memory_space<semaphore_mem>>
        %dma_start3A_145 = arith.constant 0 : i32
        %dma_start3A_146 = arith.constant 0 : i32
        %dma_start3A_147 = tpu.memref_slice %arg10[%run_scoped3A_141, %dma_start3A_145, %dma_start3A_146] : memref<6x128x64xf32, #tpu.memory_space<vmem>> -> memref<1x128x64xf32, #tpu.memory_space<vmem>>
        %dma_start3A_148 = tpu.memref_squeeze %dma_start3A_147 : memref<1x128x64xf32, #tpu.memory_space<vmem>> -> memref<128x64xf32, #tpu.memory_space<vmem>>
        %dma_start3A_149 = arith.constant 9744 : i32
        %dma_start3A_150 = arith.constant 0 : i32
        %dma_start3A_151 = tpu.memref_slice %arg5[%arg0, %dma_start3A_149, %dma_start3A_150] : memref<2x10000x64xf32, #tpu.memory_space<hbm>> -> memref<1x128x64xf32, #tpu.memory_space<hbm>>
        %dma_start3A_152 = tpu.memref_squeeze %dma_start3A_151 : memref<1x128x64xf32, #tpu.memory_space<hbm>> -> memref<128x64xf32, #tpu.memory_space<hbm>>
        %dma_start3A_153 = arith.constant 9744 : i32
        %dma_start3A_154 = arith.constant 0 : i32
        %dma_start3A_155 = tpu.memref_slice %arg5[%arg0, %dma_start3A_153, %dma_start3A_154] : memref<2x10000x64xf32, #tpu.memory_space<hbm>> -> memref<1x128x64xf32, #tpu.memory_space<hbm>>
        %dma_start3A_156 = tpu.memref_squeeze %dma_start3A_155 : memref<1x128x64xf32, #tpu.memory_space<hbm>> -> memref<128x64xf32, #tpu.memory_space<hbm>>
        %dma_start3A_157 = arith.constant 0 : i32
        %dma_start3A_158 = arith.constant 0 : i32
        %dma_start3A_159 = tpu.memref_slice %arg10[%run_scoped3A_141, %dma_start3A_157, %dma_start3A_158] : memref<6x128x64xf32, #tpu.memory_space<vmem>> -> memref<1x128x64xf32, #tpu.memory_space<vmem>>
        %dma_start3A_160 = tpu.memref_squeeze %dma_start3A_159 : memref<1x128x64xf32, #tpu.memory_space<vmem>> -> memref<128x64xf32, #tpu.memory_space<vmem>>
        tpu.enqueue_dma source(%dma_start3A_160 : memref<128x64xf32, #tpu.memory_space<vmem>>) target(%dma_start3A_156 : memref<128x64xf32, #tpu.memory_space<hbm>>) target_semaphore(%run_scoped3A_144 : memref<!tpu.dma_semaphore, #tpu.memory_space<semaphore_mem>>)
        %dma_wait3A_161 = arith.constant 0 : i32
        %dma_wait3A_162 = arith.constant 0 : i32
        %dma_wait3A_163 = tpu.memref_slice %arg10[%run_scoped3A_141, %dma_wait3A_161, %dma_wait3A_162] : memref<6x128x64xf32, #tpu.memory_space<vmem>> -> memref<1x128x64xf32, #tpu.memory_space<vmem>>
        %dma_wait3A_164 = tpu.memref_squeeze %dma_wait3A_163 : memref<1x128x64xf32, #tpu.memory_space<vmem>> -> memref<128x64xf32, #tpu.memory_space<vmem>>
        %dma_wait3A_165 = arith.constant 9744 : i32
        %dma_wait3A_166 = arith.constant 0 : i32
        %dma_wait3A_167 = tpu.memref_slice %arg5[%arg0, %dma_wait3A_165, %dma_wait3A_166] : memref<2x10000x64xf32, #tpu.memory_space<hbm>> -> memref<1x128x64xf32, #tpu.memory_space<hbm>>
        %dma_wait3A_168 = tpu.memref_squeeze %dma_wait3A_167 : memref<1x128x64xf32, #tpu.memory_space<hbm>> -> memref<128x64xf32, #tpu.memory_space<hbm>>
        %dma_wait3A_169 = arith.constant 9744 : i32
        %dma_wait3A_170 = arith.constant 0 : i32
        %dma_wait3A_171 = tpu.memref_slice %arg5[%arg0, %dma_wait3A_169, %dma_wait3A_170] : memref<2x10000x64xf32, #tpu.memory_space<hbm>> -> memref<1x128x64xf32, #tpu.memory_space<hbm>>
        %dma_wait3A_172 = tpu.memref_squeeze %dma_wait3A_171 : memref<1x128x64xf32, #tpu.memory_space<hbm>> -> memref<128x64xf32, #tpu.memory_space<hbm>>
        %dma_wait3A_173 = arith.constant 0 : i32
        %dma_wait3A_174 = arith.constant 0 : i32
        %dma_wait3A_175 = tpu.memref_slice %arg10[%run_scoped3A_141, %dma_wait3A_173, %dma_wait3A_174] : memref<6x128x64xf32, #tpu.memory_space<vmem>> -> memref<1x128x64xf32, #tpu.memory_space<vmem>>
        %dma_wait3A_176 = tpu.memref_squeeze %dma_wait3A_175 : memref<1x128x64xf32, #tpu.memory_space<vmem>> -> memref<128x64xf32, #tpu.memory_space<vmem>>
        tpu.wait_dma2 semaphore(%run_scoped3A_144 : memref<!tpu.dma_semaphore, #tpu.memory_space<semaphore_mem>>) src(%dma_wait3A_176 : memref<128x64xf32, #tpu.memory_space<vmem>>) dst(%dma_wait3A_172 : memref<128x64xf32, #tpu.memory_space<hbm>>)
        tpu.yield
      }) : () -> ()
      %run_scoped3A_142 = arith.constant 0 : i32
      "tpu.region"() ({
        %run_scoped3A_144 = tpu.sem_alloc : memref<!tpu.dma_semaphore, #tpu.memory_space<semaphore_mem>>
        %dma_start3A_145 = arith.constant 0 : i32
        %dma_start3A_146 = arith.constant 0 : i32
        %dma_start3A_147 = tpu.memref_slice %arg10[%run_scoped3A_142, %dma_start3A_145, %dma_start3A_146] : memref<6x128x64xf32, #tpu.memory_space<vmem>> -> memref<1x128x64xf32, #tpu.memory_space<vmem>>
        %dma_start3A_148 = tpu.memref_squeeze %dma_start3A_147 : memref<1x128x64xf32, #tpu.memory_space<vmem>> -> memref<128x64xf32, #tpu.memory_space<vmem>>
        %dma_start3A_149 = arith.constant 9872 : i32
        %dma_start3A_150 = arith.constant 0 : i32
        %dma_start3A_151 = tpu.memref_slice %arg13[%dma_start3A_149, %dma_start3A_150] : memref<10000x64xf32, #tpu.memory_space<vmem_shared>> -> memref<128x64xf32, #tpu.memory_space<vmem_shared>>
        %dma_start3A_152 = arith.constant 0 : i32
        %dma_start3A_153 = arith.constant 0 : i32
        %dma_start3A_154 = tpu.memref_slice %arg10[%run_scoped3A_142, %dma_start3A_152, %dma_start3A_153] : memref<6x128x64xf32, #tpu.memory_space<vmem>> -> memref<1x128x64xf32, #tpu.memory_space<vmem>>
        %dma_start3A_155 = tpu.memref_squeeze %dma_start3A_154 : memref<1x128x64xf32, #tpu.memory_space<vmem>> -> memref<128x64xf32, #tpu.memory_space<vmem>>
        %dma_start3A_156 = arith.constant 9872 : i32
        %dma_start3A_157 = arith.constant 0 : i32
        %dma_start3A_158 = tpu.memref_slice %arg13[%dma_start3A_156, %dma_start3A_157] : memref<10000x64xf32, #tpu.memory_space<vmem_shared>> -> memref<128x64xf32, #tpu.memory_space<vmem_shared>>
        tpu.enqueue_dma source(%dma_start3A_158 : memref<128x64xf32, #tpu.memory_space<vmem_shared>>) target(%dma_start3A_155 : memref<128x64xf32, #tpu.memory_space<vmem>>) target_semaphore(%run_scoped3A_144 : memref<!tpu.dma_semaphore, #tpu.memory_space<semaphore_mem>>)
        %dma_wait3A_159 = arith.constant 0 : i32
        %dma_wait3A_160 = arith.constant 0 : i32
        %dma_wait3A_161 = tpu.memref_slice %arg10[%run_scoped3A_142, %dma_wait3A_159, %dma_wait3A_160] : memref<6x128x64xf32, #tpu.memory_space<vmem>> -> memref<1x128x64xf32, #tpu.memory_space<vmem>>
        %dma_wait3A_162 = tpu.memref_squeeze %dma_wait3A_161 : memref<1x128x64xf32, #tpu.memory_space<vmem>> -> memref<128x64xf32, #tpu.memory_space<vmem>>
        %dma_wait3A_163 = arith.constant 9872 : i32
        %dma_wait3A_164 = arith.constant 0 : i32
        %dma_wait3A_165 = tpu.memref_slice %arg13[%dma_wait3A_163, %dma_wait3A_164] : memref<10000x64xf32, #tpu.memory_space<vmem_shared>> -> memref<128x64xf32, #tpu.memory_space<vmem_shared>>
        %dma_wait3A_166 = arith.constant 0 : i32
        %dma_wait3A_167 = arith.constant 0 : i32
        %dma_wait3A_168 = tpu.memref_slice %arg10[%run_scoped3A_142, %dma_wait3A_166, %dma_wait3A_167] : memref<6x128x64xf32, #tpu.memory_space<vmem>> -> memref<1x128x64xf32, #tpu.memory_space<vmem>>
        %dma_wait3A_169 = tpu.memref_squeeze %dma_wait3A_168 : memref<1x128x64xf32, #tpu.memory_space<vmem>> -> memref<128x64xf32, #tpu.memory_space<vmem>>
        %dma_wait3A_170 = arith.constant 9872 : i32
        %dma_wait3A_171 = arith.constant 0 : i32
        %dma_wait3A_172 = tpu.memref_slice %arg13[%dma_wait3A_170, %dma_wait3A_171] : memref<10000x64xf32, #tpu.memory_space<vmem_shared>> -> memref<128x64xf32, #tpu.memory_space<vmem_shared>>
        tpu.wait_dma2 semaphore(%run_scoped3A_144 : memref<!tpu.dma_semaphore, #tpu.memory_space<semaphore_mem>>) src(%dma_wait3A_172 : memref<128x64xf32, #tpu.memory_space<vmem_shared>>) dst(%dma_wait3A_169 : memref<128x64xf32, #tpu.memory_space<vmem>>)
        tpu.yield
      }) : () -> ()
      %run_scoped3A_143 = arith.constant 0 : i32
      "tpu.region"() ({
        %run_scoped3A_144 = tpu.sem_alloc : memref<!tpu.dma_semaphore, #tpu.memory_space<semaphore_mem>>
        %dma_start3A_145 = arith.constant 0 : i32
        %dma_start3A_146 = arith.constant 0 : i32
        %dma_start3A_147 = tpu.memref_slice %arg10[%run_scoped3A_143, %dma_start3A_145, %dma_start3A_146] : memref<6x128x64xf32, #tpu.memory_space<vmem>> -> memref<1x128x64xf32, #tpu.memory_space<vmem>>
        %dma_start3A_148 = tpu.memref_squeeze %dma_start3A_147 : memref<1x128x64xf32, #tpu.memory_space<vmem>> -> memref<128x64xf32, #tpu.memory_space<vmem>>
        %dma_start3A_149 = arith.constant 9872 : i32
        %dma_start3A_150 = arith.constant 0 : i32
        %dma_start3A_151 = tpu.memref_slice %arg5[%arg0, %dma_start3A_149, %dma_start3A_150] : memref<2x10000x64xf32, #tpu.memory_space<hbm>> -> memref<1x128x64xf32, #tpu.memory_space<hbm>>
        %dma_start3A_152 = tpu.memref_squeeze %dma_start3A_151 : memref<1x128x64xf32, #tpu.memory_space<hbm>> -> memref<128x64xf32, #tpu.memory_space<hbm>>
        %dma_start3A_153 = arith.constant 9872 : i32
        %dma_start3A_154 = arith.constant 0 : i32
        %dma_start3A_155 = tpu.memref_slice %arg5[%arg0, %dma_start3A_153, %dma_start3A_154] : memref<2x10000x64xf32, #tpu.memory_space<hbm>> -> memref<1x128x64xf32, #tpu.memory_space<hbm>>
        %dma_start3A_156 = tpu.memref_squeeze %dma_start3A_155 : memref<1x128x64xf32, #tpu.memory_space<hbm>> -> memref<128x64xf32, #tpu.memory_space<hbm>>
        %dma_start3A_157 = arith.constant 0 : i32
        %dma_start3A_158 = arith.constant 0 : i32
        %dma_start3A_159 = tpu.memref_slice %arg10[%run_scoped3A_143, %dma_start3A_157, %dma_start3A_158] : memref<6x128x64xf32, #tpu.memory_space<vmem>> -> memref<1x128x64xf32, #tpu.memory_space<vmem>>
        %dma_start3A_160 = tpu.memref_squeeze %dma_start3A_159 : memref<1x128x64xf32, #tpu.memory_space<vmem>> -> memref<128x64xf32, #tpu.memory_space<vmem>>
        tpu.enqueue_dma source(%dma_start3A_160 : memref<128x64xf32, #tpu.memory_space<vmem>>) target(%dma_start3A_156 : memref<128x64xf32, #tpu.memory_space<hbm>>) target_semaphore(%run_scoped3A_144 : memref<!tpu.dma_semaphore, #tpu.memory_space<semaphore_mem>>)
        %dma_wait3A_161 = arith.constant 0 : i32
        %dma_wait3A_162 = arith.constant 0 : i32
        %dma_wait3A_163 = tpu.memref_slice %arg10[%run_scoped3A_143, %dma_wait3A_161, %dma_wait3A_162] : memref<6x128x64xf32, #tpu.memory_space<vmem>> -> memref<1x128x64xf32, #tpu.memory_space<vmem>>
        %dma_wait3A_164 = tpu.memref_squeeze %dma_wait3A_163 : memref<1x128x64xf32, #tpu.memory_space<vmem>> -> memref<128x64xf32, #tpu.memory_space<vmem>>
        %dma_wait3A_165 = arith.constant 9872 : i32
        %dma_wait3A_166 = arith.constant 0 : i32
        %dma_wait3A_167 = tpu.memref_slice %arg5[%arg0, %dma_wait3A_165, %dma_wait3A_166] : memref<2x10000x64xf32, #tpu.memory_space<hbm>> -> memref<1x128x64xf32, #tpu.memory_space<hbm>>
        %dma_wait3A_168 = tpu.memref_squeeze %dma_wait3A_167 : memref<1x128x64xf32, #tpu.memory_space<hbm>> -> memref<128x64xf32, #tpu.memory_space<hbm>>
        %dma_wait3A_169 = arith.constant 9872 : i32
        %dma_wait3A_170 = arith.constant 0 : i32
        %dma_wait3A_171 = tpu.memref_slice %arg5[%arg0, %dma_wait3A_169, %dma_wait3A_170] : memref<2x10000x64xf32, #tpu.memory_space<hbm>> -> memref<1x128x64xf32, #tpu.memory_space<hbm>>
        %dma_wait3A_172 = tpu.memref_squeeze %dma_wait3A_171 : memref<1x128x64xf32, #tpu.memory_space<hbm>> -> memref<128x64xf32, #tpu.memory_space<hbm>>
        %dma_wait3A_173 = arith.constant 0 : i32
        %dma_wait3A_174 = arith.constant 0 : i32
        %dma_wait3A_175 = tpu.memref_slice %arg10[%run_scoped3A_143, %dma_wait3A_173, %dma_wait3A_174] : memref<6x128x64xf32, #tpu.memory_space<vmem>> -> memref<1x128x64xf32, #tpu.memory_space<vmem>>
        %dma_wait3A_176 = tpu.memref_squeeze %dma_wait3A_175 : memref<1x128x64xf32, #tpu.memory_space<vmem>> -> memref<128x64xf32, #tpu.memory_space<vmem>>
        tpu.wait_dma2 semaphore(%run_scoped3A_144 : memref<!tpu.dma_semaphore, #tpu.memory_space<semaphore_mem>>) src(%dma_wait3A_176 : memref<128x64xf32, #tpu.memory_space<vmem>>) dst(%dma_wait3A_172 : memref<128x64xf32, #tpu.memory_space<hbm>>)
        tpu.yield
      }) : () -> ()
    } else {
    }
    return
  }
}

module attributes {stable_mosaic.version = 14 : i64} {
  func.func @_embed_body(%arg0: memref<10000x128xf32, #tpu.memory_space<vmem>>, %arg1: memref<128x64xf32, #tpu.memory_space<vmem>>, %arg2: memref<1x64xf32, #tpu.memory_space<vmem>>, %arg3: memref<10000x64xf32, #tpu.memory_space<vmem>>, %arg4: memref<10000x64xf32, #tpu.memory_space<vmem>>) attributes {dimension_semantics = [], scalar_prefetch = 0 : i64, scratch_operands = 0 : i64, tpu.core_type = #tpu.core_type<tc>} {
    %get3A = arith.constant 0 : index
    %get3A_0 = arith.constant 0 : index
    %get3A_1 = vector.load %arg0[%get3A, %get3A_0] : memref<10000x128xf32, #tpu.memory_space<vmem>>, vector<10000x128xf32>
    %get3A_2 = arith.constant 0 : index
    %get3A_3 = arith.constant 0 : index
    %get3A_4 = vector.load %arg1[%get3A_2, %get3A_3] : memref<128x64xf32, #tpu.memory_space<vmem>>, vector<128x64xf32>
    %dot_general3A = arith.constant dense<0.000000e+00> : vector<10000x64xf32>
    %dot_general3A_5 = tpu.matmul %get3A_1, %get3A_4, %dot_general3A {dimension_numbers = #tpu.dot_dimension_numbers<[1], [0], [0], [1], [0, 0, 1, 1], [], []>, transpose_lhs_hint = false} : vector<10000x128xf32>, vector<128x64xf32>, vector<10000x64xf32> -> vector<10000x64xf32>
    %get3A_6 = arith.constant 0 : index
    %get3A_7 = arith.constant 0 : index
    %get3A_8 = vector.load %arg2[%get3A_6, %get3A_7] : memref<1x64xf32, #tpu.memory_space<vmem>>, vector<1x64xf32>
    %add3A = vector.broadcast %get3A_8 : vector<1x64xf32> to vector<10000x64xf32>
    %add3A_9 = arith.addf %dot_general3A_5, %add3A : vector<10000x64xf32>
    %swap3A = arith.constant 0 : index
    %swap3A_10 = arith.constant 0 : index
    %swap3A_11 = vector.load %arg3[%swap3A, %swap3A_10] : memref<10000x64xf32, #tpu.memory_space<vmem>>, vector<10000x64xf32>
    tpu.vector_store %arg3[%swap3A, %swap3A_10], %add3A_9 {strides = array<i32>} : memref<10000x64xf32, #tpu.memory_space<vmem>>, vector<10000x64xf32>,
    %max3A = arith.constant 0.000000e+00 : f32
    %max3A_12 = vector.broadcast %max3A : f32 to vector<10000x64xf32>
    %max3A_13 = arith.maximumf %add3A_9, %max3A_12 : vector<10000x64xf32>
    %swap3A_14 = arith.constant 0 : index
    %swap3A_15 = arith.constant 0 : index
    %swap3A_16 = vector.load %arg4[%swap3A_14, %swap3A_15] : memref<10000x64xf32, #tpu.memory_space<vmem>>, vector<10000x64xf32>
    tpu.vector_store %arg4[%swap3A_14, %swap3A_15], %max3A_13 {strides = array<i32>} : memref<10000x64xf32, #tpu.memory_space<vmem>>, vector<10000x64xf32>,
    return
  }
}

module attributes {stable_mosaic.version = 14 : i64} {
  func.func @_final_body(%arg0: memref<10xi32, #tpu.memory_space<smem>>, %arg1: memref<2x10000x64xf32, #tpu.memory_space<vmem>>, %arg2: memref<32x10000xf32, #tpu.memory_space<vmem>>, %arg3: memref<8x10000xf32, #tpu.memory_space<vmem>>, %arg4: memref<10000x64xf32, #tpu.memory_space<vmem>>, %arg5: memref<64x64xf32, #tpu.memory_space<vmem>>, %arg6: memref<1x64xf32, #tpu.memory_space<vmem>>, %arg7: memref<160x64xf32, #tpu.memory_space<vmem>>, %arg8: memref<1x64xf32, #tpu.memory_space<vmem>>, %arg9: memref<64x64xf32, #tpu.memory_space<vmem>>, %arg10: memref<1x64xf32, #tpu.memory_space<vmem>>, %arg11: memref<192x64xf32, #tpu.memory_space<vmem>>, %arg12: memref<1x64xf32, #tpu.memory_space<vmem>>, %arg13: memref<64x1xf32, #tpu.memory_space<vmem>>, %arg14: memref<1x1xf32, #tpu.memory_space<vmem>>, %arg15: memref<1x1xf32, #tpu.memory_space<vmem>>) attributes {dimension_semantics = [], scalar_prefetch = 0 : i64, scratch_operands = 0 : i64, tpu.core_type = #tpu.core_type<tc>} {
    %get3A = arith.constant 0 : index
    %get3A_0 = arith.constant 0 : index
    %get3A_1 = arith.constant 0 : index
    %get3A_2 = vector.load %arg1[%get3A, %get3A_0, %get3A_1] : memref<2x10000x64xf32, #tpu.memory_space<vmem>>, vector<1x10000x64xf32>
    %get3A_3 = vector.shape_cast %get3A_2 : vector<1x10000x64xf32> to vector<10000x64xf32>
    %get3A_4 = arith.constant 1 : index
    %get3A_5 = arith.constant 0 : index
    %get3A_6 = arith.constant 0 : index
    %get3A_7 = vector.load %arg1[%get3A_4, %get3A_5, %get3A_6] : memref<2x10000x64xf32, #tpu.memory_space<vmem>>, vector<1x10000x64xf32>
    %get3A_8 = vector.shape_cast %get3A_7 : vector<1x10000x64xf32> to vector<10000x64xf32>
    %add3A = arith.addf %get3A_3, %get3A_8 : vector<10000x64xf32>
    %get3A_9 = arith.constant 0 : index
    %get3A_10 = arith.constant 0 : index
    %get3A_11 = vector.load %arg2[%get3A_9, %get3A_10] : memref<32x10000xf32, #tpu.memory_space<vmem>>, vector<32x10000xf32>
    %broadcast_in_dim3A = arith.constant 1.000000e+00 : f32
    %broadcast_in_dim3A_12 = vector.broadcast %broadcast_in_dim3A : f32 to vector<32x1xf32>
    %dot_general3A = arith.constant dense<0.000000e+00> : vector<10000x1xf32>
    %dot_general3A_13 = tpu.matmul %get3A_11, %broadcast_in_dim3A_12, %dot_general3A {dimension_numbers = #tpu.dot_dimension_numbers<[0], [0], [1], [1], [0, 1, 1, 1], [], []>, transpose_lhs_hint = false} : vector<32x10000xf32>, vector<32x1xf32>, vector<10000x1xf32> -> vector<10000x1xf32>
    %max3A = arith.constant 1.000000e+00 : f32
    %max3A_14 = vector.broadcast %max3A : f32 to vector<10000x1xf32>
    %max3A_15 = arith.maximumf %dot_general3A_13, %max3A_14 : vector<10000x1xf32>
    %div3A = vector.broadcast %max3A_15 : vector<10000x1xf32> to vector<10000x64xf32>
    %div3A_16 = arith.divf %add3A, %div3A : vector<10000x64xf32>
    %get3A_17 = arith.constant 0 : index
    %get3A_18 = arith.constant 0 : index
    %get3A_19 = vector.load %arg5[%get3A_17, %get3A_18] : memref<64x64xf32, #tpu.memory_space<vmem>>, vector<64x64xf32>
    %dot_general3A_20 = arith.constant dense<0.000000e+00> : vector<10000x64xf32>
    %dot_general3A_21 = tpu.matmul %div3A_16, %get3A_19, %dot_general3A_20 {dimension_numbers = #tpu.dot_dimension_numbers<[1], [0], [0], [1], [0, 0, 1, 1], [], []>, transpose_lhs_hint = false} : vector<10000x64xf32>, vector<64x64xf32>, vector<10000x64xf32> -> vector<10000x64xf32>
    %get3A_22 = arith.constant 0 : index
    %get3A_23 = arith.constant 0 : index
    %get3A_24 = vector.load %arg6[%get3A_22, %get3A_23] : memref<1x64xf32, #tpu.memory_space<vmem>>, vector<1x64xf32>
    %add3A_25 = vector.broadcast %get3A_24 : vector<1x64xf32> to vector<10000x64xf32>
    %add3A_26 = arith.addf %dot_general3A_21, %add3A_25 : vector<10000x64xf32>
    %get3A_27 = arith.constant 0 : index
    %get3A_28 = arith.constant 0 : index
    %get3A_29 = vector.load %arg4[%get3A_27, %get3A_28] : memref<10000x64xf32, #tpu.memory_space<vmem>>, vector<10000x64xf32>
    %add3A_30 = arith.addf %add3A_26, %get3A_29 : vector<10000x64xf32>
    %max3A_31 = arith.constant 0.000000e+00 : f32
    %max3A_32 = vector.broadcast %max3A_31 : f32 to vector<10000x64xf32>
    %max3A_33 = arith.maximumf %add3A_30, %max3A_32 : vector<10000x64xf32>
    %reduce_sum3A = arith.constant dense<0.000000e+00> : vector<64xf32>
    %reduce_sum3A_34 = vector.multi_reduction <add>, %max3A_33, %reduce_sum3A [0] : vector<10000x64xf32> to vector<64xf32>
    %broadcast_in_dim3A_35 = vector.shape_cast %reduce_sum3A_34 : vector<64xf32> to vector<1x64xf32>
    %mul3A = arith.constant 9.99999974E-5 : f32
    %mul3A_36 = vector.broadcast %mul3A : f32 to vector<1x64xf32>
    %mul3A_37 = arith.mulf %broadcast_in_dim3A_35, %mul3A_36 : vector<1x64xf32>
    %iota3A = tpu.iota {dimensions = array<i32: 1>} : vector<1x160xi32>
    %broadcast_in_dim3A_38 = arith.constant 0.000000e+00 : f32
    %broadcast_in_dim3A_39 = vector.broadcast %broadcast_in_dim3A_38 : f32 to vector<1x160xf32>
    %get3A_40 = arith.constant 0 : index
    %get3A_41 = memref.load %arg0[%get3A_40] : memref<10xi32, #tpu.memory_space<smem>>
    %add3A_42 = arith.constant 0 : i32
    %add3A_43 = arith.addi %add3A_42, %get3A_41 : i32
    %eq3A = vector.broadcast %add3A_43 : i32 to vector<1x160xi32>
    %eq3A_44 = arith.cmpi eq, %iota3A, %eq3A : vector<1x160xi32>
    %convert_element_type3A = arith.extui %eq3A_44 : vector<1x160xi1> to vector<1x160xi32>
    %convert_element_type3A_45 = arith.sitofp %convert_element_type3A : vector<1x160xi32> to vector<1x160xf32>
    %add3A_46 = arith.addf %broadcast_in_dim3A_39, %convert_element_type3A_45 : vector<1x160xf32>
    %get3A_47 = arith.constant 1 : index
    %get3A_48 = memref.load %arg0[%get3A_47] : memref<10xi32, #tpu.memory_space<smem>>
    %add3A_49 = arith.constant 16 : i32
    %add3A_50 = arith.addi %add3A_49, %get3A_48 : i32
    %eq3A_51 = vector.broadcast %add3A_50 : i32 to vector<1x160xi32>
    %eq3A_52 = arith.cmpi eq, %iota3A, %eq3A_51 : vector<1x160xi32>
    %convert_element_type3A_53 = arith.extui %eq3A_52 : vector<1x160xi1> to vector<1x160xi32>
    %convert_element_type3A_54 = arith.sitofp %convert_element_type3A_53 : vector<1x160xi32> to vector<1x160xf32>
    %add3A_55 = arith.addf %add3A_46, %convert_element_type3A_54 : vector<1x160xf32>
    %get3A_56 = arith.constant 2 : index
    %get3A_57 = memref.load %arg0[%get3A_56] : memref<10xi32, #tpu.memory_space<smem>>
    %add3A_58 = arith.constant 32 : i32
    %add3A_59 = arith.addi %add3A_58, %get3A_57 : i32
    %eq3A_60 = vector.broadcast %add3A_59 : i32 to vector<1x160xi32>
    %eq3A_61 = arith.cmpi eq, %iota3A, %eq3A_60 : vector<1x160xi32>
    %convert_element_type3A_62 = arith.extui %eq3A_61 : vector<1x160xi1> to vector<1x160xi32>
    %convert_element_type3A_63 = arith.sitofp %convert_element_type3A_62 : vector<1x160xi32> to vector<1x160xf32>
    %add3A_64 = arith.addf %add3A_55, %convert_element_type3A_63 : vector<1x160xf32>
    %get3A_65 = arith.constant 3 : index
    %get3A_66 = memref.load %arg0[%get3A_65] : memref<10xi32, #tpu.memory_space<smem>>
    %add3A_67 = arith.constant 48 : i32
    %add3A_68 = arith.addi %add3A_67, %get3A_66 : i32
    %eq3A_69 = vector.broadcast %add3A_68 : i32 to vector<1x160xi32>
    %eq3A_70 = arith.cmpi eq, %iota3A, %eq3A_69 : vector<1x160xi32>
    %convert_element_type3A_71 = arith.extui %eq3A_70 : vector<1x160xi1> to vector<1x160xi32>
    %convert_element_type3A_72 = arith.sitofp %convert_element_type3A_71 : vector<1x160xi32> to vector<1x160xf32>
    %add3A_73 = arith.addf %add3A_64, %convert_element_type3A_72 : vector<1x160xf32>
    %get3A_74 = arith.constant 4 : index
    %get3A_75 = memref.load %arg0[%get3A_74] : memref<10xi32, #tpu.memory_space<smem>>
    %add3A_76 = arith.constant 64 : i32
    %add3A_77 = arith.addi %add3A_76, %get3A_75 : i32
    %eq3A_78 = vector.broadcast %add3A_77 : i32 to vector<1x160xi32>
    %eq3A_79 = arith.cmpi eq, %iota3A, %eq3A_78 : vector<1x160xi32>
    %convert_element_type3A_80 = arith.extui %eq3A_79 : vector<1x160xi1> to vector<1x160xi32>
    %convert_element_type3A_81 = arith.sitofp %convert_element_type3A_80 : vector<1x160xi32> to vector<1x160xf32>
    %add3A_82 = arith.addf %add3A_73, %convert_element_type3A_81 : vector<1x160xf32>
    %get3A_83 = arith.constant 5 : index
    %get3A_84 = memref.load %arg0[%get3A_83] : memref<10xi32, #tpu.memory_space<smem>>
    %add3A_85 = arith.constant 80 : i32
    %add3A_86 = arith.addi %add3A_85, %get3A_84 : i32
    %eq3A_87 = vector.broadcast %add3A_86 : i32 to vector<1x160xi32>
    %eq3A_88 = arith.cmpi eq, %iota3A, %eq3A_87 : vector<1x160xi32>
    %convert_element_type3A_89 = arith.extui %eq3A_88 : vector<1x160xi1> to vector<1x160xi32>
    %convert_element_type3A_90 = arith.sitofp %convert_element_type3A_89 : vector<1x160xi32> to vector<1x160xf32>
    %add3A_91 = arith.addf %add3A_82, %convert_element_type3A_90 : vector<1x160xf32>
    %get3A_92 = arith.constant 6 : index
    %get3A_93 = memref.load %arg0[%get3A_92] : memref<10xi32, #tpu.memory_space<smem>>
    %add3A_94 = arith.constant 96 : i32
    %add3A_95 = arith.addi %add3A_94, %get3A_93 : i32
    %eq3A_96 = vector.broadcast %add3A_95 : i32 to vector<1x160xi32>
    %eq3A_97 = arith.cmpi eq, %iota3A, %eq3A_96 : vector<1x160xi32>
    %convert_element_type3A_98 = arith.extui %eq3A_97 : vector<1x160xi1> to vector<1x160xi32>
    %convert_element_type3A_99 = arith.sitofp %convert_element_type3A_98 : vector<1x160xi32> to vector<1x160xf32>
    %add3A_100 = arith.addf %add3A_91, %convert_element_type3A_99 : vector<1x160xf32>
    %get3A_101 = arith.constant 7 : index
    %get3A_102 = memref.load %arg0[%get3A_101] : memref<10xi32, #tpu.memory_space<smem>>
    %add3A_103 = arith.constant 112 : i32
    %add3A_104 = arith.addi %add3A_103, %get3A_102 : i32
    %eq3A_105 = vector.broadcast %add3A_104 : i32 to vector<1x160xi32>
    %eq3A_106 = arith.cmpi eq, %iota3A, %eq3A_105 : vector<1x160xi32>
    %convert_element_type3A_107 = arith.extui %eq3A_106 : vector<1x160xi1> to vector<1x160xi32>
    %convert_element_type3A_108 = arith.sitofp %convert_element_type3A_107 : vector<1x160xi32> to vector<1x160xf32>
    %add3A_109 = arith.addf %add3A_100, %convert_element_type3A_108 : vector<1x160xf32>
    %get3A_110 = arith.constant 8 : index
    %get3A_111 = memref.load %arg0[%get3A_110] : memref<10xi32, #tpu.memory_space<smem>>
    %add3A_112 = arith.constant 128 : i32
    %add3A_113 = arith.addi %add3A_112, %get3A_111 : i32
    %eq3A_114 = vector.broadcast %add3A_113 : i32 to vector<1x160xi32>
    %eq3A_115 = arith.cmpi eq, %iota3A, %eq3A_114 : vector<1x160xi32>
    %convert_element_type3A_116 = arith.extui %eq3A_115 : vector<1x160xi1> to vector<1x160xi32>
    %convert_element_type3A_117 = arith.sitofp %convert_element_type3A_116 : vector<1x160xi32> to vector<1x160xf32>
    %add3A_118 = arith.addf %add3A_109, %convert_element_type3A_117 : vector<1x160xf32>
    %get3A_119 = arith.constant 9 : index
    %get3A_120 = memref.load %arg0[%get3A_119] : memref<10xi32, #tpu.memory_space<smem>>
    %add3A_121 = arith.constant 144 : i32
    %add3A_122 = arith.addi %add3A_121, %get3A_120 : i32
    %eq3A_123 = vector.broadcast %add3A_122 : i32 to vector<1x160xi32>
    %eq3A_124 = arith.cmpi eq, %iota3A, %eq3A_123 : vector<1x160xi32>
    %convert_element_type3A_125 = arith.extui %eq3A_124 : vector<1x160xi1> to vector<1x160xi32>
    %convert_element_type3A_126 = arith.sitofp %convert_element_type3A_125 : vector<1x160xi32> to vector<1x160xf32>
    %add3A_127 = arith.addf %add3A_118, %convert_element_type3A_126 : vector<1x160xf32>
    %get3A_128 = arith.constant 0 : index
    %get3A_129 = arith.constant 0 : index
    %get3A_130 = vector.load %arg7[%get3A_128, %get3A_129] : memref<160x64xf32, #tpu.memory_space<vmem>>, vector<160x64xf32>
    %dot_general3A_131 = arith.constant dense<0.000000e+00> : vector<1x64xf32>
    %dot_general3A_132 = tpu.matmul %add3A_127, %get3A_130, %dot_general3A_131 {dimension_numbers = #tpu.dot_dimension_numbers<[1], [0], [0], [1], [0, 0, 1, 1], [], []>, transpose_lhs_hint = false} : vector<1x160xf32>, vector<160x64xf32>, vector<1x64xf32> -> vector<1x64xf32>
    %get3A_133 = arith.constant 0 : index
    %get3A_134 = arith.constant 0 : index
    %get3A_135 = vector.load %arg8[%get3A_133, %get3A_134] : memref<1x64xf32, #tpu.memory_space<vmem>>, vector<1x64xf32>
    %add3A_136 = arith.addf %dot_general3A_132, %get3A_135 : vector<1x64xf32>
    %max3A_137 = arith.constant 0.000000e+00 : f32
    %max3A_138 = vector.broadcast %max3A_137 : f32 to vector<1x64xf32>
    %max3A_139 = arith.maximumf %add3A_136, %max3A_138 : vector<1x64xf32>
    %get3A_140 = arith.constant 0 : index
    %get3A_141 = arith.constant 0 : index
    %get3A_142 = vector.load %arg9[%get3A_140, %get3A_141] : memref<64x64xf32, #tpu.memory_space<vmem>>, vector<64x64xf32>
    %dot_general3A_143 = arith.constant dense<0.000000e+00> : vector<1x64xf32>
    %dot_general3A_144 = tpu.matmul %max3A_139, %get3A_142, %dot_general3A_143 {dimension_numbers = #tpu.dot_dimension_numbers<[1], [0], [0], [1], [0, 0, 1, 1], [], []>, transpose_lhs_hint = false} : vector<1x64xf32>, vector<64x64xf32>, vector<1x64xf32> -> vector<1x64xf32>
    %get3A_145 = arith.constant 0 : index
    %get3A_146 = arith.constant 0 : index
    %get3A_147 = vector.load %arg10[%get3A_145, %get3A_146] : memref<1x64xf32, #tpu.memory_space<vmem>>, vector<1x64xf32>
    %add3A_148 = arith.addf %dot_general3A_144, %get3A_147 : vector<1x64xf32>
    %max3A_149 = arith.constant 0.000000e+00 : f32
    %max3A_150 = vector.broadcast %max3A_149 : f32 to vector<1x64xf32>
    %max3A_151 = arith.maximumf %add3A_148, %max3A_150 : vector<1x64xf32>
    %get3A_152 = arith.constant 0 : index
    %get3A_153 = arith.constant 0 : index
    %get3A_154 = vector.load %arg11[%get3A_152, %get3A_153] : memref<192x64xf32, #tpu.memory_space<vmem>>, vector<64x64xf32>
    %dot_general3A_155 = arith.constant dense<0.000000e+00> : vector<1x64xf32>
    %dot_general3A_156 = tpu.matmul %mul3A_37, %get3A_154, %dot_general3A_155 {dimension_numbers = #tpu.dot_dimension_numbers<[1], [0], [0], [1], [0, 0, 1, 1], [], []>, transpose_lhs_hint = false} : vector<1x64xf32>, vector<64x64xf32>, vector<1x64xf32> -> vector<1x64xf32>
    %get3A_157 = arith.constant 64 : index
    %get3A_158 = arith.constant 0 : index
    %get3A_159 = vector.load %arg11[%get3A_157, %get3A_158] : memref<192x64xf32, #tpu.memory_space<vmem>>, vector<64x64xf32>
    %dot_general3A_160 = arith.constant dense<0.000000e+00> : vector<1x64xf32>
    %dot_general3A_161 = tpu.matmul %max3A_151, %get3A_159, %dot_general3A_160 {dimension_numbers = #tpu.dot_dimension_numbers<[1], [0], [0], [1], [0, 0, 1, 1], [], []>, transpose_lhs_hint = false} : vector<1x64xf32>, vector<64x64xf32>, vector<1x64xf32> -> vector<1x64xf32>
    %add3A_162 = arith.addf %dot_general3A_156, %dot_general3A_161 : vector<1x64xf32>
    %get3A_163 = arith.constant 0 : index
    %get3A_164 = arith.constant 0 : index
    %get3A_165 = vector.load %arg12[%get3A_163, %get3A_164] : memref<1x64xf32, #tpu.memory_space<vmem>>, vector<1x64xf32>
    %add3A_166 = arith.addf %add3A_162, %get3A_165 : vector<1x64xf32>
    %get3A_167 = arith.constant 128 : index
    %get3A_168 = arith.constant 0 : index
    %get3A_169 = vector.load %arg11[%get3A_167, %get3A_168] : memref<192x64xf32, #tpu.memory_space<vmem>>, vector<64x64xf32>
    %dot_general3A_170 = arith.constant dense<0.000000e+00> : vector<10000x64xf32>
    %dot_general3A_171 = tpu.matmul %max3A_33, %get3A_169, %dot_general3A_170 {dimension_numbers = #tpu.dot_dimension_numbers<[1], [0], [0], [1], [0, 0, 1, 1], [], []>, transpose_lhs_hint = false} : vector<10000x64xf32>, vector<64x64xf32>, vector<10000x64xf32> -> vector<10000x64xf32>
    %add3A_172 = vector.broadcast %add3A_166 : vector<1x64xf32> to vector<10000x64xf32>
    %add3A_173 = arith.addf %dot_general3A_171, %add3A_172 : vector<10000x64xf32>
    %max3A_174 = arith.constant 0.000000e+00 : f32
    %max3A_175 = vector.broadcast %max3A_174 : f32 to vector<10000x64xf32>
    %max3A_176 = arith.maximumf %add3A_173, %max3A_175 : vector<10000x64xf32>
    %get3A_177 = arith.constant 0 : index
    %get3A_178 = arith.constant 0 : index
    %get3A_179 = vector.load %arg13[%get3A_177, %get3A_178] : memref<64x1xf32, #tpu.memory_space<vmem>>, vector<64x1xf32>
    %dot_general3A_180 = arith.constant dense<0.000000e+00> : vector<10000x1xf32>
    %dot_general3A_181 = tpu.matmul %max3A_176, %get3A_179, %dot_general3A_180 {dimension_numbers = #tpu.dot_dimension_numbers<[1], [0], [0], [1], [0, 0, 1, 1], [], []>, transpose_lhs_hint = false} : vector<10000x64xf32>, vector<64x1xf32>, vector<10000x1xf32> -> vector<10000x1xf32>
    %get3A_182 = arith.constant 0 : index
    %get3A_183 = arith.constant 0 : index
    %get3A_184 = vector.load %arg14[%get3A_182, %get3A_183] : memref<1x1xf32, #tpu.memory_space<vmem>>, vector<1x1xf32>
    %add3A_185 = vector.broadcast %get3A_184 : vector<1x1xf32> to vector<10000x1xf32>
    %add3A_186 = arith.addf %dot_general3A_181, %add3A_185 : vector<10000x1xf32>
    %get3A_187 = arith.constant 0 : index
    %get3A_188 = arith.constant 0 : index
    %get3A_189 = vector.load %arg3[%get3A_187, %get3A_188] : memref<8x10000xf32, #tpu.memory_space<vmem>>, vector<8x10000xf32>
    %broadcast_in_dim3A_190 = arith.constant 1.000000e+00 : f32
    %broadcast_in_dim3A_191 = vector.broadcast %broadcast_in_dim3A_190 : f32 to vector<8x1xf32>
    %dot_general3A_192 = arith.constant dense<0.000000e+00> : vector<10000x1xf32>
    %dot_general3A_193 = tpu.matmul %get3A_189, %broadcast_in_dim3A_191, %dot_general3A_192 {dimension_numbers = #tpu.dot_dimension_numbers<[0], [0], [1], [1], [0, 1, 1, 1], [], []>, transpose_lhs_hint = false} : vector<8x10000xf32>, vector<8x1xf32>, vector<10000x1xf32> -> vector<10000x1xf32>
    %gt3A = arith.constant 0.000000e+00 : f32
    %gt3A_194 = vector.broadcast %gt3A : f32 to vector<10000x1xf32>
    %gt3A_195 = arith.cmpf ogt, %dot_general3A_193, %gt3A_194 : vector<10000x1xf32>
    %jit3A = arith.constant 0xFF800000 : f32
    %broadcast_in_dim3A_196 = vector.broadcast %jit3A : f32 to vector<10000x1xf32>
    %select_n3A = arith.select %gt3A_195, %add3A_186, %broadcast_in_dim3A_196 : vector<10000x1xi1>, vector<10000x1xf32>
    %reduce_max3A = vector.shape_cast %select_n3A : vector<10000x1xf32> to vector<1x10000x1xf32>
    %reduce_max3A_197 = arith.constant dense<0xFF800000> : vector<1xf32>
    %reduce_max3A_198 = vector.multi_reduction <maximumf>, %reduce_max3A, %reduce_max3A_197 [1, 2] : vector<1x10000x1xf32> to vector<1xf32>
    %reduce_max3A_199 = vector.shape_cast %reduce_max3A_198 : vector<1xf32> to vector<1x1x1xf32>
    %reduce_max3A_200 = vector.extract %reduce_max3A_199[0, 0, 0] : f32 from vector<1x1x1xf32>
    %reshape3A = vector.broadcast %reduce_max3A_200 : f32 to vector<1x1xf32>
    %swap3A = arith.constant 0 : index
    %swap3A_201 = arith.constant 0 : index
    %swap3A_202 = vector.load %arg15[%swap3A, %swap3A_201] : memref<1x1xf32, #tpu.memory_space<vmem>>, vector<1x1xf32>
    tpu.vector_store %arg15[%swap3A, %swap3A_201], %reshape3A {strides = array<i32>} : memref<1x1xf32, #tpu.memory_space<vmem>>, vector<1x1xf32>,
    return
  }
}

</mosaic_0001>

<sc_bundles>
// kernel: kernel.5.cloned.1.call-start
scs
__scs_entry_jumppad:
0x0: {  	(pc) =	sbr.rel $0x88, $3  }
0x1: {  	(tag) =	ssettag $0x0;
	lr =	simm.s32 $0x1  }
0x2: {  	[smem:$0x3F91] =	sst lr;
	_ =	strace $0xD0000000  }
0x3: {  	_ = 	snop  }
0x4: {  	_ = 	snop  }
0x5: {  	_ = 	snop  }
0x6: {  	_ = 	snop  }
0x7: {  	_ = 	snop  }
__scs_overlays_trampoline_lowered:
0x8: {  	[smem:$0x3FA0] =	sst s0  }
0x9: {  	[smem:$0x3FA1] =	sst s1  }
0xa: {  	[smem:$0x3FA2] =	sst s2  }
0xb: {  	[smem:$0x3FA3] =	sst s3  }
0xc: {  	[smem:$0x3FA4] =	sst s4  }
0xd: {  	[smem:$0x3FA5] =	sst s5  }
0xe: {  	[smem:$0x3FA6] =	sst s6  }
0xf: {  	[smem:$0x3FA7] =	sst s7  }
0x10: {  	[smem:$0x3FA8] =	sst s8  }
0x11: {  	[smem:$0x3FA9] =	sst s9;
	s0 =	simm.s32 @!p0 $0x0  }
0x12: {  	s1 =	sld [smem:$0x3F8F];
	s0 =	simm.s32 @p0 $0x1  }
0x13: {  	[smem:$0x3FAA] =	sst s0;
	s0 =	simm.s32 @!p1 $0x0  }
0x14: {  	s2 =	sld [smem:$0x3F8E];
	s0 =	simm.s32 @p1 $0x1  }
0x15: {  	[smem:$0x3FAB] =	sst s0;
	s0 =	simm.s32 @!p2 $0x0  }
0x16: {  	s3 =	sld [smem:$0x3FDB];
	s0 =	simm.s32 @p2 $0x1  }
0x17: {  	s4 =	simm.s32 $0x1BF5;
	[smem:$0x3FAD] =	sst s0  }
0x18: {  	s0 =	sld [smem:$0x3F90];
	_ =	swait.ge [sflag:s4], $0x0  }
0x19: {  	s7 =	sld [smem:$0x3F91]  }
0x1a: {  	s8 =	sadd.s32 $0xFFFFE003, lr  }
0x1b: {  	s9 =	sadd.s32 $0xFFFFFEF7, lr;
	s5 =	simm.s32 $0xFFFFFFFF;
	p2 =	slt.u32 s8, $0xFFFFF086  }
0x1c: {  	p1 =	slt.u32 s9, $0xF7A;
	s5 =	simm.s32 @!p2 $0x0  }
0x1d: {  	s5 =	simm.s32 @p1 $0x1;
	p0 =	seq.s32 s7, s2  }
0x1e: {  	s7 =	smul.u32 @!p0 $0xF7A, s2;
	p2 =	seq.s32 @!p0 s5, $0x0  }
0x1f: {  	s9 =	smul.u32 $0xF7A, s1;
	s8 =	simm.s32 @!p0 $0x1BF5;
	p2 =	por !p2, p0  }
0x20: {  	[sflag:s8] =	ssyncset.s32 @!p0 $0xFFFFF086;
	s6 =	sadd.s32 @!p0 s3, s7;
	s7 =	simm.s32 @!p0 $0x108  }
0x21: {  	s3 =	sadd.s32 s3, s9;
	s6 =	sadd.s32 @!p0 $0x88, s6;
	s7 =	simm.s32 @p2 $0x1082  }
0x22: {  	[simem:s7], [sflag:s8] =	dma.local @!p0 [hbm:s6], $0xF7A  }
0x23: {  	s9 =	sor.u32 $0xD0000000, s2;
	s6 =	simm.s32 $0x108;
	_ =	swait.ge @!p0 [sflag:s8], $0x0  }
0x24: {  	s3 =	sadd.s32 $0x88, s3;
	s6 =	simm.s32 @!p1 $0x1082;
	[sflag:s4] =	ssyncset.s32 $0xFFFFF086  }
0x25: {  	[simem:s6], [sflag:s4] =	dma.local [hbm:s3], $0xF7A  }
0x26: {  	[smem:$0x3F91] =	sst s1;
	(tag) =	ssettag s2;
	_ =	strace s9  }
0x27: {  	s1 =	sld [smem:$0x3FA1]  }
0x28: {  	s2 =	sld [smem:$0x3FA2]  }
0x29: {  	s4 =	sld [smem:$0x3FA4]  }
0x2a: {  	p0 =	seq.s32 s5, $0x0;
	s5 =	sld [smem:$0x3FA5]  }
0x2b: {  	s6 =	sld [smem:$0x3FA6]  }
0x2c: {  	s7 =	sld [smem:$0x3FA7]  }
0x2d: {  	s3 =	simm.s32 $0x108;
	s8 =	sld [smem:$0x3FA8]  }
0x2e: {  	s3 =	simm.s32 @!p0 $0x1082;
	s9 =	sld [smem:$0x3FA9]  }
0x2f: {  	lr =	sadd.s32 s0, s3;
	s0 =	sld [smem:$0x3FA0]  }
0x30: {  	s3 =	sld [smem:$0x3FA3]  }
0x31: {  	[smem:$0x3FAC] =	sst s10  }
0x32: {  	s10 =	sld [smem:$0x3FAA];
	_ =	sdelay $0x3  }
0x33: {  	p0 =	seq.s32 s10, $0x1;
	s10 =	sld [smem:$0x3FAC];
	_ =	sdelay $0x3  }
0x34: {  	[smem:$0x3FAC] =	sst s10  }
0x35: {  	s10 =	sld [smem:$0x3FAB];
	_ =	sdelay $0x3  }
0x36: {  	p1 =	seq.s32 s10, $0x1;
	s10 =	sld [smem:$0x3FAC];
	_ =	sdelay $0x3  }
0x37: {  	[smem:$0x3FAC] =	sst s10  }
0x38: {  	s10 =	sld [smem:$0x3FAD]  }
0x39: {  	_ = 	snop;
	(pc) =	sbr.ind lr, $3  }
0x3a: {  	_ = 	snop  }
0x3b: {  	_ = 	snop  }
0x3c: {  	p2 =	seq.s32 s10, $0x1;
	s10 =	sld [smem:$0x3FAC]  }
0x3d: {  	_ =	shalt  }
0x3e: {  	_ =	shalt  }
0x3f: {  	_ =	shalt  }
0x40: {  	_ =	shalt  }
0x41: {  	_ =	shalt  }
0x42: {  	_ =	shalt  }
0x43: {  	_ =	shalt  }
0x44: {  	_ =	shalt  }
0x45: {  	_ =	shalt  }
0x46: {  	_ =	shalt  }
0x47: {  	_ =	shalt  }
0x48: {  	_ =	shalt  }
0x49: {  	_ =	shalt  }
0x4a: {  	_ =	shalt  }
0x4b: {  	_ =	shalt  }
0x4c: {  	_ =	shalt  }
0x4d: {  	_ =	shalt  }
0x4e: {  	_ =	shalt  }
0x4f: {  	_ =	shalt  }
0x50: {  	_ =	shalt  }
0x51: {  	_ =	shalt  }
0x52: {  	_ =	shalt  }
0x53: {  	_ =	shalt  }
0x54: {  	_ =	shalt  }
0x55: {  	_ =	shalt  }
0x56: {  	_ =	shalt  }
0x57: {  	_ =	shalt  }
0x58: {  	_ =	shalt  }
0x59: {  	_ =	shalt  }
0x5a: {  	_ =	shalt  }
0x5b: {  	_ =	shalt  }
0x5c: {  	_ =	shalt  }
0x5d: {  	_ =	shalt  }
0x5e: {  	_ =	shalt  }
0x5f: {  	_ =	shalt  }
0x60: {  	_ =	shalt  }
0x61: {  	_ =	shalt  }
0x62: {  	_ =	shalt  }
0x63: {  	_ =	shalt  }
0x64: {  	_ =	shalt  }
0x65: {  	_ =	shalt  }
0x66: {  	_ =	shalt  }
0x67: {  	_ =	shalt  }
0x68: {  	_ =	shalt  }
0x69: {  	_ =	shalt  }
0x6a: {  	_ =	shalt  }
0x6b: {  	_ =	shalt  }
0x6c: {  	_ =	shalt  }
0x6d: {  	_ =	shalt  }
0x6e: {  	_ =	shalt  }
0x6f: {  	_ =	shalt  }
0x70: {  	_ =	shalt  }
0x71: {  	_ =	shalt  }
0x72: {  	_ =	shalt  }
0x73: {  	_ =	shalt  }
0x74: {  	_ =	shalt  }
0x75: {  	_ =	shalt  }
0x76: {  	_ =	shalt  }
0x77: {  	_ =	shalt  }
0x78: {  	_ =	shalt  }
0x79: {  	_ =	shalt  }
0x7a: {  	_ =	shalt  }
0x7b: {  	_ =	shalt  }
0x7c: {  	_ =	shalt  }
0x7d: {  	_ =	shalt  }
0x7e: {  	_ =	shalt  }
0x7f: {  	_ =	shalt  }
0x80: {  	_ =	shalt  }
0x81: {  	_ =	shalt  }
0x82: {  	_ =	shalt  }
0x83: {  	_ =	shalt  }
0x84: {  	_ =	shalt  }
0x85: {  	_ =	shalt  }
0x86: {  	_ =	shalt  }
0x87: {  	_ =	shalt  }
.Lfunc_end0:
.L_simem_size_0:
called_computation_lowered:
.L_overlay_start_0:
0x88: {  	s2 =	sld [smem:$0x3FD9]  }
0x89: {  	s3 =	sld [smem:$0x3FFE];
	_ =	sdelay $0x1  }
0x8a: {  	s1 =	srdreg.scid  }
0x8b: {  	s0 =	sand.u32 $0x1, s1  }
0x8c: {  	s17 =	sshll.u32 s0, $0xA;
	s2 =	sadd.s32 s3, s2  }
0x8d: {  	s2 =	sadd.s32 s2, s17  }
0x8e: {  	[smem:$0x3FB8] =	sst s2  }
0x8f: {  	_ = 	snop  }
0x90: {  	s2 =	sld [smem:$0x3FC6];
	(tm) =	ssettm $0x1  }
0x91: {  	s18 =	sld [smem:$0x3FFB];
	_ =	sdelay $0x3  }
0x92: {  	_ =	strace s18  }
0x93: {  	s3 =	sld [smem:$0x3FFC];
	_ =	sdelay $0x3  }
0x94: {  	_ =	strace s3  }
0x95: {  	s3 =	sld [smem:$0x3FFD];
	_ =	sdelay $0x3  }
0x96: {  	_ =	strace s3  }
0x97: {  	_ =	strace $0x8FFFFFFF  }
0x98: {  	s19 =	sld [smem:$0x3FDB];
	_ =	sdelay $0x1  }
0x99: {  	s4 =	simm.s32 $_scs_section_size  }
0x9a: {  	s5 =	simm.s32 $_size__tile_overlayer_lowered;
	s6 =	simm.s32 $_tile_overlayer_lowered  }
0x9b: {  	s22 =	simm.s32 $0x1BFF;
	s21 =	sshll.u32 s6, $0x1;
	s3 =	sadd.s32 s4, s19  }
0x9c: {  	s7 =	simm.s32 $0x0;
	s20 =	sshll.u32 s5, $0x1;
	s5 =	sadd.s32 s21, s3  }
0x9d: {  	[timem:s7], [sflag:s22] =	dma.local [hbm:s5], s20  }
0x9e: {  	_ =	swait.ge [sflag:s22], s20  }
0x9f: {  	s4 =	ssub.s32 $0x0, s20;
	[sflag:s22] =	ssyncset.done $0x0  }
0xa0: {  	[sflag:s22] =	ssyncadd.s32 s4;
	_ =	sdelay $0x1  }
0xa1: {  	s23 =	simm.s32 $0x1B8B  }
0xa2: {  	_ =	swait.ge [sflag:s23], $0x1  }
0xa3: {  	[sflag:s23] =	ssyncset.done $0x0  }
0xa4: {  	s25 =	simm.s32 $0x1B8E;
	s24 =	sld [smem:$0x3FFE];
	[sflag:s23] =	ssyncadd.s32 $0xFFFFFFFF  }
0xa5: {  	s26 =	simm.s32 $execute0_lowered;
	[smem:$0x3FD2] =	sst s25  }
0xa6: {  	s5 =	sshll.u32 s26, $0x1;
	_ =	strace $0x80000046;
	[dreg:$0x1] =	wrdreg $0xFFFFFFFF  }
0xa7: {  	s28 =	simm.s32 $_size_execute0_lowered;
	s3 =	sadd.s32 s3, s5;
	[dreg:$0x0] =	wrdreg $0x0  }
0xa8: {  	s5 =	sshll.u32 s28, $0x1;
	[dreg:$0x2] =	wrdreg s3  }
0xa9: {  	[dreg:$0x3] =	wrdreg s5  }
0xaa: {  	[dreg:$0x4] =	wrdreg $0xC0  }
0xab: {  	_ =	task [dreg:s7], $0x5FFFF  }
0xac: {  	[dreg:$0x1] =	wrdreg $0xFFFFFFFF  }
0xad: {  	[dreg:$0x0] =	wrdreg $0x60  }
0xae: {  	[dreg:$0x2] =	wrdreg s24  }
0xaf: {  	[dreg:$0x3] =	wrdreg s2  }
0xb0: {  	[dreg:$0x4] =	wrdreg $0x15C200  }
0xb1: {  	[dreg:$0x5] =	wrdreg $0x9  }
0xb2: {  	_ =	task.clear_ibuf [dreg:s7], $0x6FFFF;
	_ =	strace $0x90000046  }
0xb3: {  	s29 =	simm.s32 $0x9;
	_ =	strace $0x80000048  }
0xb4: {  	_ =	swait.ge [sflag:s29], $0x1  }
0xb5: {  	[sflag:s29] =	ssyncadd.s32 $0xFFFFFFFF  }
0xb6: {  	_ =	strace $0x90000048  }
0xb7: {  	_ =	sfence  }
0xb8: {  	s30 =	sld [smem:$0x0];
	_ =	sdelay $0x2  }
0xb9: {  	s31 =	sshll.u32 s1, $0xD;
	s1 =	sshrl.u32 s1, $0x2  }
0xba: {  	s3 =	sand.u32 $0x4000, s31;
	s1 =	sadd.s32 s1, s30  }
0xbb: {  	s0 =	sor.u32 s3, s0;
	s1 =	sshll.u32 s1, $0x11  }
0xbc: {  	s0 =	sor.u32 s1, s0  }
0xbd: {  	s0 =	sadd.s32 $0x8F2B, s0  }
0xbe: {  	[sflag:s0] =	ssyncadd.remote.s32 $0x1  }
0xbf: {  	_ =	sfence.sel $0xFFFF  }
0xc0: {  	[dreg:$0x0] =	wrdreg $0xFFFFFFFF;
	(pc) =	sbr.abs _section_cstart, $3  }
0xc1: {  	[dreg:$0x1] =	wrdreg $0xFFFFFFFF  }
0xc2: {  	_ =	task.clear_ibuf [dreg:s7], $0x2FFFF;
	_ =	strace $0x9FFFFFFF  }
0xc3: {  	(tm) =	ssettm $0x7FFFFFFF  }
tec
execute0_lowered:
.L_overlay_start_1:
0x0: {  	(tag) =	ssettag $0x1  }
0x1: {  	s0 =	rddreg [dreg:$0x0]  }
0x2: {  	s1 =	rddreg [dreg:$0x1]  }
0x3: {  	s2 =	rddreg [dreg:$0x2]  }
0x4: {  	s4 =	srdreg.scid;
	s18 =	stileid.u32;
	s3 =	simm.s32 $0x0  }
0x5: {  	s5 =	sand.u32 $0x1, s4;
	s12 =	sshll.u32 s18, $0x1;
	[smem:$0x7FF] =	sst s3  }
0x6: {  	s4 =	sadd.s32 $0x2800, s0;
	s8 =	sadd.s32 $0x16200, s0;
	s10 =	sadd.s32 $0x29C00, s0  }
0x7: {  	s28 =	smul.u32 $0x4E00, s18;
	p1 =	sgt.u32 s18, $0x1;
	p2 =	sgt.u32 s18, $0x3  }
0x8: {  	s7 =	sor.u32 s5, s12;
	s13 =	ssub.s32 $0x2, s5;
	s12 =	smul.u32 $0x27000, s18  }
0x9: {  	_ =	strace $0x80000047;
	s6 =	smul.u32 $0x4E2, s7;
	s11 =	sshrl.u32 s13, $0x1  }
0xa: {  	s9 =	smul.u32 $0x2700, s7;
	p0 =	seq.s32 s7, $0x7;
	s11 =	ssub.s32 s13, s11  }
0xb: {  	s15 =	sshrl.u32 s12, $0x2;
	s12 =	sshll.u32 s7, $0x4;
	s13 =	smul.u32 $0x9C400, s5  }
0xc: {  	s5 =	smul.u32 $0x2700, s5;
	s7 =	sadd.s32 $0x96400, s2;
	s9 =	sshrl.u32 s9, $0x3  }
0xd: {  	s0 =	sadd.s32 s6, s0;
	s6 =	sadd.s32 s15, s2;
	s14 =	sadd.s32 s8, s9  }
0xe: {  	s9 =	smul.u32 $0x9C00, s18;
	s29 =	sshrl.u32 s13, $0x3;
	s5 =	sadd.s32 s5, s28  }
0xf: {  	[dreg:$0x4] =	wrdreg s14;
	s14 =	sadd.s32 s12, s8;
	s12 =	simm.s32 @p0 $0x6D  }
0x10: {  	p0 =	seq.s32 s18, $0xF;
	s18 =	simm.s32 $0x10E00;
	s16 =	sadd.s32 s9, s13  }
0x11: {  	s15 =	sadd.s32 $0x2000, s9;
	s1 =	sadd.s32 s1, s12;
	s21 =	sadd.s32 $0x4000, s9  }
0x12: {  	s23 =	sadd.s32 $0x6000, s9;
	s30 =	sadd.s32 $0x9C00, s14;
	s31 =	sadd.s32 $0x13840, s14  }
0x13: {  	s14 =	sadd.s32 s9, s2;
	s12 =	simm.s32 $0x6E00;
	[dreg:$0x5] =	wrdreg s1  }
0x14: {  	s17 =	sshrl.u32 s16, $0x3;
	s19 =	sadd.s32 s13, s15;
	[dreg:$0xb] =	wrdreg s30  }
0x15: {  	s22 =	sadd.s32 s13, s21;
	s16 =	sadd.s32 s13, s23;
	[dreg:$0xc] =	wrdreg s31  }
0x16: {  	[dreg:$0xf] =	wrdreg s14;
	s30 =	sadd.s32 $0x2000, s6;
	s31 =	sadd.s32 $0x4000, s6  }
0x17: {  	s14 =	sadd.s32 $0x94400, s2;
	s1 =	sadd.s32 s10, s17;
	s20 =	sshrl.u32 s19, $0x3  }
0x18: {  	s17 =	sadd.s32 $0x8000, s9;
	s24 =	sshrl.u32 s16, $0x3;
	[dreg:$0x1a] =	wrdreg s30  }
0x19: {  	s16 =	sadd.s32 s15, s2;
	s19 =	sadd.s32 $0x4E200, s5;
	[dreg:$0x1b] =	wrdreg s31  }
0x1a: {  	s15 =	sadd.s32 $0x98400, s2;
	s5 =	sadd.s32 $0x9A400, s2;
	[dreg:$0x6] =	wrdreg s1  }
0x1b: {  	s9 =	simm.s32 $0x3;
	s1 =	sadd.s32 s10, s20;
	[dreg:$0x10] =	wrdreg s16  }
0x1c: {  	s25 =	sadd.s32 s13, s17;
	s13 =	sadd.s32 $0x5AC00, s0;
	[dreg:$0x7] =	wrdreg s1  }
0x1d: {  	s0 =	sadd.s32 $0x50E00, s0;
	s20 =	sadd.s32 s21, s2;
	[dreg:$0xd] =	wrdreg s13  }
0x1e: {  	s21 =	sadd.s32 s23, s2;
	s16 =	simm.s32 $0x8E00;
	[dreg:$0xe] =	wrdreg s0  }
0x1f: {  	s1 =	sshrl.u32 s22, $0x3;
	s26 =	sshrl.u32 s25, $0x3;
	[dreg:$0x11] =	wrdreg s20  }
0x20: {  	[dreg:$0x12] =	wrdreg s21;
	s0 =	sshrl.u32 s19, $0x3;
	s22 =	sadd.s32 s17, s2  }
0x21: {  	s13 =	sadd.s32 $0x92400, s2;
	s17 =	simm.s32 $0x1;
	s19 =	simm.s32 $0xAE00  }
0x22: {  	s20 =	simm.s32 $0xCE00;
	s1 =	sadd.s32 s10, s1;
	[dreg:$0x13] =	wrdreg s22  }
0x23: {  	s21 =	simm.s32 $0xEE00;
	[dreg:$0x8] =	wrdreg s1;
	s1 =	sadd.s32 s10, s24  }
0x24: {  	s22 =	sadd.s32 s0, s8;
	[dreg:$0x9] =	wrdreg s1;
	s1 =	sadd.s32 s10, s26  }
0x25: {  	[dreg:$0xa] =	wrdreg s1;
	s1 =	sadd.s32 s10, s29;
	s29 =	smax.u32 s11, $0x1  }
0x26: {  	s0 =	sadd.s32 $0x6000, s6;
	s23 =	sadd.s32 $0x12480, s1;
	[dreg:$0x19] =	wrdreg s29  }
0x27: {  	s8 =	simm.s32 $0x2;
	s24 =	sadd.s32 $0x12880, s1;
	[dreg:$0x14] =	wrdreg s23  }
.Ltmp0:
0x28: {  	s25 =	sadd.s32 $0x12C80, s1;
	[dreg:$0x15] =	wrdreg s24;
	(pc) =	sbr.rel .LBB2_1-.Ltmp0, $4  }
0x29: {  	s10 =	simm.s32 $0x80;
	s26 =	sadd.s32 $0x13080, s1;
	[dreg:$0x16] =	wrdreg s25  }
0x2a: {  	s11 =	simm.s32 $0x4E00;
	s28 =	sadd.s32 $0x13480, s1;
	[dreg:$0x17] =	wrdreg s26  }
0x2b: {  	s1 =	sadd.s32 $0x8000, s6;
	[dreg:$0x18] =	wrdreg s28;
	s23 =	simm.s32 $0x4  }
0x2c: {  	v0 =	vimm.f32 $0.0e+00;
	v1 =	vimm.f32 $1.000000000e+00;
	s24 =	simm.s32 $0x2700;
	s25 =	simm.s32 $0x13510;
	s26 =	simm.s32 $0x0  }
.LBB2_17:
0x2d: {  	[tilespmem:s29+$0x13510] =	vst v0;
	s28 =	rddreg [dreg:$0x5]  }
0x2e: {  	[tilespmem:s24], [sflag:$0x4] =	stream.linear.gather [hbm4b:s28+s3], $0x80, $0x38;
	[tilespmem:$0x1F860] =	vst v63  }
0x2f: {  	_ =	swait.ge [sflag:s23], $0x80  }
0x30: {  	[sflag:s23] =	ssyncset.done $0x0  }
0x31: {  	[sflag:s23] =	ssyncadd.s32 $0xFFFFFF80  }
0x32: {  	v2 =	vld [tilespmem:$0x2700];
	_ =	sdelay $0x7  }
0x33: {  	[tilespmem:v2+s25+$0x0] =	vst.idx.add.f32.msk $0xffff, v1  }
0x34: {  	v2 =	vld [tilespmem:$0x2710];
	_ =	sdelay $0x7  }
0x35: {  	[tilespmem:v2+s25+$0x0] =	vst.idx.add.f32.msk $0xffff, v1  }
0x36: {  	v2 =	vld [tilespmem:$0x2720];
	_ =	sdelay $0x7  }
0x37: {  	[tilespmem:v2+s25+$0x0] =	vst.idx.add.f32.msk $0xffff, v1  }
0x38: {  	v2 =	vld [tilespmem:$0x2730];
	_ =	sdelay $0x7  }
0x39: {  	[tilespmem:v2+s25+$0x0] =	vst.idx.add.f32.msk $0xffff, v1  }
0x3a: {  	v2 =	vld [tilespmem:$0x2740];
	_ =	sdelay $0x7  }
0x3b: {  	[tilespmem:v2+s25+$0x0] =	vst.idx.add.f32.msk $0xffff, v1  }
0x3c: {  	v2 =	vld [tilespmem:$0x2750];
	_ =	sdelay $0x7  }
0x3d: {  	[tilespmem:v2+s25+$0x0] =	vst.idx.add.f32.msk $0xffff, v1  }
0x3e: {  	v2 =	vld [tilespmem:$0x2760];
	_ =	sdelay $0x7  }
0x3f: {  	[tilespmem:v2+s25+$0x0] =	vst.idx.add.f32.msk $0xffff, v1  }
0x40: {  	v2 =	vld [tilespmem:$0x2770];
	_ =	sdelay $0x7  }
0x41: {  	s31 =	rddreg [dreg:$0xd];
	[tilespmem:v2+s25+$0x0] =	vst.idx.add.f32.msk $0xffff, v1  }
0x42: {  	[hbm4b:s31+s3] =	stream.linear.scatter [tilespmem:s25], [sflag:$0x4], $0x2710, $0x38;
	[tilespmem:$0x1F860] =	vst v63  }
0x43: {  	_ =	swait.ge [sflag:s23], $0x2710  }
0x44: {  	[sflag:s23] =	ssyncset.done $0x0  }
0x45: {  	[sflag:s23] =	ssyncadd.s32 $0xFFFFD8F0  }
.LBB2_18:
0x46: {  	s28 =	rddreg [dreg:$0xe]  }
0x47: {  	[hbm4b:s28+s3] =	stream.linear.scatter [tilespmem:s18], [sflag:$0x4], $0x2710, $0x38;
	[tilespmem:$0x1F860] =	vst v63  }
0x48: {  	_ =	swait.ge [sflag:s23], $0x2710  }
0x49: {  	[sflag:s23] =	ssyncset.done $0x0  }
0x4a: {  	[sflag:s23] =	ssyncadd.s32 $0xFFFFD8F0  }
0x4b: {  	s29 =	simm.s32 @p0 $0x4;
	s28 =	simm.s32 @p0 $0x4E00;
	[bflag:$0x0] =	sbarrier.arrive $0xFFFF  }
0x4c: {  	[tilespmem:s28], [sflag:$0x4] =	stream.linear.gather @p0 [spmem:s13], $0x2000, $0x38;
	[tilespmem:$0x1F860] =	vst v63  }
0x4d: {  	_ =	swait.ge @p0 [sflag:s29], $0x2000  }
0x4e: {  	[sflag:s29] =	ssyncset.done @p0 $0x0  }
0x4f: {  	s30 =	simm.s32 @p0 $0x0;
	s31 =	rddreg [dreg:$0x14];
	[sflag:s29] =	ssyncadd.s32 @p0 $0xFFFFE000  }
0x50: {  	[hbm4b:s31+s30] =	stream.linear.scatter @p0 [tilespmem:s28], [sflag:$0x4], $0x2000, $0x38;
	[tilespmem:$0x1F860] =	vst v63  }
0x51: {  	_ =	swait.ge @p0 [sflag:s29], $0x2000  }
0x52: {  	[sflag:s29] =	ssyncset.done @p0 $0x0  }
0x53: {  	[sflag:s29] =	ssyncadd.s32 @p0 $0xFFFFE000  }
0x54: {  	[tilespmem:s28], [sflag:$0x4] =	stream.linear.gather @p0 [spmem:s14], $0x2000, $0x38;
	[tilespmem:$0x1F860] =	vst v63  }
0x55: {  	_ =	swait.ge @p0 [sflag:s29], $0x2000  }
0x56: {  	[sflag:s29] =	ssyncset.done @p0 $0x0  }
0x57: {  	s31 =	rddreg [dreg:$0x15];
	[sflag:s29] =	ssyncadd.s32 @p0 $0xFFFFE000  }
0x58: {  	[hbm4b:s31+s30] =	stream.linear.scatter @p0 [tilespmem:s28], [sflag:$0x4], $0x2000, $0x38;
	[tilespmem:$0x1F860] =	vst v63  }
0x59: {  	_ =	swait.ge @p0 [sflag:s29], $0x2000  }
0x5a: {  	[sflag:s29] =	ssyncset.done @p0 $0x0  }
0x5b: {  	[sflag:s29] =	ssyncadd.s32 @p0 $0xFFFFE000  }
0x5c: {  	[tilespmem:s28], [sflag:$0x4] =	stream.linear.gather @p0 [spmem:s7], $0x2000, $0x38;
	[tilespmem:$0x1F860] =	vst v63  }
0x5d: {  	_ =	swait.ge @p0 [sflag:s29], $0x2000  }
0x5e: {  	[sflag:s29] =	ssyncset.done @p0 $0x0  }
0x5f: {  	s31 =	rddreg [dreg:$0x16];
	[sflag:s29] =	ssyncadd.s32 @p0 $0xFFFFE000  }
0x60: {  	[hbm4b:s31+s30] =	stream.linear.scatter @p0 [tilespmem:s28], [sflag:$0x4], $0x2000, $0x38;
	[tilespmem:$0x1F860] =	vst v63  }
0x61: {  	_ =	swait.ge @p0 [sflag:s29], $0x2000  }
0x62: {  	[sflag:s29] =	ssyncset.done @p0 $0x0  }
0x63: {  	[sflag:s29] =	ssyncadd.s32 @p0 $0xFFFFE000  }
0x64: {  	[tilespmem:s28], [sflag:$0x4] =	stream.linear.gather @p0 [spmem:s15], $0x2000, $0x38;
	[tilespmem:$0x1F860] =	vst v63  }
0x65: {  	_ =	swait.ge @p0 [sflag:s29], $0x2000  }
0x66: {  	[sflag:s29] =	ssyncset.done @p0 $0x0  }
0x67: {  	s31 =	rddreg [dreg:$0x17];
	[sflag:s29] =	ssyncadd.s32 @p0 $0xFFFFE000  }
0x68: {  	[hbm4b:s31+s30] =	stream.linear.scatter @p0 [tilespmem:s28], [sflag:$0x4], $0x2000, $0x38;
	[tilespmem:$0x1F860] =	vst v63  }
0x69: {  	_ =	swait.ge @p0 [sflag:s29], $0x2000  }
0x6a: {  	[sflag:s29] =	ssyncset.done @p0 $0x0  }
0x6b: {  	[sflag:s29] =	ssyncadd.s32 @p0 $0xFFFFE000  }
0x6c: {  	[tilespmem:s28], [sflag:$0x4] =	stream.linear.gather @p0 [spmem:s5], $0x2000, $0x38;
	[tilespmem:$0x1F860] =	vst v63  }
0x6d: {  	_ =	swait.ge @p0 [sflag:s29], $0x2000  }
0x6e: {  	[sflag:s29] =	ssyncset.done @p0 $0x0  }
0x6f: {  	s31 =	rddreg [dreg:$0x18];
	[sflag:s29] =	ssyncadd.s32 @p0 $0xFFFFE000  }
0x70: {  	[hbm4b:s31+s30] =	stream.linear.scatter @p0 [tilespmem:s28], [sflag:$0x4], $0x2000, $0x38;
	[tilespmem:$0x1F860] =	vst v63  }
0x71: {  	_ =	swait.ge @p0 [sflag:s29], $0x2000  }
0x72: {  	[sflag:s29] =	ssyncset.done @p0 $0x0  }
0x73: {  	s28 =	simm.s32 @!p0 $0x4E00;
	[sflag:s29] =	ssyncadd.s32 @p0 $0xFFFFE000;
	s29 =	rddreg [dreg:$0xf]  }
0x74: {  	[tilespmem:s28], [sflag:$0x4] =	stream.linear.gather @!p0 [spmem:s29], $0x2000, $0x38;
	[tilespmem:$0x1F860] =	vst v63  }
0x75: {  	s29 =	simm.s32 @!p0 $0x4  }
0x76: {  	_ =	swait.ge @!p0 [sflag:s29], $0x2000  }
0x77: {  	[sflag:s29] =	ssyncset.done @!p0 $0x0  }
0x78: {  	s30 =	simm.s32 @!p0 $0x0;
	s31 =	rddreg [dreg:$0x6];
	[sflag:s29] =	ssyncadd.s32 @!p0 $0xFFFFE000  }
0x79: {  	[hbm4b:s31+s30] =	stream.linear.scatter @!p0 [tilespmem:s28], [sflag:$0x4], $0x2000, $0x38;
	[tilespmem:$0x1F860] =	vst v63  }
0x7a: {  	_ =	swait.ge @!p0 [sflag:s29], $0x2000  }
0x7b: {  	[sflag:s29] =	ssyncset.done @!p0 $0x0  }
0x7c: {  	s31 =	rddreg [dreg:$0x10];
	[sflag:s29] =	ssyncadd.s32 @!p0 $0xFFFFE000  }
0x7d: {  	[tilespmem:s28], [sflag:$0x4] =	stream.linear.gather @!p0 [spmem:s31], $0x2000, $0x38;
	[tilespmem:$0x1F860] =	vst v63  }
0x7e: {  	_ =	swait.ge @!p0 [sflag:s29], $0x2000  }
0x7f: {  	[sflag:s29] =	ssyncset.done @!p0 $0x0  }
0x80: {  	s31 =	rddreg [dreg:$0x7];
	[sflag:s29] =	ssyncadd.s32 @!p0 $0xFFFFE000  }
0x81: {  	[hbm4b:s31+s30] =	stream.linear.scatter @!p0 [tilespmem:s28], [sflag:$0x4], $0x2000, $0x38;
	[tilespmem:$0x1F860] =	vst v63  }
0x82: {  	_ =	swait.ge @!p0 [sflag:s29], $0x2000  }
0x83: {  	[sflag:s29] =	ssyncset.done @!p0 $0x0  }
0x84: {  	s31 =	rddreg [dreg:$0x11];
	[sflag:s29] =	ssyncadd.s32 @!p0 $0xFFFFE000  }
0x85: {  	[tilespmem:s28], [sflag:$0x4] =	stream.linear.gather @!p0 [spmem:s31], $0x2000, $0x38;
	[tilespmem:$0x1F860] =	vst v63  }
0x86: {  	_ =	swait.ge @!p0 [sflag:s29], $0x2000  }
0x87: {  	[sflag:s29] =	ssyncset.done @!p0 $0x0  }
0x88: {  	s31 =	rddreg [dreg:$0x8];
	[sflag:s29] =	ssyncadd.s32 @!p0 $0xFFFFE000  }
0x89: {  	[hbm4b:s31+s30] =	stream.linear.scatter @!p0 [tilespmem:s28], [sflag:$0x4], $0x2000, $0x38;
	[tilespmem:$0x1F860] =	vst v63  }
0x8a: {  	_ =	swait.ge @!p0 [sflag:s29], $0x2000  }
0x8b: {  	[sflag:s29] =	ssyncset.done @!p0 $0x0  }
0x8c: {  	s31 =	rddreg [dreg:$0x12];
	[sflag:s29] =	ssyncadd.s32 @!p0 $0xFFFFE000  }
0x8d: {  	[tilespmem:s28], [sflag:$0x4] =	stream.linear.gather @!p0 [spmem:s31], $0x2000, $0x38;
	[tilespmem:$0x1F860] =	vst v63  }
0x8e: {  	_ =	swait.ge @!p0 [sflag:s29], $0x2000  }
0x8f: {  	[sflag:s29] =	ssyncset.done @!p0 $0x0  }
0x90: {  	s31 =	rddreg [dreg:$0x9];
	[sflag:s29] =	ssyncadd.s32 @!p0 $0xFFFFE000  }
0x91: {  	[hbm4b:s31+s30] =	stream.linear.scatter @!p0 [tilespmem:s28], [sflag:$0x4], $0x2000, $0x38;
	[tilespmem:$0x1F860] =	vst v63  }
0x92: {  	_ =	swait.ge @!p0 [sflag:s29], $0x2000  }
0x93: {  	[sflag:s29] =	ssyncset.done @!p0 $0x0  }
0x94: {  	s31 =	rddreg [dreg:$0x13];
	[sflag:s29] =	ssyncadd.s32 @!p0 $0xFFFFE000  }
0x95: {  	[tilespmem:s28], [sflag:$0x4] =	stream.linear.gather @!p0 [spmem:s31], $0x1C00, $0x38;
	[tilespmem:$0x1F860] =	vst v63  }
0x96: {  	_ =	swait.ge @!p0 [sflag:s29], $0x1C00  }
0x97: {  	[sflag:s29] =	ssyncset.done @!p0 $0x0  }
0x98: {  	s31 =	rddreg [dreg:$0xa];
	[sflag:s29] =	ssyncadd.s32 @!p0 $0xFFFFE400  }
0x99: {  	[hbm4b:s31+s30] =	stream.linear.scatter @!p0 [tilespmem:s28], [sflag:$0x4], $0x1C00, $0x38;
	[tilespmem:$0x1F860] =	vst v63  }
0x9a: {  	_ =	swait.ge @!p0 [sflag:s29], $0x1C00  }
0x9b: {  	s26 =	sadd.s32 $0x1, s26;
	s31 =	rddreg [dreg:$0x19]  }
0x9c: {  	p3 =	sne.s32 s26, s31  }
.Ltmp1:
0x9d: {  	_ = 	snop;
	(pc) =	sbr.rel @!p3 .LBB2_19-.Ltmp1, $3  }
0x9e: {  	_ =	sdelay $0x1  }
0x9f: {  	[sflag:s29] =	ssyncset.done @!p0 $0x0  }
0xa0: {  	[sflag:s29] =	ssyncadd.s32 @!p0 $0xFFFFE400  }
.LBB2_1:
0xa1: {  	s28 =	rddreg [dreg:$0x4]  }
0xa2: {  	[tilespmem:s3], [sflag:$0x2] =	stream.linear.gather [hbm4b:s28+s3], $0x2700, $0x38;
	[tilespmem:$0x1F860] =	vst v63  }
0xa3: {  	s28 =	sadd.s32 $0x0, s22  }
0xa4: {  	[tilespmem:s24], [sflag:$0x3] =	stream.linear.gather [hbm4b:s28+s3], $0x80, $0x38;
	[tilespmem:$0x1F860] =	vst v63  }
0xa5: {  	s29 =	simm.s32 $0x2700;
	s28 =	simm.s32 $0x10  }
.LBB2_2:
0xa6: {  	p3 =	sne.s32 s28, $0x4D0  }
.Ltmp2:
0xa7: {  	_ = 	snop;
	(pc) =	sbr.rel @p3 .LBB2_2-.Ltmp2, $4  }
0xa8: {  	_ = 	snop  }
0xa9: {  	s30 =	sadd.s32 s28, s22;
	s29 =	sadd.s32 $0x80, s29  }
0xaa: {  	s31 =	simm.s32 $0x0;
	s28 =	sadd.s32 $0x10, s28  }
0xab: {  	[tilespmem:s29], [sflag:$0x3] =	stream.linear.gather [hbm4b:s30+s31], $0x80, $0x38;
	[tilespmem:$0x1F860] =	vst v63  }
0xac: {  	s29 =	simm.s32 $0x100;
	s28 =	simm.s32 $0x0  }
.LBB2_4:
0xad: {  	p3 =	sne.s32 s29, $0x7F00;
	[tilespmem:s28+$0x4E30] =	vst v0;
	s30 =	smov.u32 s29;
	s29 =	sadd.s32 $0x100, s29  }
.Ltmp3:
0xae: {  	[tilespmem:s28+$0x4E20] =	vst v0;
	(pc) =	sbr.rel @p3 .LBB2_4-.Ltmp3, $3  }
0xaf: {  	[tilespmem:s28+$0x4E00] =	vst v0  }
0xb0: {  	[tilespmem:s28+$0x4E10] =	vst v0;
	_ =	sdelay $0x1  }
0xb1: {  	s28 =	sshra.s32 s30, $0x2  }
0xb2: {  	[tilespmem:s28+$0x4E30] =	vst v0  }
0xb3: {  	[tilespmem:s28+$0x4E20] =	vst v0  }
0xb4: {  	[tilespmem:s28+$0x4E00] =	vst v0  }
0xb5: {  	[tilespmem:s28+$0x4E10] =	vst v0;
	s28 =	simm.s32 @p0 $0x4E00;
	s29 =	simm.s32 @p0 $0x4  }
0xb6: {  	[spmem:s13] =	stream.linear.scatter @p0 [tilespmem:s28], [sflag:$0x4], $0x2000, $0x38;
	[tilespmem:$0x1F860] =	vst v63  }
0xb7: {  	_ =	swait.ge @p0 [sflag:s29], $0x2000  }
0xb8: {  	[sflag:s29] =	ssyncset.done @p0 $0x0  }
0xb9: {  	[sflag:s29] =	ssyncadd.s32 @p0 $0xFFFFE000  }
0xba: {  	[spmem:s14] =	stream.linear.scatter @p0 [tilespmem:s28], [sflag:$0x4], $0x2000, $0x38;
	[tilespmem:$0x1F860] =	vst v63  }
0xbb: {  	_ =	swait.ge @p0 [sflag:s29], $0x2000  }
0xbc: {  	[sflag:s29] =	ssyncset.done @p0 $0x0  }
0xbd: {  	[sflag:s29] =	ssyncadd.s32 @p0 $0xFFFFE000  }
0xbe: {  	[spmem:s7] =	stream.linear.scatter @p0 [tilespmem:s28], [sflag:$0x4], $0x2000, $0x38;
	[tilespmem:$0x1F860] =	vst v63  }
0xbf: {  	_ =	swait.ge @p0 [sflag:s29], $0x2000  }
0xc0: {  	[sflag:s29] =	ssyncset.done @p0 $0x0  }
0xc1: {  	[sflag:s29] =	ssyncadd.s32 @p0 $0xFFFFE000  }
0xc2: {  	[spmem:s15] =	stream.linear.scatter @p0 [tilespmem:s28], [sflag:$0x4], $0x2000, $0x38;
	[tilespmem:$0x1F860] =	vst v63  }
0xc3: {  	_ =	swait.ge @p0 [sflag:s29], $0x2000  }
0xc4: {  	[sflag:s29] =	ssyncset.done @p0 $0x0  }
0xc5: {  	[sflag:s29] =	ssyncadd.s32 @p0 $0xFFFFE000  }
0xc6: {  	[spmem:s5] =	stream.linear.scatter @p0 [tilespmem:s28], [sflag:$0x4], $0x2000, $0x38;
	[tilespmem:$0x1F860] =	vst v63  }
0xc7: {  	_ =	swait.ge @p0 [sflag:s29], $0x2000  }
0xc8: {  	[sflag:s29] =	ssyncset.done @p0 $0x0  }
0xc9: {  	s28 =	simm.s32 @!p0 $0x4E00;
	[sflag:s29] =	ssyncadd.s32 @p0 $0xFFFFE000;
	s29 =	simm.s32 @!p0 $0x4  }
0xca: {  	[spmem:s6] =	stream.linear.scatter @!p0 [tilespmem:s28], [sflag:$0x4], $0x2000, $0x38;
	[tilespmem:$0x1F860] =	vst v63  }
0xcb: {  	_ =	swait.ge @!p0 [sflag:s29], $0x2000  }
0xcc: {  	[sflag:s29] =	ssyncset.done @!p0 $0x0  }
0xcd: {  	s30 =	rddreg [dreg:$0x1a];
	[sflag:s29] =	ssyncadd.s32 @!p0 $0xFFFFE000  }
0xce: {  	[spmem:s30] =	stream.linear.scatter @!p0 [tilespmem:s28], [sflag:$0x4], $0x2000, $0x38;
	[tilespmem:$0x1F860] =	vst v63  }
0xcf: {  	_ =	swait.ge @!p0 [sflag:s29], $0x2000  }
0xd0: {  	[sflag:s29] =	ssyncset.done @!p0 $0x0  }
0xd1: {  	s30 =	rddreg [dreg:$0x1b];
	[sflag:s29] =	ssyncadd.s32 @!p0 $0xFFFFE000  }
0xd2: {  	[spmem:s30] =	stream.linear.scatter @!p0 [tilespmem:s28], [sflag:$0x4], $0x2000, $0x38;
	[tilespmem:$0x1F860] =	vst v63  }
0xd3: {  	_ =	swait.ge @!p0 [sflag:s29], $0x2000  }
0xd4: {  	[sflag:s29] =	ssyncset.done @!p0 $0x0  }
0xd5: {  	[sflag:s29] =	ssyncadd.s32 @!p0 $0xFFFFE000  }
0xd6: {  	[spmem:s0] =	stream.linear.scatter @!p0 [tilespmem:s28], [sflag:$0x4], $0x2000, $0x38;
	[tilespmem:$0x1F860] =	vst v63  }
0xd7: {  	_ =	swait.ge @!p0 [sflag:s29], $0x2000  }
0xd8: {  	[sflag:s29] =	ssyncset.done @!p0 $0x0  }
0xd9: {  	[sflag:s29] =	ssyncadd.s32 @!p0 $0xFFFFE000  }
0xda: {  	[spmem:s1] =	stream.linear.scatter @!p0 [tilespmem:s28], [sflag:$0x4], $0x1C00, $0x38;
	[tilespmem:$0x1F860] =	vst v63  }
0xdb: {  	_ =	swait.ge @!p0 [sflag:s29], $0x1C00  }
0xdc: {  	[sflag:s29] =	ssyncset.done @!p0 $0x0  }
0xdd: {  	s28 =	simm.s32 $0x40;
	[sflag:s29] =	ssyncadd.s32 @!p0 $0xFFFFE400;
	s29 =	simm.s32 $0x0  }
.LBB2_6:
0xde: {  	p3 =	sne.s32 s28, $0x9C00;
	[tilespmem:s29+$0x10E00] =	vst v0;
	s29 =	smov.u32 s28;
	s28 =	sadd.s32 $0x40, s28  }
.Ltmp4:
0xdf: {  	(pc) =	sbr.rel @p3 .LBB2_6-.Ltmp4, $2  }
0xe0: {  	_ =	sdelay $0x2  }
0xe1: {  	s29 =	sshra.s32 s29, $0x2  }
0xe2: {  	[tilespmem:s29+$0x10E00] =	vst v0  }
0xe3: {  	_ =	swait.ge [sflag:s8], $0x2700  }
0xe4: {  	[sflag:s8] =	ssyncset.done $0x0  }
0xe5: {  	[sflag:s8] =	ssyncadd.s32 $0xFFFFD900  }
0xe6: {  	_ =	swait.ge [sflag:s9], $0x80  }
0xe7: {  	s28 =	simm.s32 $0x4D;
	[sflag:s9] =	ssyncset.done $0x0  }
.LBB2_8:
0xe8: {  	p3 =	sne.s32 s28, $0x1;
	s28 =	sadd.s32 $0xFFFFFFFF, s28;
	[sflag:s9] =	ssyncadd.s32 $0xFFFFFF80  }
.Ltmp5:
0xe9: {  	(pc) =	sbr.rel @p3 .LBB2_8-.Ltmp5, $3  }
0xea: {  	_ =	sdelay $0x1  }
0xeb: {  	_ =	swait.ge [sflag:s9], $0x80  }
0xec: {  	[sflag:s9] =	ssyncset.done $0x0  }
0xed: {  	[sflag:s9] =	ssyncadd.s32 $0xFFFFFF80  }
0xee: {  	s28 =	simm.s32 $0x0;
	[bflag:$0x0] =	sbarrier.arrive $0xFFFF  }
0xef: {  	[tilespmem:s11], [sflag:$0x1] =	stream.indirect.gather [hbm4b:s4+s10], $0x40, s28, s10, $0xb8;
	[tilespmem:$0x1F860] =	vst v63  }
0xf0: {  	_ = 	snop  }
0xf1: {  	[tilespmem:s12], [sflag:$0x1] =	stream.indirect.gather [hbm4b:s4+s10], $0x40, s10, s10, $0xb8;
	[tilespmem:$0x1F860] =	vst v63  }
0xf2: {  	s29 =	simm.s32 $0x100  }
0xf3: {  	[tilespmem:s16], [sflag:$0x1] =	stream.indirect.gather [hbm4b:s4+s10], $0x40, s29, s10, $0xb8;
	[tilespmem:$0x1F860] =	vst v63  }
.LBB2_10:
0xf4: {  	_ =	swait.ge [sflag:s17], $0x2000  }
0xf5: {  	[sflag:s17] =	ssyncset.done $0x0  }
0xf6: {  	[sflag:s17] =	ssyncadd.s32 $0xFFFFE000  }
0xf7: {  	_ =	swait.ge [sflag:s17], $0x2000  }
0xf8: {  	[sflag:s17] =	ssyncset.done $0x0  }
0xf9: {  	[sflag:s17] =	ssyncadd.s32 $0xFFFFE000  }
0xfa: {  	_ =	swait.ge [sflag:s17], $0x2000  }
0xfb: {  	s29 =	sshra.s32 s28, $0x2;
	[sflag:s17] =	ssyncset.done $0x0  }
0xfc: {  	s30 =	sadd.s32 $0x2700, s29;
	[sflag:s17] =	ssyncadd.s32 $0xFFFFE000  }
0xfd: {  	[spmem:s2] =	stream.indirect.scatter.add.f32 [tilespmem:s11], [sflag:$0x2], $0x40, s30, s10, $0xb8;
	[tilespmem:$0x1F860] =	vst v63  }
0xfe: {  	s31 =	sadd.s32 $0x2780, s29  }
0xff: {  	[spmem:s2] =	stream.indirect.scatter.add.f32 [tilespmem:s12], [sflag:$0x2], $0x40, s31, s10, $0xb8;
	[tilespmem:$0x1F860] =	vst v63  }
0x100: {  	s31 =	sadd.s32 $0x2800, s29  }
0x101: {  	[spmem:s2] =	stream.indirect.scatter.add.f32 [tilespmem:s16], [sflag:$0x2], $0x40, s31, s10, $0xb8;
	[tilespmem:$0x1F860] =	vst v63  }
0x102: {  	v2 =	vld [tilespmem:s29+$0x2700];
	_ =	sdelay $0x7  }
0x103: {  	[tilespmem:v2+s18+$0x0] =	vst.idx.add.f32.msk $0xffff, v1  }
0x104: {  	v2 =	vld [tilespmem:s29+$0x2710];
	_ =	sdelay $0x7  }
0x105: {  	[tilespmem:v2+s18+$0x0] =	vst.idx.add.f32.msk $0xffff, v1  }
0x106: {  	v2 =	vld [tilespmem:s29+$0x2720];
	_ =	sdelay $0x7  }
0x107: {  	[tilespmem:v2+s18+$0x0] =	vst.idx.add.f32.msk $0xffff, v1  }
0x108: {  	v2 =	vld [tilespmem:s29+$0x2730];
	_ =	sdelay $0x7  }
0x109: {  	[tilespmem:v2+s18+$0x0] =	vst.idx.add.f32.msk $0xffff, v1  }
0x10a: {  	v2 =	vld [tilespmem:s29+$0x2740];
	_ =	sdelay $0x7  }
0x10b: {  	[tilespmem:v2+s18+$0x0] =	vst.idx.add.f32.msk $0xffff, v1  }
0x10c: {  	v2 =	vld [tilespmem:s29+$0x2750];
	_ =	sdelay $0x7  }
0x10d: {  	[tilespmem:v2+s18+$0x0] =	vst.idx.add.f32.msk $0xffff, v1  }
0x10e: {  	v2 =	vld [tilespmem:s29+$0x2760];
	_ =	sdelay $0x7  }
0x10f: {  	[tilespmem:v2+s18+$0x0] =	vst.idx.add.f32.msk $0xffff, v1  }
0x110: {  	v2 =	vld [tilespmem:s29+$0x2770];
	_ =	sdelay $0x7  }
0x111: {  	[tilespmem:v2+s18+$0x0] =	vst.idx.add.f32.msk $0xffff, v1  }
0x112: {  	v2 =	vld [tilespmem:s29+$0x2780];
	_ =	sdelay $0x7  }
0x113: {  	[tilespmem:v2+s18+$0x0] =	vst.idx.add.f32.msk $0xffff, v1  }
0x114: {  	v2 =	vld [tilespmem:s29+$0x2790];
	_ =	sdelay $0x7  }
0x115: {  	[tilespmem:v2+s18+$0x0] =	vst.idx.add.f32.msk $0xffff, v1  }
0x116: {  	v2 =	vld [tilespmem:s29+$0x27A0];
	_ =	sdelay $0x7  }
0x117: {  	[tilespmem:v2+s18+$0x0] =	vst.idx.add.f32.msk $0xffff, v1  }
0x118: {  	v2 =	vld [tilespmem:s29+$0x27B0];
	_ =	sdelay $0x7  }
0x119: {  	[tilespmem:v2+s18+$0x0] =	vst.idx.add.f32.msk $0xffff, v1  }
0x11a: {  	v2 =	vld [tilespmem:s29+$0x27C0];
	_ =	sdelay $0x7  }
0x11b: {  	[tilespmem:v2+s18+$0x0] =	vst.idx.add.f32.msk $0xffff, v1  }
0x11c: {  	v2 =	vld [tilespmem:s29+$0x27D0];
	_ =	sdelay $0x7  }
0x11d: {  	[tilespmem:v2+s18+$0x0] =	vst.idx.add.f32.msk $0xffff, v1  }
0x11e: {  	v2 =	vld [tilespmem:s29+$0x27E0];
	_ =	sdelay $0x7  }
0x11f: {  	[tilespmem:v2+s18+$0x0] =	vst.idx.add.f32.msk $0xffff, v1  }
0x120: {  	v2 =	vld [tilespmem:s29+$0x27F0];
	_ =	sdelay $0x7  }
0x121: {  	[tilespmem:v2+s18+$0x0] =	vst.idx.add.f32.msk $0xffff, v1  }
0x122: {  	v2 =	vld [tilespmem:s29+$0x2800];
	_ =	sdelay $0x7  }
0x123: {  	[tilespmem:v2+s18+$0x0] =	vst.idx.add.f32.msk $0xffff, v1  }
0x124: {  	v2 =	vld [tilespmem:s29+$0x2810];
	_ =	sdelay $0x7  }
0x125: {  	[tilespmem:v2+s18+$0x0] =	vst.idx.add.f32.msk $0xffff, v1  }
0x126: {  	v2 =	vld [tilespmem:s29+$0x2820];
	_ =	sdelay $0x7  }
0x127: {  	[tilespmem:v2+s18+$0x0] =	vst.idx.add.f32.msk $0xffff, v1  }
0x128: {  	v2 =	vld [tilespmem:s29+$0x2830];
	_ =	sdelay $0x7  }
0x129: {  	[tilespmem:v2+s18+$0x0] =	vst.idx.add.f32.msk $0xffff, v1  }
0x12a: {  	v2 =	vld [tilespmem:s29+$0x2840];
	_ =	sdelay $0x7  }
0x12b: {  	[tilespmem:v2+s18+$0x0] =	vst.idx.add.f32.msk $0xffff, v1  }
0x12c: {  	v2 =	vld [tilespmem:s29+$0x2850];
	_ =	sdelay $0x7  }
0x12d: {  	[tilespmem:v2+s18+$0x0] =	vst.idx.add.f32.msk $0xffff, v1  }
0x12e: {  	v2 =	vld [tilespmem:s29+$0x2860];
	_ =	sdelay $0x7  }
0x12f: {  	[tilespmem:v2+s18+$0x0] =	vst.idx.add.f32.msk $0xffff, v1  }
0x130: {  	v2 =	vld [tilespmem:s29+$0x2870];
	_ =	sdelay $0x6  }
0x131: {  	p3 =	seq.s32 s28, $0x0  }
0x132: {  	s30 =	simm.s32 @!p3 $0x3;
	[tilespmem:v2+s18+$0x0] =	vst.idx.add.f32.msk $0xffff, v1  }
0x133: {  	_ =	swait.ge @!p3 [sflag:s30], $0x2000  }
0x134: {  	[sflag:s30] =	ssyncset.done @!p3 $0x0  }
0x135: {  	[sflag:s30] =	ssyncadd.s32 @!p3 $0xFFFFE000  }
0x136: {  	_ =	swait.ge @!p3 [sflag:s30], $0x2000  }
0x137: {  	[sflag:s30] =	ssyncset.done @!p3 $0x0  }
0x138: {  	[sflag:s30] =	ssyncadd.s32 @!p3 $0xFFFFE000  }
0x139: {  	_ =	swait.ge @!p3 [sflag:s30], $0x2000  }
0x13a: {  	[sflag:s30] =	ssyncset.done @!p3 $0x0  }
0x13b: {  	s31 =	sadd.s32 $0x180, s29;
	[sflag:s30] =	ssyncadd.s32 @!p3 $0xFFFFE000  }
0x13c: {  	[tilespmem:s19], [sflag:$0x1] =	stream.indirect.gather [hbm4b:s4+s10], $0x40, s31, s10, $0xb8;
	[tilespmem:$0x1F860] =	vst v63  }
0x13d: {  	s31 =	sadd.s32 $0x200, s29  }
0x13e: {  	[tilespmem:s20], [sflag:$0x1] =	stream.indirect.gather [hbm4b:s4+s10], $0x40, s31, s10, $0xb8;
	[tilespmem:$0x1F860] =	vst v63  }
0x13f: {  	s31 =	sadd.s32 $0x280, s29  }
0x140: {  	[tilespmem:s21], [sflag:$0x1] =	stream.indirect.gather [hbm4b:s4+s10], $0x40, s31, s10, $0xb8;
	[tilespmem:$0x1F860] =	vst v63  }
0x141: {  	_ =	swait.ge [sflag:s17], $0x2000  }
0x142: {  	[sflag:s17] =	ssyncset.done $0x0  }
0x143: {  	[sflag:s17] =	ssyncadd.s32 $0xFFFFE000  }
0x144: {  	_ =	swait.ge [sflag:s17], $0x2000  }
0x145: {  	[sflag:s17] =	ssyncset.done $0x0  }
0x146: {  	[sflag:s17] =	ssyncadd.s32 $0xFFFFE000  }
0x147: {  	_ =	swait.ge [sflag:s17], $0x2000  }
0x148: {  	[sflag:s17] =	ssyncset.done $0x0  }
0x149: {  	s31 =	sadd.s32 $0x2880, s29;
	[sflag:s17] =	ssyncadd.s32 $0xFFFFE000  }
0x14a: {  	[spmem:s2] =	stream.indirect.scatter.add.f32 [tilespmem:s19], [sflag:$0x3], $0x40, s31, s10, $0xb8;
	[tilespmem:$0x1F860] =	vst v63  }
0x14b: {  	s31 =	sadd.s32 $0x2900, s29  }
0x14c: {  	[spmem:s2] =	stream.indirect.scatter.add.f32 [tilespmem:s20], [sflag:$0x3], $0x40, s31, s10, $0xb8;
	[tilespmem:$0x1F860] =	vst v63  }
0x14d: {  	s31 =	sadd.s32 $0x2980, s29  }
0x14e: {  	[spmem:s2] =	stream.indirect.scatter.add.f32 [tilespmem:s21], [sflag:$0x3], $0x40, s31, s10, $0xb8;
	[tilespmem:$0x1F860] =	vst v63  }
0x14f: {  	v2 =	vld [tilespmem:s29+$0x2880];
	_ =	sdelay $0x7  }
0x150: {  	[tilespmem:v2+s18+$0x0] =	vst.idx.add.f32.msk $0xffff, v1  }
0x151: {  	v2 =	vld [tilespmem:s29+$0x2890];
	_ =	sdelay $0x7  }
0x152: {  	[tilespmem:v2+s18+$0x0] =	vst.idx.add.f32.msk $0xffff, v1  }
0x153: {  	v2 =	vld [tilespmem:s29+$0x28A0];
	_ =	sdelay $0x7  }
0x154: {  	[tilespmem:v2+s18+$0x0] =	vst.idx.add.f32.msk $0xffff, v1  }
0x155: {  	v2 =	vld [tilespmem:s29+$0x28B0];
	_ =	sdelay $0x7  }
0x156: {  	[tilespmem:v2+s18+$0x0] =	vst.idx.add.f32.msk $0xffff, v1  }
0x157: {  	v2 =	vld [tilespmem:s29+$0x28C0];
	_ =	sdelay $0x7  }
0x158: {  	[tilespmem:v2+s18+$0x0] =	vst.idx.add.f32.msk $0xffff, v1  }
0x159: {  	v2 =	vld [tilespmem:s29+$0x28D0];
	_ =	sdelay $0x7  }
0x15a: {  	[tilespmem:v2+s18+$0x0] =	vst.idx.add.f32.msk $0xffff, v1  }
0x15b: {  	v2 =	vld [tilespmem:s29+$0x28E0];
	_ =	sdelay $0x7  }
0x15c: {  	[tilespmem:v2+s18+$0x0] =	vst.idx.add.f32.msk $0xffff, v1  }
0x15d: {  	v2 =	vld [tilespmem:s29+$0x28F0];
	_ =	sdelay $0x7  }
0x15e: {  	[tilespmem:v2+s18+$0x0] =	vst.idx.add.f32.msk $0xffff, v1  }
0x15f: {  	v2 =	vld [tilespmem:s29+$0x2900];
	_ =	sdelay $0x7  }
0x160: {  	[tilespmem:v2+s18+$0x0] =	vst.idx.add.f32.msk $0xffff, v1  }
0x161: {  	v2 =	vld [tilespmem:s29+$0x2910];
	_ =	sdelay $0x7  }
0x162: {  	[tilespmem:v2+s18+$0x0] =	vst.idx.add.f32.msk $0xffff, v1  }
0x163: {  	v2 =	vld [tilespmem:s29+$0x2920];
	_ =	sdelay $0x7  }
0x164: {  	[tilespmem:v2+s18+$0x0] =	vst.idx.add.f32.msk $0xffff, v1  }
0x165: {  	v2 =	vld [tilespmem:s29+$0x2930];
	_ =	sdelay $0x7  }
0x166: {  	[tilespmem:v2+s18+$0x0] =	vst.idx.add.f32.msk $0xffff, v1  }
0x167: {  	v2 =	vld [tilespmem:s29+$0x2940];
	_ =	sdelay $0x7  }
0x168: {  	[tilespmem:v2+s18+$0x0] =	vst.idx.add.f32.msk $0xffff, v1  }
0x169: {  	v2 =	vld [tilespmem:s29+$0x2950];
	_ =	sdelay $0x7  }
0x16a: {  	[tilespmem:v2+s18+$0x0] =	vst.idx.add.f32.msk $0xffff, v1  }
0x16b: {  	v2 =	vld [tilespmem:s29+$0x2960];
	_ =	sdelay $0x7  }
0x16c: {  	[tilespmem:v2+s18+$0x0] =	vst.idx.add.f32.msk $0xffff, v1  }
0x16d: {  	v2 =	vld [tilespmem:s29+$0x2970];
	_ =	sdelay $0x7  }
0x16e: {  	[tilespmem:v2+s18+$0x0] =	vst.idx.add.f32.msk $0xffff, v1  }
0x16f: {  	v2 =	vld [tilespmem:s29+$0x2980];
	_ =	sdelay $0x7  }
0x170: {  	[tilespmem:v2+s18+$0x0] =	vst.idx.add.f32.msk $0xffff, v1  }
0x171: {  	v2 =	vld [tilespmem:s29+$0x2990];
	_ =	sdelay $0x7  }
0x172: {  	[tilespmem:v2+s18+$0x0] =	vst.idx.add.f32.msk $0xffff, v1  }
0x173: {  	v2 =	vld [tilespmem:s29+$0x29A0];
	_ =	sdelay $0x7  }
0x174: {  	[tilespmem:v2+s18+$0x0] =	vst.idx.add.f32.msk $0xffff, v1  }
0x175: {  	v2 =	vld [tilespmem:s29+$0x29B0];
	_ =	sdelay $0x7  }
0x176: {  	[tilespmem:v2+s18+$0x0] =	vst.idx.add.f32.msk $0xffff, v1  }
0x177: {  	v2 =	vld [tilespmem:s29+$0x29C0];
	_ =	sdelay $0x7  }
0x178: {  	[tilespmem:v2+s18+$0x0] =	vst.idx.add.f32.msk $0xffff, v1  }
0x179: {  	v2 =	vld [tilespmem:s29+$0x29D0];
	_ =	sdelay $0x7  }
0x17a: {  	[tilespmem:v2+s18+$0x0] =	vst.idx.add.f32.msk $0xffff, v1  }
0x17b: {  	v2 =	vld [tilespmem:s29+$0x29E0];
	_ =	sdelay $0x7  }
0x17c: {  	[tilespmem:v2+s18+$0x0] =	vst.idx.add.f32.msk $0xffff, v1  }
0x17d: {  	v2 =	vld [tilespmem:s29+$0x29F0];
	_ =	sdelay $0x7  }
0x17e: {  	[tilespmem:v2+s18+$0x0] =	vst.idx.add.f32.msk $0xffff, v1  }
0x17f: {  	_ =	swait.ge [sflag:s8], $0x2000  }
0x180: {  	[sflag:s8] =	ssyncset.done $0x0  }
0x181: {  	[sflag:s8] =	ssyncadd.s32 $0xFFFFE000  }
0x182: {  	p3 =	seq.s32 s28, $0x9000;
	_ =	swait.ge [sflag:s8], $0x2000  }
.Ltmp6:
0x183: {  	[sflag:s8] =	ssyncset.done $0x0;
	(pc) =	sbr.rel @p3 .LBB2_12-.Ltmp6, $4  }
0x184: {  	[sflag:s8] =	ssyncadd.s32 $0xFFFFE000  }
0x185: {  	_ =	swait.ge [sflag:s8], $0x2000  }
0x186: {  	[sflag:s8] =	ssyncset.done $0x0  }
0x187: {  	[sflag:s8] =	ssyncadd.s32 $0xFFFFE000  }
0x188: {  	s30 =	sadd.s32 $0x300, s29  }
0x189: {  	[tilespmem:s11], [sflag:$0x1] =	stream.indirect.gather [hbm4b:s4+s10], $0x40, s30, s10, $0xb8;
	[tilespmem:$0x1F860] =	vst v63  }
.Ltmp7:
0x18a: {  	_ = 	snop;
	(pc) =	sbr.rel .LBB2_10-.Ltmp7, $4  }
0x18b: {  	s31 =	sadd.s32 $0x380, s29  }
0x18c: {  	[tilespmem:s12], [sflag:$0x1] =	stream.indirect.gather [hbm4b:s4+s10], $0x40, s31, s10, $0xb8;
	[tilespmem:$0x1F860] =	vst v63  }
0x18d: {  	s28 =	sadd.s32 $0xC00, s28;
	s31 =	sadd.s32 $0x400, s29  }
0x18e: {  	[tilespmem:s16], [sflag:$0x1] =	stream.indirect.gather [hbm4b:s4+s10], $0x40, s31, s10, $0xb8;
	[tilespmem:$0x1F860] =	vst v63  }
.LBB2_12:
0x18f: {  	_ =	swait.ge [sflag:s9], $0x2000  }
0x190: {  	[sflag:s9] =	ssyncset.done $0x0  }
0x191: {  	[sflag:s9] =	ssyncadd.s32 $0xFFFFE000  }
0x192: {  	_ =	swait.ge [sflag:s9], $0x2000  }
.Ltmp8:
0x193: {  	[sflag:s9] =	ssyncset.done $0x0;
	(pc) =	sbr.rel @p1 .LBB2_14-.Ltmp8, $4  }
0x194: {  	[sflag:s9] =	ssyncadd.s32 $0xFFFFE000  }
0x195: {  	_ =	swait.ge [sflag:s9], $0x2000  }
0x196: {  	[sflag:s9] =	ssyncset.done $0x0  }
0x197: {  	[sflag:s9] =	ssyncadd.s32 $0xFFFFE000  }
0x198: {  	s28 =	rddreg [dreg:$0xb]  }
0x199: {  	[tilespmem:s3], [sflag:$0x4] =	stream.linear.gather [hbm4b:s28+s3], $0x80, $0x38;
	[tilespmem:$0x1F860] =	vst v63  }
0x19a: {  	_ =	swait.ge [sflag:s23], $0x80  }
0x19b: {  	[sflag:s23] =	ssyncset.done $0x0  }
0x19c: {  	s31 =	rddreg [dreg:$0xc];
	[sflag:s23] =	ssyncadd.s32 $0xFFFFFF80  }
0x19d: {  	[tilespmem:s24], [sflag:$0x4] =	stream.linear.gather [hbm4b:s31+s3], $0x80, $0x38;
	[tilespmem:$0x1F860] =	vst v63  }
0x19e: {  	_ =	swait.ge [sflag:s23], $0x80  }
0x19f: {  	[sflag:s23] =	ssyncset.done $0x0  }
0x1a0: {  	[sflag:s23] =	ssyncadd.s32 $0xFFFFFF80  }
0x1a1: {  	[tilespmem:s11], [sflag:$0x1] =	stream.indirect.gather [hbm4b:s4+s10], $0x40, s3, s10, $0xb8;
	[tilespmem:$0x1F860] =	vst v63  }
0x1a2: {  	_ =	swait.ge [sflag:s17], $0x2000  }
0x1a3: {  	[sflag:s17] =	ssyncset.done $0x0  }
0x1a4: {  	[sflag:s17] =	ssyncadd.s32 $0xFFFFE000  }
0x1a5: {  	[spmem:s2] =	stream.indirect.scatter.add.f32 [tilespmem:s11], [sflag:$0x4], $0x40, s24, s10, $0xb8;
	[tilespmem:$0x1F860] =	vst v63  }
0x1a6: {  	_ =	swait.ge [sflag:s23], $0x2000  }
0x1a7: {  	[sflag:s23] =	ssyncset.done $0x0  }
0x1a8: {  	[sflag:s23] =	ssyncadd.s32 $0xFFFFE000  }
0x1a9: {  	v2 =	vld [tilespmem:$0x2700];
	_ =	sdelay $0x7  }
0x1aa: {  	[tilespmem:v2+s18+$0x0] =	vst.idx.add.f32.msk $0xffff, v1  }
0x1ab: {  	v2 =	vld [tilespmem:$0x2710];
	_ =	sdelay $0x7  }
0x1ac: {  	[tilespmem:v2+s18+$0x0] =	vst.idx.add.f32.msk $0xffff, v1  }
0x1ad: {  	v2 =	vld [tilespmem:$0x2720];
	_ =	sdelay $0x7  }
0x1ae: {  	[tilespmem:v2+s18+$0x0] =	vst.idx.add.f32.msk $0xffff, v1  }
0x1af: {  	v2 =	vld [tilespmem:$0x2730];
	_ =	sdelay $0x7  }
0x1b0: {  	[tilespmem:v2+s18+$0x0] =	vst.idx.add.f32.msk $0xffff, v1  }
0x1b1: {  	v2 =	vld [tilespmem:$0x2740];
	_ =	sdelay $0x7  }
0x1b2: {  	[tilespmem:v2+s18+$0x0] =	vst.idx.add.f32.msk $0xffff, v1  }
0x1b3: {  	v2 =	vld [tilespmem:$0x2750];
	_ =	sdelay $0x7  }
0x1b4: {  	[tilespmem:v2+s18+$0x0] =	vst.idx.add.f32.msk $0xffff, v1  }
0x1b5: {  	v2 =	vld [tilespmem:$0x2760];
	_ =	sdelay $0x7  }
0x1b6: {  	[tilespmem:v2+s18+$0x0] =	vst.idx.add.f32.msk $0xffff, v1  }
0x1b7: {  	v2 =	vld [tilespmem:$0x2770];
	_ =	sdelay $0x3  }
.Ltmp9:
0x1b8: {  	_ = 	snop;
	(pc) =	sbr.rel .LBB2_15-.Ltmp9, $2  }
0x1b9: {  	_ =	sdelay $0x2  }
0x1ba: {  	[tilespmem:v2+s18+$0x0] =	vst.idx.add.f32.msk $0xffff, v1  }
.LBB2_14:
.Ltmp10:
0x1bb: {  	(pc) =	sbr.rel @p2 .LBB2_18-.Ltmp10, $1  }
0x1bc: {  	_ =	sdelay $0x3  }
.LBB2_15:
0x1bd: {  	s28 =	simm.s32 $0x40;
	s29 =	simm.s32 $0x0  }
.LBB2_16:
0x1be: {  	p3 =	sne.s32 s28, $0x9C00;
	[tilespmem:s29+$0x13510] =	vst v0;
	s29 =	smov.u32 s28;
	s28 =	sadd.s32 $0x40, s28  }
.Ltmp11:
0x1bf: {  	(pc) =	sbr.rel @p3 .LBB2_16-.Ltmp11, $2  }
0x1c0: {  	_ =	sdelay $0x2  }
0x1c1: {  	s29 =	sshra.s32 s29, $0x2  }
.Ltmp12:
0x1c2: {  	_ = 	snop;
	(pc) =	sbr.rel .LBB2_17-.Ltmp12, $1  }
0x1c3: {  	_ =	sdelay $0x3  }
.LBB2_19:
0x1c4: {  	_ =	sfence.sel $0x180000  }
0x1c5: {  	[bflag:$0x0] =	sbarrier.arrive $0xFFFF  }
0x1c6: {  	_ =	strace $0x90000047  }
0x1c7: {  	s0 =	stileid.u32;
	[bflag:$0x2] =	sbarrier.arrive $0xFFFF  }
0x1c8: {  	p0 =	sne.s32 s0, $0x0;
	s0 =	rddreg [dreg:$0x3]  }
0x1c9: {  	s0 =	sadd.s32 @!p0 $0x100000, s0  }
0x1ca: {  	[sflag:s0] =	ssyncadd.tile.s32 @!p0 $0x1;
	_ =	shalt  }
.Lfunc_end2:
_tile_overlayer_lowered:
.L_overlay_start_2:
0x1cb: {  	(tag) =	ssettag $0x2  }
0x1cc: {  	s0 =	rddreg [dreg:$0x0];
	s2 =	stileid.u32  }
0x1cd: {  	s1 =	rddreg [dreg:$0x1];
	p0 =	sne.s32 s2, $0x0  }
0x1ce: {  	s3 =	rddreg [dreg:$0x2];
	[bflag:$0x3] =	sbarrier.arrive $0xFFFF;
	s2 =	simm.s32 @!p0 $0x1C04  }
0x1cf: {  	[timem:s3], [sflag:s2] =	dma.local @!p0 [hbm:s0], s1  }
0x1d0: {  	s0 =	simm.s32 @!p0 $0x4  }
0x1d1: {  	_ =	swait.ge @!p0 [sflag:s0], s1  }
0x1d2: {  	s1 =	ssub.s32 @!p0 $0x0, s1;
	[sflag:s0] =	ssyncset.done @!p0 $0x0  }
0x1d3: {  	[sflag:s0] =	ssyncadd.s32 @!p0 s1  }
0x1d4: {  	[bflag:$0x3] =	sbarrier.arrive $0xFFFF  }
0x1d5: {  	_ =	shalt  }

</sc_bundles>
